<compile_context>
chip_gen: v7x
topology: tpu7x:2x2x1
jax: 0.10.2.dev20260603
libtpu: 0.0.44.dev20260713+nightly
codegen_flags: <defaults>
</compile_context>

<pallas_src>
import functools

import jax
import jax.numpy as jnp
from jax import lax
from jax.experimental import pallas as pl
from jax.experimental.pallas import tpu as pltpu
from jax.experimental.pallas import tpu_sc as plsc

NC = 2
NS = 16
NW = NC * NS
LANE = 128
RING = 6
DEPTH = 3


def _round_up(v, m):
    return (v + m - 1) // m * m



def _make_deg_kernel(npad, cpt):
    rpt = npad // NS
    mesh = plsc.VectorSubcoreMesh(
        core_axis_name="c", subcore_axis_name="s",
        num_cores=NC, num_subcores=NS)

    @functools.partial(
        pl.kernel,
        out_type=jax.ShapeDtypeStruct((NC * npad,), jnp.float32),
        mesh=mesh,
        scratch_types=[
            pltpu.VMEM((cpt, LANE), jnp.int32),
            pltpu.VMEM((LANE,), jnp.float32),
            pltpu.VMEM_SHARED((npad,), jnp.float32),
            pltpu.SemaphoreType.DMA,
        ],
    )
    def deg_kernel(dst_hbm, zeros_hbm, ones_hbm, out_hbm, dst_v, ones_v, acc,
                   sem):
        c = lax.axis_index("c")
        s = lax.axis_index("s")
        w = c * NS + s
        pltpu.sync_copy(dst_hbm.at[w], dst_v)
        pltpu.sync_copy(ones_hbm, ones_v)
        pltpu.sync_copy(zeros_hbm.at[pl.ds(s * rpt, rpt)],
                        acc.at[pl.ds(s * rpt, rpt)])
        plsc.subcore_barrier()

        def fire(k, car):
            pltpu.async_copy(ones_v, acc.at[dst_v.at[k]], sem, add=True)
            return car

        lax.fori_loop(0, cpt, fire, 0)

        def drain(k, car):
            pltpu.make_async_copy(ones_v, acc.at[dst_v.at[k]], sem).wait()
            return car

        lax.fori_loop(0, cpt, drain, 0)
        plsc.subcore_barrier()
        pltpu.sync_copy(acc.at[pl.ds(s * rpt, rpt)],
                        out_hbm.at[pl.ds(c * npad + s * rpt, rpt)])

    return deg_kernel


def _make_agg_kernel(n, npad, cpt, feat, fuse_stage=False):
    rpt = npad // NS
    tpt = n // NS
    tab_rows = npad if fuse_stage else n
    mesh = plsc.VectorSubcoreMesh(
        core_axis_name="c", subcore_axis_name="s",
        num_cores=NC, num_subcores=NS)

    scratch = [
        pltpu.VMEM((cpt, LANE), jnp.int32),
        pltpu.VMEM((cpt, LANE), jnp.int32),
        pltpu.VMEM((RING, LANE, feat), jnp.float32),
        pltpu.VMEM_SHARED((npad, feat), jnp.float32),
        pltpu.VMEM_SHARED((tab_rows, feat), jnp.float32),
        pltpu.SemaphoreType.DMA((RING,)),
        pltpu.SemaphoreType.DMA((RING,)),
    ]
    if fuse_stage:
        scratch += [
            pltpu.VMEM((rpt, feat), jnp.float32),
            pltpu.VMEM((rpt, feat), jnp.float32),
            pltpu.VMEM((rpt, feat), jnp.float32),
            pltpu.VMEM((rpt, feat), jnp.float32),
            pltpu.VMEM((16,), jnp.float32),
        ]

    def _edge_pipeline(s, c, idx_v, dst_v, rows_v, acc, tab, gsems, ssems,
                       out_hbm):
        for b in range(DEPTH):
            pltpu.async_copy(tab.at[idx_v.at[b]], rows_v.at[b],
                             gsems.at[b])

        def group(g, car):
            for b in range(RING):
                j = g * RING + b
                bn = (b + DEPTH) % RING
                pltpu.make_async_copy(tab.at[idx_v.at[j]],
                                      rows_v.at[b], gsems.at[b]).wait()
                pltpu.async_copy(rows_v.at[b], acc.at[dst_v.at[j]],
                                 ssems.at[b], add=True)

                @pl.when(j >= DEPTH)
                def _retire():
                    pltpu.make_async_copy(rows_v.at[bn],
                                          acc.at[dst_v.at[j - DEPTH]],
                                          ssems.at[bn]).wait()

                @pl.when(j + DEPTH < cpt)
                def _fire():
                    pltpu.async_copy(tab.at[idx_v.at[j + DEPTH]],
                                     rows_v.at[bn], gsems.at[bn])
            return car

        lax.fori_loop(0, cpt // RING, group, 0)
        for t in range(cpt - DEPTH, cpt):
            pltpu.make_async_copy(rows_v.at[t % RING],
                                  acc.at[dst_v.at[t]],
                                  ssems.at[t % RING]).wait()
        plsc.subcore_barrier()
        pltpu.sync_copy(acc.at[pl.ds(s * rpt, rpt)],
                        out_hbm.at[c, pl.ds(s * rpt, rpt)])

    if not fuse_stage:
        @functools.partial(
            pl.kernel,
            out_type=jax.ShapeDtypeStruct((NC, npad, feat), jnp.float32),
            mesh=mesh, scratch_types=scratch,
            compiler_params=pltpu.CompilerParams(use_tc_tiling_on_sc=False),
        )
        def agg_kernel(table_hbm, src_hbm, dst_hbm, zeros_hbm, out_hbm,
                       idx_v, dst_v, rows_v, acc, tab, gsems, ssems):
            c = lax.axis_index("c")
            s = lax.axis_index("s")
            w = c * NS + s
            pltpu.sync_copy(src_hbm.at[w], idx_v)
            pltpu.sync_copy(dst_hbm.at[w], dst_v)
            pltpu.sync_copy(table_hbm.at[pl.ds(s * tpt, tpt)],
                            tab.at[pl.ds(s * tpt, tpt)])
            pltpu.sync_copy(zeros_hbm.at[pl.ds(s * rpt, rpt)],
                            acc.at[pl.ds(s * rpt, rpt)])
            plsc.subcore_barrier()
            _edge_pipeline(s, c, idx_v, dst_v, rows_v, acc, tab,
                           gsems, ssems, out_hbm)
        return agg_kernel

    @functools.partial(
        pl.kernel,
        out_type=jax.ShapeDtypeStruct((NC, npad, feat), jnp.float32),
        mesh=mesh, scratch_types=scratch,
        compiler_params=pltpu.CompilerParams(use_tc_tiling_on_sc=False),
    )
    def agg_fused_kernel(p_hbm, dinv_hbm, bias_hbm, src_hbm, dst_hbm,
                         zeros_hbm, out_hbm,
                         idx_v, dst_v, rows_v, acc, tab, gsems, ssems,
                         pa_v, pb_v, st_v, dv_v, b_v):
        c = lax.axis_index("c")
        s = lax.axis_index("s")
        w = c * NS + s
        r0 = s * rpt
        pltpu.sync_copy(src_hbm.at[w], idx_v)
        pltpu.sync_copy(dst_hbm.at[w], dst_v)
        pltpu.sync_copy(p_hbm.at[0, pl.ds(r0, rpt)], pa_v)
        pltpu.sync_copy(p_hbm.at[1, pl.ds(r0, rpt)], pb_v)
        pltpu.sync_copy(dinv_hbm.at[pl.ds(r0, rpt)], dv_v)
        pltpu.sync_copy(bias_hbm, b_v)
        pltpu.sync_copy(zeros_hbm.at[pl.ds(r0, rpt)],
                        acc.at[pl.ds(r0, rpt)])
        bias = b_v[...]

        def rowbody(r, car):
            d = dv_v[r]
            row = (pa_v[r] + pb_v[r]) * d + bias
            st_v[r] = jnp.maximum(row, 0.0) * d
            return car

        lax.fori_loop(0, rpt, rowbody, 0)
        pltpu.sync_copy(st_v, tab.at[pl.ds(r0, rpt)])
        plsc.subcore_barrier()
        _edge_pipeline(s, c, idx_v, dst_v, rows_v, acc, tab,
                       gsems, ssems, out_hbm)

    return agg_fused_kernel



def _tc1_body(x_ref, w_ref, d0_ref, d1_ref, hn_ref, dinv_ref):
    deg = d0_ref[...] + d1_ref[...]
    dinv = lax.rsqrt(deg)
    h = jnp.dot(x_ref[...], w_ref[...], preferred_element_type=jnp.float32)
    hn_ref[...] = h * dinv
    dinv_ref[...] = dinv


def _tc3_body(q0_ref, q1_ref, w_ref, b_ref, dinv_ref, out_ref):
    sagg = q0_ref[...] + q1_ref[...]
    t = (jnp.dot(sagg, w_ref[...], preferred_element_type=jnp.float32)
         * dinv_ref[...] + b_ref[...])
    m = jnp.max(t, axis=1, keepdims=True)
    lse = jnp.log(jnp.sum(jnp.exp(t - m), axis=1, keepdims=True))
    out_ref[...] = t - m - lse



def kernel(x, edge_index, W1, b1, W2, b2):
    n, d_in = x.shape
    h_dim = W1.shape[1]
    c_dim = W2.shape[1]
    e = edge_index.shape[1]
    et = e + n

    cpt = _round_up(-(-et // (NW * LANE)), RING)
    epad = NW * cpt * LANE
    rpt = _round_up(-(-(n + 1) // NS), 16)
    npad = rpt * NS

    f32 = jnp.float32
    i32 = jnp.int32
    loops = jnp.arange(n, dtype=i32)
    pad_dst = n + jnp.arange(epad - et, dtype=i32) % (npad - n)
    src = jnp.concatenate([edge_index[0], loops,
                           jnp.zeros((epad - et,), i32)]).reshape(NW, cpt, LANE)
    dst = jnp.concatenate([edge_index[1], loops,
                           pad_dst]).reshape(NW, cpt, LANE)
    zeros1 = jnp.zeros((npad,), f32)
    zeros2 = jnp.zeros((npad, h_dim), f32)
    ones = jnp.ones((LANE,), f32)

    deg_parts = _make_deg_kernel(npad, cpt)(dst, zeros1, ones).reshape(NC, npad)
    agg1 = _make_agg_kernel(n, npad, cpt, h_dim)
    agg2 = _make_agg_kernel(n, npad, cpt, h_dim, fuse_stage=True)

    blk = n
    grid = (1,)

    hn1, dinv = pl.pallas_call(
        _tc1_body,
        grid=grid,
        in_specs=[
            pl.BlockSpec((blk, d_in), lambda i: (i, 0)),
            pl.BlockSpec((d_in, h_dim), lambda i: (0, 0)),
            pl.BlockSpec((blk, 1), lambda i: (i, 0)),
            pl.BlockSpec((blk, 1), lambda i: (i, 0)),
        ],
        out_specs=[
            pl.BlockSpec((blk, h_dim), lambda i: (i, 0)),
            pl.BlockSpec((blk, 1), lambda i: (i, 0)),
        ],
        out_shape=[
            jax.ShapeDtypeStruct((n, h_dim), f32),
            jax.ShapeDtypeStruct((n, 1), f32),
        ],
    )(x, W1, deg_parts[0, :n, None], deg_parts[1, :n, None])

    p = agg1(hn1, src, dst, zeros2)

    dinv_rep = jnp.concatenate(
        [jnp.broadcast_to(dinv, (n, h_dim)),
         jnp.ones((npad - n, h_dim), f32)], axis=0)
    q = agg2(p, dinv_rep, b1, src, dst, zeros2)

    out = pl.pallas_call(
        _tc3_body,
        grid=grid,
        in_specs=[
            pl.BlockSpec((blk, h_dim), lambda i: (i, 0)),
            pl.BlockSpec((blk, h_dim), lambda i: (i, 0)),
            pl.BlockSpec((h_dim, c_dim), lambda i: (0, 0)),
            pl.BlockSpec((1, c_dim), lambda i: (0, 0)),
            pl.BlockSpec((blk, 1), lambda i: (i, 0)),
        ],
        out_specs=pl.BlockSpec((blk, c_dim), lambda i: (i, 0)),
        out_shape=jax.ShapeDtypeStruct((n, c_dim), f32),
    )(q[0, :n], q[1, :n], W2, b2[None, :], dinv)

    return out

# --- scband reference (transcript-rebuilt; emitter-appended) ---
"""Pipeline reference for scband-gcn-23356032155767 (READ-ONLY COPY).

The authoritative reference and input builder live on the scoring server;
editing this copy changes nothing except your own understanding.
"""

import jax, jax.numpy as jnp
import numpy as np

N = 10000
E = 320000
D_IN = 128
H = 16
C = 7


def setup_inputs(seed: int = 0) -> dict:
    key = jax.random.key(seed)
    k1, k2, k3, k4, k5, k6 = jax.random.split(key, 6)
    x = jax.random.normal(k1, (N, D_IN), dtype=jnp.float32)
    edge_index = jax.random.randint(k2, (2, E), 0, N, dtype=jnp.int32)
    W1 = jax.random.normal(k3, (D_IN, H), dtype=jnp.float32) * (1.0 / np.sqrt(D_IN))
    b1 = jnp.zeros((H,), dtype=jnp.float32)
    W2 = jax.random.normal(k4, (H, C), dtype=jnp.float32) * (1.0 / np.sqrt(H))
    b2 = jnp.zeros((C,), dtype=jnp.float32)
    return {"x": x, "edge_index": edge_index, "W1": W1, "b1": b1, "W2": W2, "b2": b2}


def _gcn_conv(x, W, b, src, dst):
    # GCNConv: h = D^{-1/2} (A + I) D^{-1/2} (x W) + b  (self-loops already in src/dst)
    h = x @ W
    ones = jnp.ones(src.shape[0], dtype=h.dtype)
    deg = jax.ops.segment_sum(ones, dst, num_segments=N)
    dinv = jnp.where(deg > 0, jax.lax.rsqrt(deg), 0.0)
    norm = dinv[src] * dinv[dst]
    msg = h[src] * norm[:, None]
    agg = jax.ops.segment_sum(msg, dst, num_segments=N)
    return agg + b


def reference(x, edge_index, W1, b1, W2, b2):
    # add self-loops as in PyG GCNConv default
    loops = jnp.arange(N, dtype=edge_index.dtype)
    src = jnp.concatenate([edge_index[0], loops])
    dst = jnp.concatenate([edge_index[1], loops])
    h = _gcn_conv(x, W1, b1, src, dst)
    h = jax.nn.relu(h)
    # F.dropout(training=self.training): identity in eval mode
    h = _gcn_conv(h, W2, b2, src, dst)
    return jax.nn.log_softmax(h, axis=1)

if __name__ == "__main__":
    import jax
    _d = setup_inputs()
    print(jax.jit(kernel)(*tuple(_d.values())))

</pallas_src>

<mosaic_0001>
#map = affine_map<(d0, d1) -> (0, 0)>
#map1 = affine_map<(d0, d1) -> (0, 0, 0)>
module attributes {stable_mosaic.version = 14 : i64} {
  func.func @agg_kernel(%arg0: i32, %arg1: i32, %arg2: memref<10000x16xf32, #tpu.memory_space<hbm>>, %arg3: memref<32x84x128xi32, #tpu.memory_space<hbm>>, %arg4: memref<32x84x128xi32, #tpu.memory_space<hbm>>, %arg5: memref<10240x16xf32, #tpu.memory_space<hbm>>, %arg6: memref<2x10240x16xf32, #tpu.memory_space<hbm>>, %arg7: memref<84x128xi32, #tpu.memory_space<vmem>>, %arg8: memref<84x128xi32, #tpu.memory_space<vmem>>, %arg9: memref<6x128x16xf32, #tpu.memory_space<vmem>>, %arg10: memref<10240x16xf32, #tpu.memory_space<vmem_shared>>, %arg11: memref<10000x16xf32, #tpu.memory_space<vmem_shared>>, %arg12: memref<6x!tpu.dma_semaphore, #tpu.memory_space<semaphore_mem>>, %arg13: memref<6x!tpu.dma_semaphore, #tpu.memory_space<semaphore_mem>>) attributes {dimension_semantics = [#tpu.dimension_semantics<core_parallel>, #tpu.dimension_semantics<subcore_parallel>], iteration_bounds = array<i64: 2, 16>, scalar_prefetch = 0 : i64, scratch_operands = 7 : i64, tpu.core_type = #tpu.core_type<sc_vector_subcore>, window_params = [{transform_indices = #map}, {transform_indices = #map1}, {transform_indices = #map1}, {transform_indices = #map}, {transform_indices = #map1}]} {
    %mul3A = arith.constant 16 : i32
    %mul3A_0 = arith.muli %arg0, %mul3A : i32
    %add3A = arith.addi %mul3A_0, %arg1 : i32
    "tpu.region"() ({
      %run_scoped3A = tpu.sem_alloc : memref<!tpu.dma_semaphore, #tpu.memory_space<semaphore_mem>>
      %dma_start3A_107 = arith.constant 0 : i32
      %dma_start3A_108 = arith.constant 0 : i32
      %dma_start3A_109 = tpu.memref_slice %arg3[%add3A, %dma_start3A_107, %dma_start3A_108] : memref<32x84x128xi32, #tpu.memory_space<hbm>> -> memref<1x84x128xi32, #tpu.memory_space<hbm>>
      %dma_start3A_110 = tpu.memref_squeeze %dma_start3A_109 : memref<1x84x128xi32, #tpu.memory_space<hbm>> -> memref<84x128xi32, #tpu.memory_space<hbm>>
      %dma_start3A_111 = arith.constant 0 : i32
      %dma_start3A_112 = arith.constant 0 : i32
      %dma_start3A_113 = tpu.memref_slice %arg3[%add3A, %dma_start3A_111, %dma_start3A_112] : memref<32x84x128xi32, #tpu.memory_space<hbm>> -> memref<1x84x128xi32, #tpu.memory_space<hbm>>
      %dma_start3A_114 = tpu.memref_squeeze %dma_start3A_113 : memref<1x84x128xi32, #tpu.memory_space<hbm>> -> memref<84x128xi32, #tpu.memory_space<hbm>>
      tpu.enqueue_dma source(%dma_start3A_114 : memref<84x128xi32, #tpu.memory_space<hbm>>) target(%arg7 : memref<84x128xi32, #tpu.memory_space<vmem>>) target_semaphore(%run_scoped3A : memref<!tpu.dma_semaphore, #tpu.memory_space<semaphore_mem>>)
      %dma_wait3A_115 = arith.constant 0 : i32
      %dma_wait3A_116 = arith.constant 0 : i32
      %dma_wait3A_117 = tpu.memref_slice %arg3[%add3A, %dma_wait3A_115, %dma_wait3A_116] : memref<32x84x128xi32, #tpu.memory_space<hbm>> -> memref<1x84x128xi32, #tpu.memory_space<hbm>>
      %dma_wait3A_118 = tpu.memref_squeeze %dma_wait3A_117 : memref<1x84x128xi32, #tpu.memory_space<hbm>> -> memref<84x128xi32, #tpu.memory_space<hbm>>
      %dma_wait3A_119 = arith.constant 0 : i32
      %dma_wait3A_120 = arith.constant 0 : i32
      %dma_wait3A_121 = tpu.memref_slice %arg3[%add3A, %dma_wait3A_119, %dma_wait3A_120] : memref<32x84x128xi32, #tpu.memory_space<hbm>> -> memref<1x84x128xi32, #tpu.memory_space<hbm>>
      %dma_wait3A_122 = tpu.memref_squeeze %dma_wait3A_121 : memref<1x84x128xi32, #tpu.memory_space<hbm>> -> memref<84x128xi32, #tpu.memory_space<hbm>>
      tpu.wait_dma2 semaphore(%run_scoped3A : memref<!tpu.dma_semaphore, #tpu.memory_space<semaphore_mem>>) src(%dma_wait3A_122 : memref<84x128xi32, #tpu.memory_space<hbm>>) dst(%arg7 : memref<84x128xi32, #tpu.memory_space<vmem>>)
      tpu.yield
    }) : () -> ()
    "tpu.region"() ({
      %run_scoped3A = tpu.sem_alloc : memref<!tpu.dma_semaphore, #tpu.memory_space<semaphore_mem>>
      %dma_start3A_107 = arith.constant 0 : i32
      %dma_start3A_108 = arith.constant 0 : i32
      %dma_start3A_109 = tpu.memref_slice %arg4[%add3A, %dma_start3A_107, %dma_start3A_108] : memref<32x84x128xi32, #tpu.memory_space<hbm>> -> memref<1x84x128xi32, #tpu.memory_space<hbm>>
      %dma_start3A_110 = tpu.memref_squeeze %dma_start3A_109 : memref<1x84x128xi32, #tpu.memory_space<hbm>> -> memref<84x128xi32, #tpu.memory_space<hbm>>
      %dma_start3A_111 = arith.constant 0 : i32
      %dma_start3A_112 = arith.constant 0 : i32
      %dma_start3A_113 = tpu.memref_slice %arg4[%add3A, %dma_start3A_111, %dma_start3A_112] : memref<32x84x128xi32, #tpu.memory_space<hbm>> -> memref<1x84x128xi32, #tpu.memory_space<hbm>>
      %dma_start3A_114 = tpu.memref_squeeze %dma_start3A_113 : memref<1x84x128xi32, #tpu.memory_space<hbm>> -> memref<84x128xi32, #tpu.memory_space<hbm>>
      tpu.enqueue_dma source(%dma_start3A_114 : memref<84x128xi32, #tpu.memory_space<hbm>>) target(%arg8 : memref<84x128xi32, #tpu.memory_space<vmem>>) target_semaphore(%run_scoped3A : memref<!tpu.dma_semaphore, #tpu.memory_space<semaphore_mem>>)
      %dma_wait3A_115 = arith.constant 0 : i32
      %dma_wait3A_116 = arith.constant 0 : i32
      %dma_wait3A_117 = tpu.memref_slice %arg4[%add3A, %dma_wait3A_115, %dma_wait3A_116] : memref<32x84x128xi32, #tpu.memory_space<hbm>> -> memref<1x84x128xi32, #tpu.memory_space<hbm>>
      %dma_wait3A_118 = tpu.memref_squeeze %dma_wait3A_117 : memref<1x84x128xi32, #tpu.memory_space<hbm>> -> memref<84x128xi32, #tpu.memory_space<hbm>>
      %dma_wait3A_119 = arith.constant 0 : i32
      %dma_wait3A_120 = arith.constant 0 : i32
      %dma_wait3A_121 = tpu.memref_slice %arg4[%add3A, %dma_wait3A_119, %dma_wait3A_120] : memref<32x84x128xi32, #tpu.memory_space<hbm>> -> memref<1x84x128xi32, #tpu.memory_space<hbm>>
      %dma_wait3A_122 = tpu.memref_squeeze %dma_wait3A_121 : memref<1x84x128xi32, #tpu.memory_space<hbm>> -> memref<84x128xi32, #tpu.memory_space<hbm>>
      tpu.wait_dma2 semaphore(%run_scoped3A : memref<!tpu.dma_semaphore, #tpu.memory_space<semaphore_mem>>) src(%dma_wait3A_122 : memref<84x128xi32, #tpu.memory_space<hbm>>) dst(%arg8 : memref<84x128xi32, #tpu.memory_space<vmem>>)
      tpu.yield
    }) : () -> ()
    %mul3A_1 = arith.constant 625 : i32
    %mul3A_2 = arith.muli %arg1, %mul3A_1 : i32
    %mul3A_3 = arith.constant 625 : i32
    %mul3A_4 = arith.muli %arg1, %mul3A_3 : i32
    "tpu.region"() ({
      %run_scoped3A = tpu.sem_alloc : memref<!tpu.dma_semaphore, #tpu.memory_space<semaphore_mem>>
      %dma_start3A_107 = arith.constant 0 : i32
      %dma_start3A_108 = tpu.memref_slice %arg11[%mul3A_4, %dma_start3A_107] : memref<10000x16xf32, #tpu.memory_space<vmem_shared>> -> memref<625x16xf32, #tpu.memory_space<vmem_shared>>
      %dma_start3A_109 = arith.constant 0 : i32
      %dma_start3A_110 = tpu.memref_slice %arg2[%mul3A_2, %dma_start3A_109] : memref<10000x16xf32, #tpu.memory_space<hbm>> -> memref<625x16xf32, #tpu.memory_space<hbm>>
      tpu.enqueue_dma source(%dma_start3A_110 : memref<625x16xf32, #tpu.memory_space<hbm>>) target(%dma_start3A_108 : memref<625x16xf32, #tpu.memory_space<vmem_shared>>) target_semaphore(%run_scoped3A : memref<!tpu.dma_semaphore, #tpu.memory_space<semaphore_mem>>)
      %dma_wait3A_111 = arith.constant 0 : i32
      %dma_wait3A_112 = tpu.memref_slice %arg11[%mul3A_4, %dma_wait3A_111] : memref<10000x16xf32, #tpu.memory_space<vmem_shared>> -> memref<625x16xf32, #tpu.memory_space<vmem_shared>>
      %dma_wait3A_113 = arith.constant 0 : i32
      %dma_wait3A_114 = tpu.memref_slice %arg2[%mul3A_2, %dma_wait3A_113] : memref<10000x16xf32, #tpu.memory_space<hbm>> -> memref<625x16xf32, #tpu.memory_space<hbm>>
      tpu.wait_dma2 semaphore(%run_scoped3A : memref<!tpu.dma_semaphore, #tpu.memory_space<semaphore_mem>>) src(%dma_wait3A_114 : memref<625x16xf32, #tpu.memory_space<hbm>>) dst(%dma_wait3A_112 : memref<625x16xf32, #tpu.memory_space<vmem_shared>>)
      tpu.yield
    }) : () -> ()
    %mul3A_5 = arith.constant 640 : i32
    %mul3A_6 = arith.muli %arg1, %mul3A_5 : i32
    %mul3A_7 = arith.constant 640 : i32
    %mul3A_8 = arith.muli %arg1, %mul3A_7 : i32
    "tpu.region"() ({
      %run_scoped3A = tpu.sem_alloc : memref<!tpu.dma_semaphore, #tpu.memory_space<semaphore_mem>>
      %dma_start3A_107 = arith.constant 0 : i32
      %dma_start3A_108 = tpu.memref_slice %arg10[%mul3A_8, %dma_start3A_107] : memref<10240x16xf32, #tpu.memory_space<vmem_shared>> -> memref<640x16xf32, #tpu.memory_space<vmem_shared>>
      %dma_start3A_109 = arith.constant 0 : i32
      %dma_start3A_110 = tpu.memref_slice %arg5[%mul3A_6, %dma_start3A_109] : memref<10240x16xf32, #tpu.memory_space<hbm>> -> memref<640x16xf32, #tpu.memory_space<hbm>>
      tpu.enqueue_dma source(%dma_start3A_110 : memref<640x16xf32, #tpu.memory_space<hbm>>) target(%dma_start3A_108 : memref<640x16xf32, #tpu.memory_space<vmem_shared>>) target_semaphore(%run_scoped3A : memref<!tpu.dma_semaphore, #tpu.memory_space<semaphore_mem>>)
      %dma_wait3A_111 = arith.constant 0 : i32
      %dma_wait3A_112 = tpu.memref_slice %arg10[%mul3A_8, %dma_wait3A_111] : memref<10240x16xf32, #tpu.memory_space<vmem_shared>> -> memref<640x16xf32, #tpu.memory_space<vmem_shared>>
      %dma_wait3A_113 = arith.constant 0 : i32
      %dma_wait3A_114 = tpu.memref_slice %arg5[%mul3A_6, %dma_wait3A_113] : memref<10240x16xf32, #tpu.memory_space<hbm>> -> memref<640x16xf32, #tpu.memory_space<hbm>>
      tpu.wait_dma2 semaphore(%run_scoped3A : memref<!tpu.dma_semaphore, #tpu.memory_space<semaphore_mem>>) src(%dma_wait3A_114 : memref<640x16xf32, #tpu.memory_space<hbm>>) dst(%dma_wait3A_112 : memref<640x16xf32, #tpu.memory_space<vmem_shared>>)
      tpu.yield
    }) : () -> ()
    %barrier3A = arith.constant 0 : index
    tpu.barrier barrier_id(%barrier3A)
    %dma_start3A = arith.constant 0 : i32
    %dma_start3A_9 = arith.constant 0 : i32
    %dma_start3A_10 = arith.constant 0 : i32
    %dma_start3A_11 = arith.constant 0 : i32
    %dma_start3A_12 = arith.constant 0 : i32
    %dma_start3A_13 = tpu.memref_slice %arg9[%dma_start3A_9, %dma_start3A_11, %dma_start3A_12] : memref<6x128x16xf32, #tpu.memory_space<vmem>> -> memref<1x128x16xf32, #tpu.memory_space<vmem>>
    %dma_start3A_14 = tpu.memref_squeeze %dma_start3A_13 : memref<1x128x16xf32, #tpu.memory_space<vmem>> -> memref<128x16xf32, #tpu.memory_space<vmem>>
    %dma_start3A_15 = arith.constant 0 : i32
    %dma_start3A_16 = tpu.memref_slice %arg7[%dma_start3A, %dma_start3A_15] : memref<84x128xi32, #tpu.memory_space<vmem>> -> memref<1x128xi32, #tpu.memory_space<vmem>>
    %dma_start3A_17 = tpu.memref_squeeze %dma_start3A_16 : memref<1x128xi32, #tpu.memory_space<vmem>> -> memref<128xi32, #tpu.memory_space<vmem>>
    %dma_start3A_18 = arith.constant 0 : i32
    %dma_start3A_19 = arith.constant 0 : i32
    %dma_start3A_20 = tpu.memref_slice %arg11[%dma_start3A_18, %dma_start3A_19] : memref<10000x16xf32, #tpu.memory_space<vmem_shared>> -> memref<10000x16xf32, #tpu.memory_space<vmem_shared>>
    %dma_start3A_21 = tpu.memref_slice %arg12[%dma_start3A_10] : memref<6x!tpu.dma_semaphore, #tpu.memory_space<semaphore_mem>> -> memref<1x!tpu.dma_semaphore, #tpu.memory_space<semaphore_mem>>
    %dma_start3A_22 = tpu.memref_squeeze %dma_start3A_21 : memref<1x!tpu.dma_semaphore, #tpu.memory_space<semaphore_mem>> -> memref<!tpu.dma_semaphore, #tpu.memory_space<semaphore_mem>>
    tpu.enqueue_indirect_dma source(%dma_start3A_20 : memref<10000x16xf32, #tpu.memory_space<vmem_shared>>) target(%dma_start3A_14 : memref<128x16xf32, #tpu.memory_space<vmem>>) offsets(%dma_start3A_17 : memref<128xi32, #tpu.memory_space<vmem>>) semaphore(%dma_start3A_22 : memref<!tpu.dma_semaphore, #tpu.memory_space<semaphore_mem>>)
    %dma_start3A_23 = arith.constant 1 : i32
    %dma_start3A_24 = arith.constant 1 : i32
    %dma_start3A_25 = arith.constant 1 : i32
    %dma_start3A_26 = arith.constant 0 : i32
    %dma_start3A_27 = arith.constant 0 : i32
    %dma_start3A_28 = tpu.memref_slice %arg9[%dma_start3A_24, %dma_start3A_26, %dma_start3A_27] : memref<6x128x16xf32, #tpu.memory_space<vmem>> -> memref<1x128x16xf32, #tpu.memory_space<vmem>>
    %dma_start3A_29 = tpu.memref_squeeze %dma_start3A_28 : memref<1x128x16xf32, #tpu.memory_space<vmem>> -> memref<128x16xf32, #tpu.memory_space<vmem>>
    %dma_start3A_30 = arith.constant 0 : i32
    %dma_start3A_31 = tpu.memref_slice %arg7[%dma_start3A_23, %dma_start3A_30] : memref<84x128xi32, #tpu.memory_space<vmem>> -> memref<1x128xi32, #tpu.memory_space<vmem>>
    %dma_start3A_32 = tpu.memref_squeeze %dma_start3A_31 : memref<1x128xi32, #tpu.memory_space<vmem>> -> memref<128xi32, #tpu.memory_space<vmem>>
    %dma_start3A_33 = arith.constant 0 : i32
    %dma_start3A_34 = arith.constant 0 : i32
    %dma_start3A_35 = tpu.memref_slice %arg11[%dma_start3A_33, %dma_start3A_34] : memref<10000x16xf32, #tpu.memory_space<vmem_shared>> -> memref<10000x16xf32, #tpu.memory_space<vmem_shared>>
    %dma_start3A_36 = tpu.memref_slice %arg12[%dma_start3A_25] : memref<6x!tpu.dma_semaphore, #tpu.memory_space<semaphore_mem>> -> memref<1x!tpu.dma_semaphore, #tpu.memory_space<semaphore_mem>>
    %dma_start3A_37 = tpu.memref_squeeze %dma_start3A_36 : memref<1x!tpu.dma_semaphore, #tpu.memory_space<semaphore_mem>> -> memref<!tpu.dma_semaphore, #tpu.memory_space<semaphore_mem>>
    tpu.enqueue_indirect_dma source(%dma_start3A_35 : memref<10000x16xf32, #tpu.memory_space<vmem_shared>>) target(%dma_start3A_29 : memref<128x16xf32, #tpu.memory_space<vmem>>) offsets(%dma_start3A_32 : memref<128xi32, #tpu.memory_space<vmem>>) semaphore(%dma_start3A_37 : memref<!tpu.dma_semaphore, #tpu.memory_space<semaphore_mem>>)
    %dma_start3A_38 = arith.constant 2 : i32
    %dma_start3A_39 = arith.constant 2 : i32
    %dma_start3A_40 = arith.constant 2 : i32
    %dma_start3A_41 = arith.constant 0 : i32
    %dma_start3A_42 = arith.constant 0 : i32
    %dma_start3A_43 = tpu.memref_slice %arg9[%dma_start3A_39, %dma_start3A_41, %dma_start3A_42] : memref<6x128x16xf32, #tpu.memory_space<vmem>> -> memref<1x128x16xf32, #tpu.memory_space<vmem>>
    %dma_start3A_44 = tpu.memref_squeeze %dma_start3A_43 : memref<1x128x16xf32, #tpu.memory_space<vmem>> -> memref<128x16xf32, #tpu.memory_space<vmem>>
    %dma_start3A_45 = arith.constant 0 : i32
    %dma_start3A_46 = tpu.memref_slice %arg7[%dma_start3A_38, %dma_start3A_45] : memref<84x128xi32, #tpu.memory_space<vmem>> -> memref<1x128xi32, #tpu.memory_space<vmem>>
    %dma_start3A_47 = tpu.memref_squeeze %dma_start3A_46 : memref<1x128xi32, #tpu.memory_space<vmem>> -> memref<128xi32, #tpu.memory_space<vmem>>
    %dma_start3A_48 = arith.constant 0 : i32
    %dma_start3A_49 = arith.constant 0 : i32
    %dma_start3A_50 = tpu.memref_slice %arg11[%dma_start3A_48, %dma_start3A_49] : memref<10000x16xf32, #tpu.memory_space<vmem_shared>> -> memref<10000x16xf32, #tpu.memory_space<vmem_shared>>
    %dma_start3A_51 = tpu.memref_slice %arg12[%dma_start3A_40] : memref<6x!tpu.dma_semaphore, #tpu.memory_space<semaphore_mem>> -> memref<1x!tpu.dma_semaphore, #tpu.memory_space<semaphore_mem>>
    %dma_start3A_52 = tpu.memref_squeeze %dma_start3A_51 : memref<1x!tpu.dma_semaphore, #tpu.memory_space<semaphore_mem>> -> memref<!tpu.dma_semaphore, #tpu.memory_space<semaphore_mem>>
    tpu.enqueue_indirect_dma source(%dma_start3A_50 : memref<10000x16xf32, #tpu.memory_space<vmem_shared>>) target(%dma_start3A_44 : memref<128x16xf32, #tpu.memory_space<vmem>>) offsets(%dma_start3A_47 : memref<128xi32, #tpu.memory_space<vmem>>) semaphore(%dma_start3A_52 : memref<!tpu.dma_semaphore, #tpu.memory_space<semaphore_mem>>)
    %scan3A = arith.constant 0 : i32
    %scan3A_53 = arith.constant 0 : i32
    %scan3A_54 = arith.constant 14 : i32
    %scan3A_55 = arith.addi %scan3A_53, %scan3A_54 : i32
    %scan3A_56 = arith.constant 1 : i32
    scf.for %scan3A_107 = %scan3A_53 to %scan3A_55 step %scan3A_56  : i32 {
      %mul3A_108 = arith.constant 6 : i32
      %mul3A_109 = arith.muli %scan3A_107, %mul3A_108 : i32
      %add3A_110 = arith.constant 0 : i32
      %add3A_111 = arith.addi %mul3A_109, %add3A_110 : i32
      %dma_wait3A_112 = arith.constant 0 : i32
      %dma_wait3A_113 = arith.constant 0 : i32
      %dma_wait3A_114 = arith.constant 0 : i32
      %dma_wait3A_115 = arith.constant 0 : i32
      %dma_wait3A_116 = tpu.memref_slice %arg9[%dma_wait3A_112, %dma_wait3A_114, %dma_wait3A_115] : memref<6x128x16xf32, #tpu.memory_space<vmem>> -> memref<1x128x16xf32, #tpu.memory_space<vmem>>
      %dma_wait3A_117 = tpu.memref_squeeze %dma_wait3A_116 : memref<1x128x16xf32, #tpu.memory_space<vmem>> -> memref<128x16xf32, #tpu.memory_space<vmem>>
      %dma_wait3A_118 = arith.constant 0 : i32
      %dma_wait3A_119 = tpu.memref_slice %arg7[%add3A_111, %dma_wait3A_118] : memref<84x128xi32, #tpu.memory_space<vmem>> -> memref<1x128xi32, #tpu.memory_space<vmem>>
      %dma_wait3A_120 = tpu.memref_squeeze %dma_wait3A_119 : memref<1x128xi32, #tpu.memory_space<vmem>> -> memref<128xi32, #tpu.memory_space<vmem>>
      %dma_wait3A_121 = arith.constant 0 : i32
      %dma_wait3A_122 = arith.constant 0 : i32
      %dma_wait3A_123 = tpu.memref_slice %arg11[%dma_wait3A_121, %dma_wait3A_122] : memref<10000x16xf32, #tpu.memory_space<vmem_shared>> -> memref<10000x16xf32, #tpu.memory_space<vmem_shared>>
      %dma_wait3A_124 = tpu.memref_slice %arg12[%dma_wait3A_113] : memref<6x!tpu.dma_semaphore, #tpu.memory_space<semaphore_mem>> -> memref<1x!tpu.dma_semaphore, #tpu.memory_space<semaphore_mem>>
      %dma_wait3A_125 = tpu.memref_squeeze %dma_wait3A_124 : memref<1x!tpu.dma_semaphore, #tpu.memory_space<semaphore_mem>> -> memref<!tpu.dma_semaphore, #tpu.memory_space<semaphore_mem>>
      tpu.wait_indirect_dma semaphore(%dma_wait3A_125 : memref<!tpu.dma_semaphore, #tpu.memory_space<semaphore_mem>>) src(%dma_wait3A_123 : memref<10000x16xf32, #tpu.memory_space<vmem_shared>>) dst(%dma_wait3A_117 : memref<128x16xf32, #tpu.memory_space<vmem>>)
      %dma_start3A_126 = arith.constant 0 : i32
      %dma_start3A_127 = arith.constant 0 : i32
      %dma_start3A_128 = arith.constant 0 : i32
      %dma_start3A_129 = arith.constant 0 : i32
      %dma_start3A_130 = tpu.memref_slice %arg9[%dma_start3A_126, %dma_start3A_128, %dma_start3A_129] : memref<6x128x16xf32, #tpu.memory_space<vmem>> -> memref<1x128x16xf32, #tpu.memory_space<vmem>>
      %dma_start3A_131 = tpu.memref_squeeze %dma_start3A_130 : memref<1x128x16xf32, #tpu.memory_space<vmem>> -> memref<128x16xf32, #tpu.memory_space<vmem>>
      %dma_start3A_132 = arith.constant 0 : i32
      %dma_start3A_133 = tpu.memref_slice %arg8[%add3A_111, %dma_start3A_132] : memref<84x128xi32, #tpu.memory_space<vmem>> -> memref<1x128xi32, #tpu.memory_space<vmem>>
      %dma_start3A_134 = tpu.memref_squeeze %dma_start3A_133 : memref<1x128xi32, #tpu.memory_space<vmem>> -> memref<128xi32, #tpu.memory_space<vmem>>
      %dma_start3A_135 = arith.constant 0 : i32
      %dma_start3A_136 = arith.constant 0 : i32
      %dma_start3A_137 = tpu.memref_slice %arg10[%dma_start3A_135, %dma_start3A_136] : memref<10240x16xf32, #tpu.memory_space<vmem_shared>> -> memref<10240x16xf32, #tpu.memory_space<vmem_shared>>
      %dma_start3A_138 = tpu.memref_slice %arg13[%dma_start3A_127] : memref<6x!tpu.dma_semaphore, #tpu.memory_space<semaphore_mem>> -> memref<1x!tpu.dma_semaphore, #tpu.memory_space<semaphore_mem>>
      %dma_start3A_139 = tpu.memref_squeeze %dma_start3A_138 : memref<1x!tpu.dma_semaphore, #tpu.memory_space<semaphore_mem>> -> memref<!tpu.dma_semaphore, #tpu.memory_space<semaphore_mem>>
      tpu.enqueue_indirect_dma source(%dma_start3A_131 : memref<128x16xf32, #tpu.memory_space<vmem>>) target(%dma_start3A_137 : memref<10240x16xf32, #tpu.memory_space<vmem_shared>>) offsets(%dma_start3A_134 : memref<128xi32, #tpu.memory_space<vmem>>) semaphore(%dma_start3A_139 : memref<!tpu.dma_semaphore, #tpu.memory_space<semaphore_mem>>) {add = true}
      %ge3A = arith.constant 3 : i32
      %ge3A_140 = arith.cmpi sge, %add3A_111, %ge3A : i32
      %convert_element_type3A = arith.extui %ge3A_140 : i1 to i32
      %cond3A = arith.constant 0 : i32
      %cond3A_141 = arith.cmpi ne, %convert_element_type3A, %cond3A : i32
      scf.if %cond3A_141 {
        %sub3A = arith.constant 3 : i32
        %sub3A_368 = arith.subi %add3A_111, %sub3A : i32
        %dma_wait3A_369 = arith.constant 3 : i32
        %dma_wait3A_370 = arith.constant 3 : i32
        %dma_wait3A_371 = arith.constant 0 : i32
        %dma_wait3A_372 = arith.constant 0 : i32
        %dma_wait3A_373 = tpu.memref_slice %arg9[%dma_wait3A_369, %dma_wait3A_371, %dma_wait3A_372] : memref<6x128x16xf32, #tpu.memory_space<vmem>> -> memref<1x128x16xf32, #tpu.memory_space<vmem>>
        %dma_wait3A_374 = tpu.memref_squeeze %dma_wait3A_373 : memref<1x128x16xf32, #tpu.memory_space<vmem>> -> memref<128x16xf32, #tpu.memory_space<vmem>>
        %dma_wait3A_375 = arith.constant 0 : i32
        %dma_wait3A_376 = tpu.memref_slice %arg8[%sub3A_368, %dma_wait3A_375] : memref<84x128xi32, #tpu.memory_space<vmem>> -> memref<1x128xi32, #tpu.memory_space<vmem>>
        %dma_wait3A_377 = tpu.memref_squeeze %dma_wait3A_376 : memref<1x128xi32, #tpu.memory_space<vmem>> -> memref<128xi32, #tpu.memory_space<vmem>>
        %dma_wait3A_378 = arith.constant 0 : i32
        %dma_wait3A_379 = arith.constant 0 : i32
        %dma_wait3A_380 = tpu.memref_slice %arg10[%dma_wait3A_378, %dma_wait3A_379] : memref<10240x16xf32, #tpu.memory_space<vmem_shared>> -> memref<10240x16xf32, #tpu.memory_space<vmem_shared>>
        %dma_wait3A_381 = tpu.memref_slice %arg13[%dma_wait3A_370] : memref<6x!tpu.dma_semaphore, #tpu.memory_space<semaphore_mem>> -> memref<1x!tpu.dma_semaphore, #tpu.memory_space<semaphore_mem>>
        %dma_wait3A_382 = tpu.memref_squeeze %dma_wait3A_381 : memref<1x!tpu.dma_semaphore, #tpu.memory_space<semaphore_mem>> -> memref<!tpu.dma_semaphore, #tpu.memory_space<semaphore_mem>>
        tpu.wait_indirect_dma semaphore(%dma_wait3A_382 : memref<!tpu.dma_semaphore, #tpu.memory_space<semaphore_mem>>) src(%dma_wait3A_374 : memref<128x16xf32, #tpu.memory_space<vmem>>) dst(%dma_wait3A_380 : memref<10240x16xf32, #tpu.memory_space<vmem_shared>>)
      } else {
      }
      %add3A_142 = arith.constant 3 : i32
      %add3A_143 = arith.addi %add3A_111, %add3A_142 : i32
      %lt3A = arith.constant 84 : i32
      %lt3A_144 = arith.cmpi slt, %add3A_143, %lt3A : i32
      %convert_element_type3A_145 = arith.extui %lt3A_144 : i1 to i32
      %cond3A_146 = arith.constant 0 : i32
      %cond3A_147 = arith.cmpi ne, %convert_element_type3A_145, %cond3A_146 : i32
      scf.if %cond3A_147 {
        %add3A_368 = arith.constant 3 : i32
        %add3A_369 = arith.addi %add3A_111, %add3A_368 : i32
        %dma_start3A_370 = arith.constant 3 : i32
        %dma_start3A_371 = arith.constant 3 : i32
        %dma_start3A_372 = arith.constant 0 : i32
        %dma_start3A_373 = arith.constant 0 : i32
        %dma_start3A_374 = tpu.memref_slice %arg9[%dma_start3A_370, %dma_start3A_372, %dma_start3A_373] : memref<6x128x16xf32, #tpu.memory_space<vmem>> -> memref<1x128x16xf32, #tpu.memory_space<vmem>>
        %dma_start3A_375 = tpu.memref_squeeze %dma_start3A_374 : memref<1x128x16xf32, #tpu.memory_space<vmem>> -> memref<128x16xf32, #tpu.memory_space<vmem>>
        %dma_start3A_376 = arith.constant 0 : i32
        %dma_start3A_377 = tpu.memref_slice %arg7[%add3A_369, %dma_start3A_376] : memref<84x128xi32, #tpu.memory_space<vmem>> -> memref<1x128xi32, #tpu.memory_space<vmem>>
        %dma_start3A_378 = tpu.memref_squeeze %dma_start3A_377 : memref<1x128xi32, #tpu.memory_space<vmem>> -> memref<128xi32, #tpu.memory_space<vmem>>
        %dma_start3A_379 = arith.constant 0 : i32
        %dma_start3A_380 = arith.constant 0 : i32
        %dma_start3A_381 = tpu.memref_slice %arg11[%dma_start3A_379, %dma_start3A_380] : memref<10000x16xf32, #tpu.memory_space<vmem_shared>> -> memref<10000x16xf32, #tpu.memory_space<vmem_shared>>
        %dma_start3A_382 = tpu.memref_slice %arg12[%dma_start3A_371] : memref<6x!tpu.dma_semaphore, #tpu.memory_space<semaphore_mem>> -> memref<1x!tpu.dma_semaphore, #tpu.memory_space<semaphore_mem>>
        %dma_start3A_383 = tpu.memref_squeeze %dma_start3A_382 : memref<1x!tpu.dma_semaphore, #tpu.memory_space<semaphore_mem>> -> memref<!tpu.dma_semaphore, #tpu.memory_space<semaphore_mem>>
        tpu.enqueue_indirect_dma source(%dma_start3A_381 : memref<10000x16xf32, #tpu.memory_space<vmem_shared>>) target(%dma_start3A_375 : memref<128x16xf32, #tpu.memory_space<vmem>>) offsets(%dma_start3A_378 : memref<128xi32, #tpu.memory_space<vmem>>) semaphore(%dma_start3A_383 : memref<!tpu.dma_semaphore, #tpu.memory_space<semaphore_mem>>)
      } else {
      }
      %mul3A_148 = arith.constant 6 : i32
      %mul3A_149 = arith.muli %scan3A_107, %mul3A_148 : i32
      %add3A_150 = arith.constant 1 : i32
      %add3A_151 = arith.addi %mul3A_149, %add3A_150 : i32
      %dma_wait3A_152 = arith.constant 1 : i32
      %dma_wait3A_153 = arith.constant 1 : i32
      %dma_wait3A_154 = arith.constant 0 : i32
      %dma_wait3A_155 = arith.constant 0 : i32
      %dma_wait3A_156 = tpu.memref_slice %arg9[%dma_wait3A_152, %dma_wait3A_154, %dma_wait3A_155] : memref<6x128x16xf32, #tpu.memory_space<vmem>> -> memref<1x128x16xf32, #tpu.memory_space<vmem>>
      %dma_wait3A_157 = tpu.memref_squeeze %dma_wait3A_156 : memref<1x128x16xf32, #tpu.memory_space<vmem>> -> memref<128x16xf32, #tpu.memory_space<vmem>>
      %dma_wait3A_158 = arith.constant 0 : i32
      %dma_wait3A_159 = tpu.memref_slice %arg7[%add3A_151, %dma_wait3A_158] : memref<84x128xi32, #tpu.memory_space<vmem>> -> memref<1x128xi32, #tpu.memory_space<vmem>>
      %dma_wait3A_160 = tpu.memref_squeeze %dma_wait3A_159 : memref<1x128xi32, #tpu.memory_space<vmem>> -> memref<128xi32, #tpu.memory_space<vmem>>
      %dma_wait3A_161 = arith.constant 0 : i32
      %dma_wait3A_162 = arith.constant 0 : i32
      %dma_wait3A_163 = tpu.memref_slice %arg11[%dma_wait3A_161, %dma_wait3A_162] : memref<10000x16xf32, #tpu.memory_space<vmem_shared>> -> memref<10000x16xf32, #tpu.memory_space<vmem_shared>>
      %dma_wait3A_164 = tpu.memref_slice %arg12[%dma_wait3A_153] : memref<6x!tpu.dma_semaphore, #tpu.memory_space<semaphore_mem>> -> memref<1x!tpu.dma_semaphore, #tpu.memory_space<semaphore_mem>>
      %dma_wait3A_165 = tpu.memref_squeeze %dma_wait3A_164 : memref<1x!tpu.dma_semaphore, #tpu.memory_space<semaphore_mem>> -> memref<!tpu.dma_semaphore, #tpu.memory_space<semaphore_mem>>
      tpu.wait_indirect_dma semaphore(%dma_wait3A_165 : memref<!tpu.dma_semaphore, #tpu.memory_space<semaphore_mem>>) src(%dma_wait3A_163 : memref<10000x16xf32, #tpu.memory_space<vmem_shared>>) dst(%dma_wait3A_157 : memref<128x16xf32, #tpu.memory_space<vmem>>)
      %dma_start3A_166 = arith.constant 1 : i32
      %dma_start3A_167 = arith.constant 1 : i32
      %dma_start3A_168 = arith.constant 0 : i32
      %dma_start3A_169 = arith.constant 0 : i32
      %dma_start3A_170 = tpu.memref_slice %arg9[%dma_start3A_166, %dma_start3A_168, %dma_start3A_169] : memref<6x128x16xf32, #tpu.memory_space<vmem>> -> memref<1x128x16xf32, #tpu.memory_space<vmem>>
      %dma_start3A_171 = tpu.memref_squeeze %dma_start3A_170 : memref<1x128x16xf32, #tpu.memory_space<vmem>> -> memref<128x16xf32, #tpu.memory_space<vmem>>
      %dma_start3A_172 = arith.constant 0 : i32
      %dma_start3A_173 = tpu.memref_slice %arg8[%add3A_151, %dma_start3A_172] : memref<84x128xi32, #tpu.memory_space<vmem>> -> memref<1x128xi32, #tpu.memory_space<vmem>>
      %dma_start3A_174 = tpu.memref_squeeze %dma_start3A_173 : memref<1x128xi32, #tpu.memory_space<vmem>> -> memref<128xi32, #tpu.memory_space<vmem>>
      %dma_start3A_175 = arith.constant 0 : i32
      %dma_start3A_176 = arith.constant 0 : i32
      %dma_start3A_177 = tpu.memref_slice %arg10[%dma_start3A_175, %dma_start3A_176] : memref<10240x16xf32, #tpu.memory_space<vmem_shared>> -> memref<10240x16xf32, #tpu.memory_space<vmem_shared>>
      %dma_start3A_178 = tpu.memref_slice %arg13[%dma_start3A_167] : memref<6x!tpu.dma_semaphore, #tpu.memory_space<semaphore_mem>> -> memref<1x!tpu.dma_semaphore, #tpu.memory_space<semaphore_mem>>
      %dma_start3A_179 = tpu.memref_squeeze %dma_start3A_178 : memref<1x!tpu.dma_semaphore, #tpu.memory_space<semaphore_mem>> -> memref<!tpu.dma_semaphore, #tpu.memory_space<semaphore_mem>>
      tpu.enqueue_indirect_dma source(%dma_start3A_171 : memref<128x16xf32, #tpu.memory_space<vmem>>) target(%dma_start3A_177 : memref<10240x16xf32, #tpu.memory_space<vmem_shared>>) offsets(%dma_start3A_174 : memref<128xi32, #tpu.memory_space<vmem>>) semaphore(%dma_start3A_179 : memref<!tpu.dma_semaphore, #tpu.memory_space<semaphore_mem>>) {add = true}
      %ge3A_180 = arith.constant 3 : i32
      %ge3A_181 = arith.cmpi sge, %add3A_151, %ge3A_180 : i32
      %convert_element_type3A_182 = arith.extui %ge3A_181 : i1 to i32
      %cond3A_183 = arith.constant 0 : i32
      %cond3A_184 = arith.cmpi ne, %convert_element_type3A_182, %cond3A_183 : i32
      scf.if %cond3A_184 {
        %sub3A = arith.constant 3 : i32
        %sub3A_368 = arith.subi %add3A_151, %sub3A : i32
        %dma_wait3A_369 = arith.constant 4 : i32
        %dma_wait3A_370 = arith.constant 4 : i32
        %dma_wait3A_371 = arith.constant 0 : i32
        %dma_wait3A_372 = arith.constant 0 : i32
        %dma_wait3A_373 = tpu.memref_slice %arg9[%dma_wait3A_369, %dma_wait3A_371, %dma_wait3A_372] : memref<6x128x16xf32, #tpu.memory_space<vmem>> -> memref<1x128x16xf32, #tpu.memory_space<vmem>>
        %dma_wait3A_374 = tpu.memref_squeeze %dma_wait3A_373 : memref<1x128x16xf32, #tpu.memory_space<vmem>> -> memref<128x16xf32, #tpu.memory_space<vmem>>
        %dma_wait3A_375 = arith.constant 0 : i32
        %dma_wait3A_376 = tpu.memref_slice %arg8[%sub3A_368, %dma_wait3A_375] : memref<84x128xi32, #tpu.memory_space<vmem>> -> memref<1x128xi32, #tpu.memory_space<vmem>>
        %dma_wait3A_377 = tpu.memref_squeeze %dma_wait3A_376 : memref<1x128xi32, #tpu.memory_space<vmem>> -> memref<128xi32, #tpu.memory_space<vmem>>
        %dma_wait3A_378 = arith.constant 0 : i32
        %dma_wait3A_379 = arith.constant 0 : i32
        %dma_wait3A_380 = tpu.memref_slice %arg10[%dma_wait3A_378, %dma_wait3A_379] : memref<10240x16xf32, #tpu.memory_space<vmem_shared>> -> memref<10240x16xf32, #tpu.memory_space<vmem_shared>>
        %dma_wait3A_381 = tpu.memref_slice %arg13[%dma_wait3A_370] : memref<6x!tpu.dma_semaphore, #tpu.memory_space<semaphore_mem>> -> memref<1x!tpu.dma_semaphore, #tpu.memory_space<semaphore_mem>>
        %dma_wait3A_382 = tpu.memref_squeeze %dma_wait3A_381 : memref<1x!tpu.dma_semaphore, #tpu.memory_space<semaphore_mem>> -> memref<!tpu.dma_semaphore, #tpu.memory_space<semaphore_mem>>
        tpu.wait_indirect_dma semaphore(%dma_wait3A_382 : memref<!tpu.dma_semaphore, #tpu.memory_space<semaphore_mem>>) src(%dma_wait3A_374 : memref<128x16xf32, #tpu.memory_space<vmem>>) dst(%dma_wait3A_380 : memref<10240x16xf32, #tpu.memory_space<vmem_shared>>)
      } else {
      }
      %add3A_185 = arith.constant 3 : i32
      %add3A_186 = arith.addi %add3A_151, %add3A_185 : i32
      %lt3A_187 = arith.constant 84 : i32
      %lt3A_188 = arith.cmpi slt, %add3A_186, %lt3A_187 : i32
      %convert_element_type3A_189 = arith.extui %lt3A_188 : i1 to i32
      %cond3A_190 = arith.constant 0 : i32
      %cond3A_191 = arith.cmpi ne, %convert_element_type3A_189, %cond3A_190 : i32
      scf.if %cond3A_191 {
        %add3A_368 = arith.constant 3 : i32
        %add3A_369 = arith.addi %add3A_151, %add3A_368 : i32
        %dma_start3A_370 = arith.constant 4 : i32
        %dma_start3A_371 = arith.constant 4 : i32
        %dma_start3A_372 = arith.constant 0 : i32
        %dma_start3A_373 = arith.constant 0 : i32
        %dma_start3A_374 = tpu.memref_slice %arg9[%dma_start3A_370, %dma_start3A_372, %dma_start3A_373] : memref<6x128x16xf32, #tpu.memory_space<vmem>> -> memref<1x128x16xf32, #tpu.memory_space<vmem>>
        %dma_start3A_375 = tpu.memref_squeeze %dma_start3A_374 : memref<1x128x16xf32, #tpu.memory_space<vmem>> -> memref<128x16xf32, #tpu.memory_space<vmem>>
        %dma_start3A_376 = arith.constant 0 : i32
        %dma_start3A_377 = tpu.memref_slice %arg7[%add3A_369, %dma_start3A_376] : memref<84x128xi32, #tpu.memory_space<vmem>> -> memref<1x128xi32, #tpu.memory_space<vmem>>
        %dma_start3A_378 = tpu.memref_squeeze %dma_start3A_377 : memref<1x128xi32, #tpu.memory_space<vmem>> -> memref<128xi32, #tpu.memory_space<vmem>>
        %dma_start3A_379 = arith.constant 0 : i32
        %dma_start3A_380 = arith.constant 0 : i32
        %dma_start3A_381 = tpu.memref_slice %arg11[%dma_start3A_379, %dma_start3A_380] : memref<10000x16xf32, #tpu.memory_space<vmem_shared>> -> memref<10000x16xf32, #tpu.memory_space<vmem_shared>>
        %dma_start3A_382 = tpu.memref_slice %arg12[%dma_start3A_371] : memref<6x!tpu.dma_semaphore, #tpu.memory_space<semaphore_mem>> -> memref<1x!tpu.dma_semaphore, #tpu.memory_space<semaphore_mem>>
        %dma_start3A_383 = tpu.memref_squeeze %dma_start3A_382 : memref<1x!tpu.dma_semaphore, #tpu.memory_space<semaphore_mem>> -> memref<!tpu.dma_semaphore, #tpu.memory_space<semaphore_mem>>
        tpu.enqueue_indirect_dma source(%dma_start3A_381 : memref<10000x16xf32, #tpu.memory_space<vmem_shared>>) target(%dma_start3A_375 : memref<128x16xf32, #tpu.memory_space<vmem>>) offsets(%dma_start3A_378 : memref<128xi32, #tpu.memory_space<vmem>>) semaphore(%dma_start3A_383 : memref<!tpu.dma_semaphore, #tpu.memory_space<semaphore_mem>>)
      } else {
      }
      %mul3A_192 = arith.constant 6 : i32
      %mul3A_193 = arith.muli %scan3A_107, %mul3A_192 : i32
      %add3A_194 = arith.constant 2 : i32
      %add3A_195 = arith.addi %mul3A_193, %add3A_194 : i32
      %dma_wait3A_196 = arith.constant 2 : i32
      %dma_wait3A_197 = arith.constant 2 : i32
      %dma_wait3A_198 = arith.constant 0 : i32
      %dma_wait3A_199 = arith.constant 0 : i32
      %dma_wait3A_200 = tpu.memref_slice %arg9[%dma_wait3A_196, %dma_wait3A_198, %dma_wait3A_199] : memref<6x128x16xf32, #tpu.memory_space<vmem>> -> memref<1x128x16xf32, #tpu.memory_space<vmem>>
      %dma_wait3A_201 = tpu.memref_squeeze %dma_wait3A_200 : memref<1x128x16xf32, #tpu.memory_space<vmem>> -> memref<128x16xf32, #tpu.memory_space<vmem>>
      %dma_wait3A_202 = arith.constant 0 : i32
      %dma_wait3A_203 = tpu.memref_slice %arg7[%add3A_195, %dma_wait3A_202] : memref<84x128xi32, #tpu.memory_space<vmem>> -> memref<1x128xi32, #tpu.memory_space<vmem>>
      %dma_wait3A_204 = tpu.memref_squeeze %dma_wait3A_203 : memref<1x128xi32, #tpu.memory_space<vmem>> -> memref<128xi32, #tpu.memory_space<vmem>>
      %dma_wait3A_205 = arith.constant 0 : i32
      %dma_wait3A_206 = arith.constant 0 : i32
      %dma_wait3A_207 = tpu.memref_slice %arg11[%dma_wait3A_205, %dma_wait3A_206] : memref<10000x16xf32, #tpu.memory_space<vmem_shared>> -> memref<10000x16xf32, #tpu.memory_space<vmem_shared>>
      %dma_wait3A_208 = tpu.memref_slice %arg12[%dma_wait3A_197] : memref<6x!tpu.dma_semaphore, #tpu.memory_space<semaphore_mem>> -> memref<1x!tpu.dma_semaphore, #tpu.memory_space<semaphore_mem>>
      %dma_wait3A_209 = tpu.memref_squeeze %dma_wait3A_208 : memref<1x!tpu.dma_semaphore, #tpu.memory_space<semaphore_mem>> -> memref<!tpu.dma_semaphore, #tpu.memory_space<semaphore_mem>>
      tpu.wait_indirect_dma semaphore(%dma_wait3A_209 : memref<!tpu.dma_semaphore, #tpu.memory_space<semaphore_mem>>) src(%dma_wait3A_207 : memref<10000x16xf32, #tpu.memory_space<vmem_shared>>) dst(%dma_wait3A_201 : memref<128x16xf32, #tpu.memory_space<vmem>>)
      %dma_start3A_210 = arith.constant 2 : i32
      %dma_start3A_211 = arith.constant 2 : i32
      %dma_start3A_212 = arith.constant 0 : i32
      %dma_start3A_213 = arith.constant 0 : i32
      %dma_start3A_214 = tpu.memref_slice %arg9[%dma_start3A_210, %dma_start3A_212, %dma_start3A_213] : memref<6x128x16xf32, #tpu.memory_space<vmem>> -> memref<1x128x16xf32, #tpu.memory_space<vmem>>
      %dma_start3A_215 = tpu.memref_squeeze %dma_start3A_214 : memref<1x128x16xf32, #tpu.memory_space<vmem>> -> memref<128x16xf32, #tpu.memory_space<vmem>>
      %dma_start3A_216 = arith.constant 0 : i32
      %dma_start3A_217 = tpu.memref_slice %arg8[%add3A_195, %dma_start3A_216] : memref<84x128xi32, #tpu.memory_space<vmem>> -> memref<1x128xi32, #tpu.memory_space<vmem>>
      %dma_start3A_218 = tpu.memref_squeeze %dma_start3A_217 : memref<1x128xi32, #tpu.memory_space<vmem>> -> memref<128xi32, #tpu.memory_space<vmem>>
      %dma_start3A_219 = arith.constant 0 : i32
      %dma_start3A_220 = arith.constant 0 : i32
      %dma_start3A_221 = tpu.memref_slice %arg10[%dma_start3A_219, %dma_start3A_220] : memref<10240x16xf32, #tpu.memory_space<vmem_shared>> -> memref<10240x16xf32, #tpu.memory_space<vmem_shared>>
      %dma_start3A_222 = tpu.memref_slice %arg13[%dma_start3A_211] : memref<6x!tpu.dma_semaphore, #tpu.memory_space<semaphore_mem>> -> memref<1x!tpu.dma_semaphore, #tpu.memory_space<semaphore_mem>>
      %dma_start3A_223 = tpu.memref_squeeze %dma_start3A_222 : memref<1x!tpu.dma_semaphore, #tpu.memory_space<semaphore_mem>> -> memref<!tpu.dma_semaphore, #tpu.memory_space<semaphore_mem>>
      tpu.enqueue_indirect_dma source(%dma_start3A_215 : memref<128x16xf32, #tpu.memory_space<vmem>>) target(%dma_start3A_221 : memref<10240x16xf32, #tpu.memory_space<vmem_shared>>) offsets(%dma_start3A_218 : memref<128xi32, #tpu.memory_space<vmem>>) semaphore(%dma_start3A_223 : memref<!tpu.dma_semaphore, #tpu.memory_space<semaphore_mem>>) {add = true}
      %ge3A_224 = arith.constant 3 : i32
      %ge3A_225 = arith.cmpi sge, %add3A_195, %ge3A_224 : i32
      %convert_element_type3A_226 = arith.extui %ge3A_225 : i1 to i32
      %cond3A_227 = arith.constant 0 : i32
      %cond3A_228 = arith.cmpi ne, %convert_element_type3A_226, %cond3A_227 : i32
      scf.if %cond3A_228 {
        %sub3A = arith.constant 3 : i32
        %sub3A_368 = arith.subi %add3A_195, %sub3A : i32
        %dma_wait3A_369 = arith.constant 5 : i32
        %dma_wait3A_370 = arith.constant 5 : i32
        %dma_wait3A_371 = arith.constant 0 : i32
        %dma_wait3A_372 = arith.constant 0 : i32
        %dma_wait3A_373 = tpu.memref_slice %arg9[%dma_wait3A_369, %dma_wait3A_371, %dma_wait3A_372] : memref<6x128x16xf32, #tpu.memory_space<vmem>> -> memref<1x128x16xf32, #tpu.memory_space<vmem>>
        %dma_wait3A_374 = tpu.memref_squeeze %dma_wait3A_373 : memref<1x128x16xf32, #tpu.memory_space<vmem>> -> memref<128x16xf32, #tpu.memory_space<vmem>>
        %dma_wait3A_375 = arith.constant 0 : i32
        %dma_wait3A_376 = tpu.memref_slice %arg8[%sub3A_368, %dma_wait3A_375] : memref<84x128xi32, #tpu.memory_space<vmem>> -> memref<1x128xi32, #tpu.memory_space<vmem>>
        %dma_wait3A_377 = tpu.memref_squeeze %dma_wait3A_376 : memref<1x128xi32, #tpu.memory_space<vmem>> -> memref<128xi32, #tpu.memory_space<vmem>>
        %dma_wait3A_378 = arith.constant 0 : i32
        %dma_wait3A_379 = arith.constant 0 : i32
        %dma_wait3A_380 = tpu.memref_slice %arg10[%dma_wait3A_378, %dma_wait3A_379] : memref<10240x16xf32, #tpu.memory_space<vmem_shared>> -> memref<10240x16xf32, #tpu.memory_space<vmem_shared>>
        %dma_wait3A_381 = tpu.memref_slice %arg13[%dma_wait3A_370] : memref<6x!tpu.dma_semaphore, #tpu.memory_space<semaphore_mem>> -> memref<1x!tpu.dma_semaphore, #tpu.memory_space<semaphore_mem>>
        %dma_wait3A_382 = tpu.memref_squeeze %dma_wait3A_381 : memref<1x!tpu.dma_semaphore, #tpu.memory_space<semaphore_mem>> -> memref<!tpu.dma_semaphore, #tpu.memory_space<semaphore_mem>>
        tpu.wait_indirect_dma semaphore(%dma_wait3A_382 : memref<!tpu.dma_semaphore, #tpu.memory_space<semaphore_mem>>) src(%dma_wait3A_374 : memref<128x16xf32, #tpu.memory_space<vmem>>) dst(%dma_wait3A_380 : memref<10240x16xf32, #tpu.memory_space<vmem_shared>>)
      } else {
      }
      %add3A_229 = arith.constant 3 : i32
      %add3A_230 = arith.addi %add3A_195, %add3A_229 : i32
      %lt3A_231 = arith.constant 84 : i32
      %lt3A_232 = arith.cmpi slt, %add3A_230, %lt3A_231 : i32
      %convert_element_type3A_233 = arith.extui %lt3A_232 : i1 to i32
      %cond3A_234 = arith.constant 0 : i32
      %cond3A_235 = arith.cmpi ne, %convert_element_type3A_233, %cond3A_234 : i32
      scf.if %cond3A_235 {
        %add3A_368 = arith.constant 3 : i32
        %add3A_369 = arith.addi %add3A_195, %add3A_368 : i32
        %dma_start3A_370 = arith.constant 5 : i32
        %dma_start3A_371 = arith.constant 5 : i32
        %dma_start3A_372 = arith.constant 0 : i32
        %dma_start3A_373 = arith.constant 0 : i32
        %dma_start3A_374 = tpu.memref_slice %arg9[%dma_start3A_370, %dma_start3A_372, %dma_start3A_373] : memref<6x128x16xf32, #tpu.memory_space<vmem>> -> memref<1x128x16xf32, #tpu.memory_space<vmem>>
        %dma_start3A_375 = tpu.memref_squeeze %dma_start3A_374 : memref<1x128x16xf32, #tpu.memory_space<vmem>> -> memref<128x16xf32, #tpu.memory_space<vmem>>
        %dma_start3A_376 = arith.constant 0 : i32
        %dma_start3A_377 = tpu.memref_slice %arg7[%add3A_369, %dma_start3A_376] : memref<84x128xi32, #tpu.memory_space<vmem>> -> memref<1x128xi32, #tpu.memory_space<vmem>>
        %dma_start3A_378 = tpu.memref_squeeze %dma_start3A_377 : memref<1x128xi32, #tpu.memory_space<vmem>> -> memref<128xi32, #tpu.memory_space<vmem>>
        %dma_start3A_379 = arith.constant 0 : i32
        %dma_start3A_380 = arith.constant 0 : i32
        %dma_start3A_381 = tpu.memref_slice %arg11[%dma_start3A_379, %dma_start3A_380] : memref<10000x16xf32, #tpu.memory_space<vmem_shared>> -> memref<10000x16xf32, #tpu.memory_space<vmem_shared>>
        %dma_start3A_382 = tpu.memref_slice %arg12[%dma_start3A_371] : memref<6x!tpu.dma_semaphore, #tpu.memory_space<semaphore_mem>> -> memref<1x!tpu.dma_semaphore, #tpu.memory_space<semaphore_mem>>
        %dma_start3A_383 = tpu.memref_squeeze %dma_start3A_382 : memref<1x!tpu.dma_semaphore, #tpu.memory_space<semaphore_mem>> -> memref<!tpu.dma_semaphore, #tpu.memory_space<semaphore_mem>>
        tpu.enqueue_indirect_dma source(%dma_start3A_381 : memref<10000x16xf32, #tpu.memory_space<vmem_shared>>) target(%dma_start3A_375 : memref<128x16xf32, #tpu.memory_space<vmem>>) offsets(%dma_start3A_378 : memref<128xi32, #tpu.memory_space<vmem>>) semaphore(%dma_start3A_383 : memref<!tpu.dma_semaphore, #tpu.memory_space<semaphore_mem>>)
      } else {
      }
      %mul3A_236 = arith.constant 6 : i32
      %mul3A_237 = arith.muli %scan3A_107, %mul3A_236 : i32
      %add3A_238 = arith.constant 3 : i32
      %add3A_239 = arith.addi %mul3A_237, %add3A_238 : i32
      %dma_wait3A_240 = arith.constant 3 : i32
      %dma_wait3A_241 = arith.constant 3 : i32
      %dma_wait3A_242 = arith.constant 0 : i32
      %dma_wait3A_243 = arith.constant 0 : i32
      %dma_wait3A_244 = tpu.memref_slice %arg9[%dma_wait3A_240, %dma_wait3A_242, %dma_wait3A_243] : memref<6x128x16xf32, #tpu.memory_space<vmem>> -> memref<1x128x16xf32, #tpu.memory_space<vmem>>
      %dma_wait3A_245 = tpu.memref_squeeze %dma_wait3A_244 : memref<1x128x16xf32, #tpu.memory_space<vmem>> -> memref<128x16xf32, #tpu.memory_space<vmem>>
      %dma_wait3A_246 = arith.constant 0 : i32
      %dma_wait3A_247 = tpu.memref_slice %arg7[%add3A_239, %dma_wait3A_246] : memref<84x128xi32, #tpu.memory_space<vmem>> -> memref<1x128xi32, #tpu.memory_space<vmem>>
      %dma_wait3A_248 = tpu.memref_squeeze %dma_wait3A_247 : memref<1x128xi32, #tpu.memory_space<vmem>> -> memref<128xi32, #tpu.memory_space<vmem>>
      %dma_wait3A_249 = arith.constant 0 : i32
      %dma_wait3A_250 = arith.constant 0 : i32
      %dma_wait3A_251 = tpu.memref_slice %arg11[%dma_wait3A_249, %dma_wait3A_250] : memref<10000x16xf32, #tpu.memory_space<vmem_shared>> -> memref<10000x16xf32, #tpu.memory_space<vmem_shared>>
      %dma_wait3A_252 = tpu.memref_slice %arg12[%dma_wait3A_241] : memref<6x!tpu.dma_semaphore, #tpu.memory_space<semaphore_mem>> -> memref<1x!tpu.dma_semaphore, #tpu.memory_space<semaphore_mem>>
      %dma_wait3A_253 = tpu.memref_squeeze %dma_wait3A_252 : memref<1x!tpu.dma_semaphore, #tpu.memory_space<semaphore_mem>> -> memref<!tpu.dma_semaphore, #tpu.memory_space<semaphore_mem>>
      tpu.wait_indirect_dma semaphore(%dma_wait3A_253 : memref<!tpu.dma_semaphore, #tpu.memory_space<semaphore_mem>>) src(%dma_wait3A_251 : memref<10000x16xf32, #tpu.memory_space<vmem_shared>>) dst(%dma_wait3A_245 : memref<128x16xf32, #tpu.memory_space<vmem>>)
      %dma_start3A_254 = arith.constant 3 : i32
      %dma_start3A_255 = arith.constant 3 : i32
      %dma_start3A_256 = arith.constant 0 : i32
      %dma_start3A_257 = arith.constant 0 : i32
      %dma_start3A_258 = tpu.memref_slice %arg9[%dma_start3A_254, %dma_start3A_256, %dma_start3A_257] : memref<6x128x16xf32, #tpu.memory_space<vmem>> -> memref<1x128x16xf32, #tpu.memory_space<vmem>>
      %dma_start3A_259 = tpu.memref_squeeze %dma_start3A_258 : memref<1x128x16xf32, #tpu.memory_space<vmem>> -> memref<128x16xf32, #tpu.memory_space<vmem>>
      %dma_start3A_260 = arith.constant 0 : i32
      %dma_start3A_261 = tpu.memref_slice %arg8[%add3A_239, %dma_start3A_260] : memref<84x128xi32, #tpu.memory_space<vmem>> -> memref<1x128xi32, #tpu.memory_space<vmem>>
      %dma_start3A_262 = tpu.memref_squeeze %dma_start3A_261 : memref<1x128xi32, #tpu.memory_space<vmem>> -> memref<128xi32, #tpu.memory_space<vmem>>
      %dma_start3A_263 = arith.constant 0 : i32
      %dma_start3A_264 = arith.constant 0 : i32
      %dma_start3A_265 = tpu.memref_slice %arg10[%dma_start3A_263, %dma_start3A_264] : memref<10240x16xf32, #tpu.memory_space<vmem_shared>> -> memref<10240x16xf32, #tpu.memory_space<vmem_shared>>
      %dma_start3A_266 = tpu.memref_slice %arg13[%dma_start3A_255] : memref<6x!tpu.dma_semaphore, #tpu.memory_space<semaphore_mem>> -> memref<1x!tpu.dma_semaphore, #tpu.memory_space<semaphore_mem>>
      %dma_start3A_267 = tpu.memref_squeeze %dma_start3A_266 : memref<1x!tpu.dma_semaphore, #tpu.memory_space<semaphore_mem>> -> memref<!tpu.dma_semaphore, #tpu.memory_space<semaphore_mem>>
      tpu.enqueue_indirect_dma source(%dma_start3A_259 : memref<128x16xf32, #tpu.memory_space<vmem>>) target(%dma_start3A_265 : memref<10240x16xf32, #tpu.memory_space<vmem_shared>>) offsets(%dma_start3A_262 : memref<128xi32, #tpu.memory_space<vmem>>) semaphore(%dma_start3A_267 : memref<!tpu.dma_semaphore, #tpu.memory_space<semaphore_mem>>) {add = true}
      %ge3A_268 = arith.constant 3 : i32
      %ge3A_269 = arith.cmpi sge, %add3A_239, %ge3A_268 : i32
      %convert_element_type3A_270 = arith.extui %ge3A_269 : i1 to i32
      %cond3A_271 = arith.constant 0 : i32
      %cond3A_272 = arith.cmpi ne, %convert_element_type3A_270, %cond3A_271 : i32
      scf.if %cond3A_272 {
        %sub3A = arith.constant 3 : i32
        %sub3A_368 = arith.subi %add3A_239, %sub3A : i32
        %dma_wait3A_369 = arith.constant 0 : i32
        %dma_wait3A_370 = arith.constant 0 : i32
        %dma_wait3A_371 = arith.constant 0 : i32
        %dma_wait3A_372 = arith.constant 0 : i32
        %dma_wait3A_373 = tpu.memref_slice %arg9[%dma_wait3A_369, %dma_wait3A_371, %dma_wait3A_372] : memref<6x128x16xf32, #tpu.memory_space<vmem>> -> memref<1x128x16xf32, #tpu.memory_space<vmem>>
        %dma_wait3A_374 = tpu.memref_squeeze %dma_wait3A_373 : memref<1x128x16xf32, #tpu.memory_space<vmem>> -> memref<128x16xf32, #tpu.memory_space<vmem>>
        %dma_wait3A_375 = arith.constant 0 : i32
        %dma_wait3A_376 = tpu.memref_slice %arg8[%sub3A_368, %dma_wait3A_375] : memref<84x128xi32, #tpu.memory_space<vmem>> -> memref<1x128xi32, #tpu.memory_space<vmem>>
        %dma_wait3A_377 = tpu.memref_squeeze %dma_wait3A_376 : memref<1x128xi32, #tpu.memory_space<vmem>> -> memref<128xi32, #tpu.memory_space<vmem>>
        %dma_wait3A_378 = arith.constant 0 : i32
        %dma_wait3A_379 = arith.constant 0 : i32
        %dma_wait3A_380 = tpu.memref_slice %arg10[%dma_wait3A_378, %dma_wait3A_379] : memref<10240x16xf32, #tpu.memory_space<vmem_shared>> -> memref<10240x16xf32, #tpu.memory_space<vmem_shared>>
        %dma_wait3A_381 = tpu.memref_slice %arg13[%dma_wait3A_370] : memref<6x!tpu.dma_semaphore, #tpu.memory_space<semaphore_mem>> -> memref<1x!tpu.dma_semaphore, #tpu.memory_space<semaphore_mem>>
        %dma_wait3A_382 = tpu.memref_squeeze %dma_wait3A_381 : memref<1x!tpu.dma_semaphore, #tpu.memory_space<semaphore_mem>> -> memref<!tpu.dma_semaphore, #tpu.memory_space<semaphore_mem>>
        tpu.wait_indirect_dma semaphore(%dma_wait3A_382 : memref<!tpu.dma_semaphore, #tpu.memory_space<semaphore_mem>>) src(%dma_wait3A_374 : memref<128x16xf32, #tpu.memory_space<vmem>>) dst(%dma_wait3A_380 : memref<10240x16xf32, #tpu.memory_space<vmem_shared>>)
      } else {
      }
      %add3A_273 = arith.constant 3 : i32
      %add3A_274 = arith.addi %add3A_239, %add3A_273 : i32
      %lt3A_275 = arith.constant 84 : i32
      %lt3A_276 = arith.cmpi slt, %add3A_274, %lt3A_275 : i32
      %convert_element_type3A_277 = arith.extui %lt3A_276 : i1 to i32
      %cond3A_278 = arith.constant 0 : i32
      %cond3A_279 = arith.cmpi ne, %convert_element_type3A_277, %cond3A_278 : i32
      scf.if %cond3A_279 {
        %add3A_368 = arith.constant 3 : i32
        %add3A_369 = arith.addi %add3A_239, %add3A_368 : i32
        %dma_start3A_370 = arith.constant 0 : i32
        %dma_start3A_371 = arith.constant 0 : i32
        %dma_start3A_372 = arith.constant 0 : i32
        %dma_start3A_373 = arith.constant 0 : i32
        %dma_start3A_374 = tpu.memref_slice %arg9[%dma_start3A_370, %dma_start3A_372, %dma_start3A_373] : memref<6x128x16xf32, #tpu.memory_space<vmem>> -> memref<1x128x16xf32, #tpu.memory_space<vmem>>
        %dma_start3A_375 = tpu.memref_squeeze %dma_start3A_374 : memref<1x128x16xf32, #tpu.memory_space<vmem>> -> memref<128x16xf32, #tpu.memory_space<vmem>>
        %dma_start3A_376 = arith.constant 0 : i32
        %dma_start3A_377 = tpu.memref_slice %arg7[%add3A_369, %dma_start3A_376] : memref<84x128xi32, #tpu.memory_space<vmem>> -> memref<1x128xi32, #tpu.memory_space<vmem>>
        %dma_start3A_378 = tpu.memref_squeeze %dma_start3A_377 : memref<1x128xi32, #tpu.memory_space<vmem>> -> memref<128xi32, #tpu.memory_space<vmem>>
        %dma_start3A_379 = arith.constant 0 : i32
        %dma_start3A_380 = arith.constant 0 : i32
        %dma_start3A_381 = tpu.memref_slice %arg11[%dma_start3A_379, %dma_start3A_380] : memref<10000x16xf32, #tpu.memory_space<vmem_shared>> -> memref<10000x16xf32, #tpu.memory_space<vmem_shared>>
        %dma_start3A_382 = tpu.memref_slice %arg12[%dma_start3A_371] : memref<6x!tpu.dma_semaphore, #tpu.memory_space<semaphore_mem>> -> memref<1x!tpu.dma_semaphore, #tpu.memory_space<semaphore_mem>>
        %dma_start3A_383 = tpu.memref_squeeze %dma_start3A_382 : memref<1x!tpu.dma_semaphore, #tpu.memory_space<semaphore_mem>> -> memref<!tpu.dma_semaphore, #tpu.memory_space<semaphore_mem>>
        tpu.enqueue_indirect_dma source(%dma_start3A_381 : memref<10000x16xf32, #tpu.memory_space<vmem_shared>>) target(%dma_start3A_375 : memref<128x16xf32, #tpu.memory_space<vmem>>) offsets(%dma_start3A_378 : memref<128xi32, #tpu.memory_space<vmem>>) semaphore(%dma_start3A_383 : memref<!tpu.dma_semaphore, #tpu.memory_space<semaphore_mem>>)
      } else {
      }
      %mul3A_280 = arith.constant 6 : i32
      %mul3A_281 = arith.muli %scan3A_107, %mul3A_280 : i32
      %add3A_282 = arith.constant 4 : i32
      %add3A_283 = arith.addi %mul3A_281, %add3A_282 : i32
      %dma_wait3A_284 = arith.constant 4 : i32
      %dma_wait3A_285 = arith.constant 4 : i32
      %dma_wait3A_286 = arith.constant 0 : i32
      %dma_wait3A_287 = arith.constant 0 : i32
      %dma_wait3A_288 = tpu.memref_slice %arg9[%dma_wait3A_284, %dma_wait3A_286, %dma_wait3A_287] : memref<6x128x16xf32, #tpu.memory_space<vmem>> -> memref<1x128x16xf32, #tpu.memory_space<vmem>>
      %dma_wait3A_289 = tpu.memref_squeeze %dma_wait3A_288 : memref<1x128x16xf32, #tpu.memory_space<vmem>> -> memref<128x16xf32, #tpu.memory_space<vmem>>
      %dma_wait3A_290 = arith.constant 0 : i32
      %dma_wait3A_291 = tpu.memref_slice %arg7[%add3A_283, %dma_wait3A_290] : memref<84x128xi32, #tpu.memory_space<vmem>> -> memref<1x128xi32, #tpu.memory_space<vmem>>
      %dma_wait3A_292 = tpu.memref_squeeze %dma_wait3A_291 : memref<1x128xi32, #tpu.memory_space<vmem>> -> memref<128xi32, #tpu.memory_space<vmem>>
      %dma_wait3A_293 = arith.constant 0 : i32
      %dma_wait3A_294 = arith.constant 0 : i32
      %dma_wait3A_295 = tpu.memref_slice %arg11[%dma_wait3A_293, %dma_wait3A_294] : memref<10000x16xf32, #tpu.memory_space<vmem_shared>> -> memref<10000x16xf32, #tpu.memory_space<vmem_shared>>
      %dma_wait3A_296 = tpu.memref_slice %arg12[%dma_wait3A_285] : memref<6x!tpu.dma_semaphore, #tpu.memory_space<semaphore_mem>> -> memref<1x!tpu.dma_semaphore, #tpu.memory_space<semaphore_mem>>
      %dma_wait3A_297 = tpu.memref_squeeze %dma_wait3A_296 : memref<1x!tpu.dma_semaphore, #tpu.memory_space<semaphore_mem>> -> memref<!tpu.dma_semaphore, #tpu.memory_space<semaphore_mem>>
      tpu.wait_indirect_dma semaphore(%dma_wait3A_297 : memref<!tpu.dma_semaphore, #tpu.memory_space<semaphore_mem>>) src(%dma_wait3A_295 : memref<10000x16xf32, #tpu.memory_space<vmem_shared>>) dst(%dma_wait3A_289 : memref<128x16xf32, #tpu.memory_space<vmem>>)
      %dma_start3A_298 = arith.constant 4 : i32
      %dma_start3A_299 = arith.constant 4 : i32
      %dma_start3A_300 = arith.constant 0 : i32
      %dma_start3A_301 = arith.constant 0 : i32
      %dma_start3A_302 = tpu.memref_slice %arg9[%dma_start3A_298, %dma_start3A_300, %dma_start3A_301] : memref<6x128x16xf32, #tpu.memory_space<vmem>> -> memref<1x128x16xf32, #tpu.memory_space<vmem>>
      %dma_start3A_303 = tpu.memref_squeeze %dma_start3A_302 : memref<1x128x16xf32, #tpu.memory_space<vmem>> -> memref<128x16xf32, #tpu.memory_space<vmem>>
      %dma_start3A_304 = arith.constant 0 : i32
      %dma_start3A_305 = tpu.memref_slice %arg8[%add3A_283, %dma_start3A_304] : memref<84x128xi32, #tpu.memory_space<vmem>> -> memref<1x128xi32, #tpu.memory_space<vmem>>
      %dma_start3A_306 = tpu.memref_squeeze %dma_start3A_305 : memref<1x128xi32, #tpu.memory_space<vmem>> -> memref<128xi32, #tpu.memory_space<vmem>>
      %dma_start3A_307 = arith.constant 0 : i32
      %dma_start3A_308 = arith.constant 0 : i32
      %dma_start3A_309 = tpu.memref_slice %arg10[%dma_start3A_307, %dma_start3A_308] : memref<10240x16xf32, #tpu.memory_space<vmem_shared>> -> memref<10240x16xf32, #tpu.memory_space<vmem_shared>>
      %dma_start3A_310 = tpu.memref_slice %arg13[%dma_start3A_299] : memref<6x!tpu.dma_semaphore, #tpu.memory_space<semaphore_mem>> -> memref<1x!tpu.dma_semaphore, #tpu.memory_space<semaphore_mem>>
      %dma_start3A_311 = tpu.memref_squeeze %dma_start3A_310 : memref<1x!tpu.dma_semaphore, #tpu.memory_space<semaphore_mem>> -> memref<!tpu.dma_semaphore, #tpu.memory_space<semaphore_mem>>
      tpu.enqueue_indirect_dma source(%dma_start3A_303 : memref<128x16xf32, #tpu.memory_space<vmem>>) target(%dma_start3A_309 : memref<10240x16xf32, #tpu.memory_space<vmem_shared>>) offsets(%dma_start3A_306 : memref<128xi32, #tpu.memory_space<vmem>>) semaphore(%dma_start3A_311 : memref<!tpu.dma_semaphore, #tpu.memory_space<semaphore_mem>>) {add = true}
      %ge3A_312 = arith.constant 3 : i32
      %ge3A_313 = arith.cmpi sge, %add3A_283, %ge3A_312 : i32
      %convert_element_type3A_314 = arith.extui %ge3A_313 : i1 to i32
      %cond3A_315 = arith.constant 0 : i32
      %cond3A_316 = arith.cmpi ne, %convert_element_type3A_314, %cond3A_315 : i32
      scf.if %cond3A_316 {
        %sub3A = arith.constant 3 : i32
        %sub3A_368 = arith.subi %add3A_283, %sub3A : i32
        %dma_wait3A_369 = arith.constant 1 : i32
        %dma_wait3A_370 = arith.constant 1 : i32
        %dma_wait3A_371 = arith.constant 0 : i32
        %dma_wait3A_372 = arith.constant 0 : i32
        %dma_wait3A_373 = tpu.memref_slice %arg9[%dma_wait3A_369, %dma_wait3A_371, %dma_wait3A_372] : memref<6x128x16xf32, #tpu.memory_space<vmem>> -> memref<1x128x16xf32, #tpu.memory_space<vmem>>
        %dma_wait3A_374 = tpu.memref_squeeze %dma_wait3A_373 : memref<1x128x16xf32, #tpu.memory_space<vmem>> -> memref<128x16xf32, #tpu.memory_space<vmem>>
        %dma_wait3A_375 = arith.constant 0 : i32
        %dma_wait3A_376 = tpu.memref_slice %arg8[%sub3A_368, %dma_wait3A_375] : memref<84x128xi32, #tpu.memory_space<vmem>> -> memref<1x128xi32, #tpu.memory_space<vmem>>
        %dma_wait3A_377 = tpu.memref_squeeze %dma_wait3A_376 : memref<1x128xi32, #tpu.memory_space<vmem>> -> memref<128xi32, #tpu.memory_space<vmem>>
        %dma_wait3A_378 = arith.constant 0 : i32
        %dma_wait3A_379 = arith.constant 0 : i32
        %dma_wait3A_380 = tpu.memref_slice %arg10[%dma_wait3A_378, %dma_wait3A_379] : memref<10240x16xf32, #tpu.memory_space<vmem_shared>> -> memref<10240x16xf32, #tpu.memory_space<vmem_shared>>
        %dma_wait3A_381 = tpu.memref_slice %arg13[%dma_wait3A_370] : memref<6x!tpu.dma_semaphore, #tpu.memory_space<semaphore_mem>> -> memref<1x!tpu.dma_semaphore, #tpu.memory_space<semaphore_mem>>
        %dma_wait3A_382 = tpu.memref_squeeze %dma_wait3A_381 : memref<1x!tpu.dma_semaphore, #tpu.memory_space<semaphore_mem>> -> memref<!tpu.dma_semaphore, #tpu.memory_space<semaphore_mem>>
        tpu.wait_indirect_dma semaphore(%dma_wait3A_382 : memref<!tpu.dma_semaphore, #tpu.memory_space<semaphore_mem>>) src(%dma_wait3A_374 : memref<128x16xf32, #tpu.memory_space<vmem>>) dst(%dma_wait3A_380 : memref<10240x16xf32, #tpu.memory_space<vmem_shared>>)
      } else {
      }
      %add3A_317 = arith.constant 3 : i32
      %add3A_318 = arith.addi %add3A_283, %add3A_317 : i32
      %lt3A_319 = arith.constant 84 : i32
      %lt3A_320 = arith.cmpi slt, %add3A_318, %lt3A_319 : i32
      %convert_element_type3A_321 = arith.extui %lt3A_320 : i1 to i32
      %cond3A_322 = arith.constant 0 : i32
      %cond3A_323 = arith.cmpi ne, %convert_element_type3A_321, %cond3A_322 : i32
      scf.if %cond3A_323 {
        %add3A_368 = arith.constant 3 : i32
        %add3A_369 = arith.addi %add3A_283, %add3A_368 : i32
        %dma_start3A_370 = arith.constant 1 : i32
        %dma_start3A_371 = arith.constant 1 : i32
        %dma_start3A_372 = arith.constant 0 : i32
        %dma_start3A_373 = arith.constant 0 : i32
        %dma_start3A_374 = tpu.memref_slice %arg9[%dma_start3A_370, %dma_start3A_372, %dma_start3A_373] : memref<6x128x16xf32, #tpu.memory_space<vmem>> -> memref<1x128x16xf32, #tpu.memory_space<vmem>>
        %dma_start3A_375 = tpu.memref_squeeze %dma_start3A_374 : memref<1x128x16xf32, #tpu.memory_space<vmem>> -> memref<128x16xf32, #tpu.memory_space<vmem>>
        %dma_start3A_376 = arith.constant 0 : i32
        %dma_start3A_377 = tpu.memref_slice %arg7[%add3A_369, %dma_start3A_376] : memref<84x128xi32, #tpu.memory_space<vmem>> -> memref<1x128xi32, #tpu.memory_space<vmem>>
        %dma_start3A_378 = tpu.memref_squeeze %dma_start3A_377 : memref<1x128xi32, #tpu.memory_space<vmem>> -> memref<128xi32, #tpu.memory_space<vmem>>
        %dma_start3A_379 = arith.constant 0 : i32
        %dma_start3A_380 = arith.constant 0 : i32
        %dma_start3A_381 = tpu.memref_slice %arg11[%dma_start3A_379, %dma_start3A_380] : memref<10000x16xf32, #tpu.memory_space<vmem_shared>> -> memref<10000x16xf32, #tpu.memory_space<vmem_shared>>
        %dma_start3A_382 = tpu.memref_slice %arg12[%dma_start3A_371] : memref<6x!tpu.dma_semaphore, #tpu.memory_space<semaphore_mem>> -> memref<1x!tpu.dma_semaphore, #tpu.memory_space<semaphore_mem>>
        %dma_start3A_383 = tpu.memref_squeeze %dma_start3A_382 : memref<1x!tpu.dma_semaphore, #tpu.memory_space<semaphore_mem>> -> memref<!tpu.dma_semaphore, #tpu.memory_space<semaphore_mem>>
        tpu.enqueue_indirect_dma source(%dma_start3A_381 : memref<10000x16xf32, #tpu.memory_space<vmem_shared>>) target(%dma_start3A_375 : memref<128x16xf32, #tpu.memory_space<vmem>>) offsets(%dma_start3A_378 : memref<128xi32, #tpu.memory_space<vmem>>) semaphore(%dma_start3A_383 : memref<!tpu.dma_semaphore, #tpu.memory_space<semaphore_mem>>)
      } else {
      }
      %mul3A_324 = arith.constant 6 : i32
      %mul3A_325 = arith.muli %scan3A_107, %mul3A_324 : i32
      %add3A_326 = arith.constant 5 : i32
      %add3A_327 = arith.addi %mul3A_325, %add3A_326 : i32
      %dma_wait3A_328 = arith.constant 5 : i32
      %dma_wait3A_329 = arith.constant 5 : i32
      %dma_wait3A_330 = arith.constant 0 : i32
      %dma_wait3A_331 = arith.constant 0 : i32
      %dma_wait3A_332 = tpu.memref_slice %arg9[%dma_wait3A_328, %dma_wait3A_330, %dma_wait3A_331] : memref<6x128x16xf32, #tpu.memory_space<vmem>> -> memref<1x128x16xf32, #tpu.memory_space<vmem>>
      %dma_wait3A_333 = tpu.memref_squeeze %dma_wait3A_332 : memref<1x128x16xf32, #tpu.memory_space<vmem>> -> memref<128x16xf32, #tpu.memory_space<vmem>>
      %dma_wait3A_334 = arith.constant 0 : i32
      %dma_wait3A_335 = tpu.memref_slice %arg7[%add3A_327, %dma_wait3A_334] : memref<84x128xi32, #tpu.memory_space<vmem>> -> memref<1x128xi32, #tpu.memory_space<vmem>>
      %dma_wait3A_336 = tpu.memref_squeeze %dma_wait3A_335 : memref<1x128xi32, #tpu.memory_space<vmem>> -> memref<128xi32, #tpu.memory_space<vmem>>
      %dma_wait3A_337 = arith.constant 0 : i32
      %dma_wait3A_338 = arith.constant 0 : i32
      %dma_wait3A_339 = tpu.memref_slice %arg11[%dma_wait3A_337, %dma_wait3A_338] : memref<10000x16xf32, #tpu.memory_space<vmem_shared>> -> memref<10000x16xf32, #tpu.memory_space<vmem_shared>>
      %dma_wait3A_340 = tpu.memref_slice %arg12[%dma_wait3A_329] : memref<6x!tpu.dma_semaphore, #tpu.memory_space<semaphore_mem>> -> memref<1x!tpu.dma_semaphore, #tpu.memory_space<semaphore_mem>>
      %dma_wait3A_341 = tpu.memref_squeeze %dma_wait3A_340 : memref<1x!tpu.dma_semaphore, #tpu.memory_space<semaphore_mem>> -> memref<!tpu.dma_semaphore, #tpu.memory_space<semaphore_mem>>
      tpu.wait_indirect_dma semaphore(%dma_wait3A_341 : memref<!tpu.dma_semaphore, #tpu.memory_space<semaphore_mem>>) src(%dma_wait3A_339 : memref<10000x16xf32, #tpu.memory_space<vmem_shared>>) dst(%dma_wait3A_333 : memref<128x16xf32, #tpu.memory_space<vmem>>)
      %dma_start3A_342 = arith.constant 5 : i32
      %dma_start3A_343 = arith.constant 5 : i32
      %dma_start3A_344 = arith.constant 0 : i32
      %dma_start3A_345 = arith.constant 0 : i32
      %dma_start3A_346 = tpu.memref_slice %arg9[%dma_start3A_342, %dma_start3A_344, %dma_start3A_345] : memref<6x128x16xf32, #tpu.memory_space<vmem>> -> memref<1x128x16xf32, #tpu.memory_space<vmem>>
      %dma_start3A_347 = tpu.memref_squeeze %dma_start3A_346 : memref<1x128x16xf32, #tpu.memory_space<vmem>> -> memref<128x16xf32, #tpu.memory_space<vmem>>
      %dma_start3A_348 = arith.constant 0 : i32
      %dma_start3A_349 = tpu.memref_slice %arg8[%add3A_327, %dma_start3A_348] : memref<84x128xi32, #tpu.memory_space<vmem>> -> memref<1x128xi32, #tpu.memory_space<vmem>>
      %dma_start3A_350 = tpu.memref_squeeze %dma_start3A_349 : memref<1x128xi32, #tpu.memory_space<vmem>> -> memref<128xi32, #tpu.memory_space<vmem>>
      %dma_start3A_351 = arith.constant 0 : i32
      %dma_start3A_352 = arith.constant 0 : i32
      %dma_start3A_353 = tpu.memref_slice %arg10[%dma_start3A_351, %dma_start3A_352] : memref<10240x16xf32, #tpu.memory_space<vmem_shared>> -> memref<10240x16xf32, #tpu.memory_space<vmem_shared>>
      %dma_start3A_354 = tpu.memref_slice %arg13[%dma_start3A_343] : memref<6x!tpu.dma_semaphore, #tpu.memory_space<semaphore_mem>> -> memref<1x!tpu.dma_semaphore, #tpu.memory_space<semaphore_mem>>
      %dma_start3A_355 = tpu.memref_squeeze %dma_start3A_354 : memref<1x!tpu.dma_semaphore, #tpu.memory_space<semaphore_mem>> -> memref<!tpu.dma_semaphore, #tpu.memory_space<semaphore_mem>>
      tpu.enqueue_indirect_dma source(%dma_start3A_347 : memref<128x16xf32, #tpu.memory_space<vmem>>) target(%dma_start3A_353 : memref<10240x16xf32, #tpu.memory_space<vmem_shared>>) offsets(%dma_start3A_350 : memref<128xi32, #tpu.memory_space<vmem>>) semaphore(%dma_start3A_355 : memref<!tpu.dma_semaphore, #tpu.memory_space<semaphore_mem>>) {add = true}
      %ge3A_356 = arith.constant 3 : i32
      %ge3A_357 = arith.cmpi sge, %add3A_327, %ge3A_356 : i32
      %convert_element_type3A_358 = arith.extui %ge3A_357 : i1 to i32
      %cond3A_359 = arith.constant 0 : i32
      %cond3A_360 = arith.cmpi ne, %convert_element_type3A_358, %cond3A_359 : i32
      scf.if %cond3A_360 {
        %sub3A = arith.constant 3 : i32
        %sub3A_368 = arith.subi %add3A_327, %sub3A : i32
        %dma_wait3A_369 = arith.constant 2 : i32
        %dma_wait3A_370 = arith.constant 2 : i32
        %dma_wait3A_371 = arith.constant 0 : i32
        %dma_wait3A_372 = arith.constant 0 : i32
        %dma_wait3A_373 = tpu.memref_slice %arg9[%dma_wait3A_369, %dma_wait3A_371, %dma_wait3A_372] : memref<6x128x16xf32, #tpu.memory_space<vmem>> -> memref<1x128x16xf32, #tpu.memory_space<vmem>>
        %dma_wait3A_374 = tpu.memref_squeeze %dma_wait3A_373 : memref<1x128x16xf32, #tpu.memory_space<vmem>> -> memref<128x16xf32, #tpu.memory_space<vmem>>
        %dma_wait3A_375 = arith.constant 0 : i32
        %dma_wait3A_376 = tpu.memref_slice %arg8[%sub3A_368, %dma_wait3A_375] : memref<84x128xi32, #tpu.memory_space<vmem>> -> memref<1x128xi32, #tpu.memory_space<vmem>>
        %dma_wait3A_377 = tpu.memref_squeeze %dma_wait3A_376 : memref<1x128xi32, #tpu.memory_space<vmem>> -> memref<128xi32, #tpu.memory_space<vmem>>
        %dma_wait3A_378 = arith.constant 0 : i32
        %dma_wait3A_379 = arith.constant 0 : i32
        %dma_wait3A_380 = tpu.memref_slice %arg10[%dma_wait3A_378, %dma_wait3A_379] : memref<10240x16xf32, #tpu.memory_space<vmem_shared>> -> memref<10240x16xf32, #tpu.memory_space<vmem_shared>>
        %dma_wait3A_381 = tpu.memref_slice %arg13[%dma_wait3A_370] : memref<6x!tpu.dma_semaphore, #tpu.memory_space<semaphore_mem>> -> memref<1x!tpu.dma_semaphore, #tpu.memory_space<semaphore_mem>>
        %dma_wait3A_382 = tpu.memref_squeeze %dma_wait3A_381 : memref<1x!tpu.dma_semaphore, #tpu.memory_space<semaphore_mem>> -> memref<!tpu.dma_semaphore, #tpu.memory_space<semaphore_mem>>
        tpu.wait_indirect_dma semaphore(%dma_wait3A_382 : memref<!tpu.dma_semaphore, #tpu.memory_space<semaphore_mem>>) src(%dma_wait3A_374 : memref<128x16xf32, #tpu.memory_space<vmem>>) dst(%dma_wait3A_380 : memref<10240x16xf32, #tpu.memory_space<vmem_shared>>)
      } else {
      }
      %add3A_361 = arith.constant 3 : i32
      %add3A_362 = arith.addi %add3A_327, %add3A_361 : i32
      %lt3A_363 = arith.constant 84 : i32
      %lt3A_364 = arith.cmpi slt, %add3A_362, %lt3A_363 : i32
      %convert_element_type3A_365 = arith.extui %lt3A_364 : i1 to i32
      %cond3A_366 = arith.constant 0 : i32
      %cond3A_367 = arith.cmpi ne, %convert_element_type3A_365, %cond3A_366 : i32
      scf.if %cond3A_367 {
        %add3A_368 = arith.constant 3 : i32
        %add3A_369 = arith.addi %add3A_327, %add3A_368 : i32
        %dma_start3A_370 = arith.constant 2 : i32
        %dma_start3A_371 = arith.constant 2 : i32
        %dma_start3A_372 = arith.constant 0 : i32
        %dma_start3A_373 = arith.constant 0 : i32
        %dma_start3A_374 = tpu.memref_slice %arg9[%dma_start3A_370, %dma_start3A_372, %dma_start3A_373] : memref<6x128x16xf32, #tpu.memory_space<vmem>> -> memref<1x128x16xf32, #tpu.memory_space<vmem>>
        %dma_start3A_375 = tpu.memref_squeeze %dma_start3A_374 : memref<1x128x16xf32, #tpu.memory_space<vmem>> -> memref<128x16xf32, #tpu.memory_space<vmem>>
        %dma_start3A_376 = arith.constant 0 : i32
        %dma_start3A_377 = tpu.memref_slice %arg7[%add3A_369, %dma_start3A_376] : memref<84x128xi32, #tpu.memory_space<vmem>> -> memref<1x128xi32, #tpu.memory_space<vmem>>
        %dma_start3A_378 = tpu.memref_squeeze %dma_start3A_377 : memref<1x128xi32, #tpu.memory_space<vmem>> -> memref<128xi32, #tpu.memory_space<vmem>>
        %dma_start3A_379 = arith.constant 0 : i32
        %dma_start3A_380 = arith.constant 0 : i32
        %dma_start3A_381 = tpu.memref_slice %arg11[%dma_start3A_379, %dma_start3A_380] : memref<10000x16xf32, #tpu.memory_space<vmem_shared>> -> memref<10000x16xf32, #tpu.memory_space<vmem_shared>>
        %dma_start3A_382 = tpu.memref_slice %arg12[%dma_start3A_371] : memref<6x!tpu.dma_semaphore, #tpu.memory_space<semaphore_mem>> -> memref<1x!tpu.dma_semaphore, #tpu.memory_space<semaphore_mem>>
        %dma_start3A_383 = tpu.memref_squeeze %dma_start3A_382 : memref<1x!tpu.dma_semaphore, #tpu.memory_space<semaphore_mem>> -> memref<!tpu.dma_semaphore, #tpu.memory_space<semaphore_mem>>
        tpu.enqueue_indirect_dma source(%dma_start3A_381 : memref<10000x16xf32, #tpu.memory_space<vmem_shared>>) target(%dma_start3A_375 : memref<128x16xf32, #tpu.memory_space<vmem>>) offsets(%dma_start3A_378 : memref<128xi32, #tpu.memory_space<vmem>>) semaphore(%dma_start3A_383 : memref<!tpu.dma_semaphore, #tpu.memory_space<semaphore_mem>>)
      } else {
      }
    }
    %scan3A_57 = arith.constant 14 : i32
    %dma_wait3A = arith.constant 3 : i32
    %dma_wait3A_58 = arith.constant 81 : i32
    %dma_wait3A_59 = arith.constant 3 : i32
    %dma_wait3A_60 = arith.constant 0 : i32
    %dma_wait3A_61 = arith.constant 0 : i32
    %dma_wait3A_62 = tpu.memref_slice %arg9[%dma_wait3A, %dma_wait3A_60, %dma_wait3A_61] : memref<6x128x16xf32, #tpu.memory_space<vmem>> -> memref<1x128x16xf32, #tpu.memory_space<vmem>>
    %dma_wait3A_63 = tpu.memref_squeeze %dma_wait3A_62 : memref<1x128x16xf32, #tpu.memory_space<vmem>> -> memref<128x16xf32, #tpu.memory_space<vmem>>
    %dma_wait3A_64 = arith.constant 0 : i32
    %dma_wait3A_65 = tpu.memref_slice %arg8[%dma_wait3A_58, %dma_wait3A_64] : memref<84x128xi32, #tpu.memory_space<vmem>> -> memref<1x128xi32, #tpu.memory_space<vmem>>
    %dma_wait3A_66 = tpu.memref_squeeze %dma_wait3A_65 : memref<1x128xi32, #tpu.memory_space<vmem>> -> memref<128xi32, #tpu.memory_space<vmem>>
    %dma_wait3A_67 = arith.constant 0 : i32
    %dma_wait3A_68 = arith.constant 0 : i32
    %dma_wait3A_69 = tpu.memref_slice %arg10[%dma_wait3A_67, %dma_wait3A_68] : memref<10240x16xf32, #tpu.memory_space<vmem_shared>> -> memref<10240x16xf32, #tpu.memory_space<vmem_shared>>
    %dma_wait3A_70 = tpu.memref_slice %arg13[%dma_wait3A_59] : memref<6x!tpu.dma_semaphore, #tpu.memory_space<semaphore_mem>> -> memref<1x!tpu.dma_semaphore, #tpu.memory_space<semaphore_mem>>
    %dma_wait3A_71 = tpu.memref_squeeze %dma_wait3A_70 : memref<1x!tpu.dma_semaphore, #tpu.memory_space<semaphore_mem>> -> memref<!tpu.dma_semaphore, #tpu.memory_space<semaphore_mem>>
    tpu.wait_indirect_dma semaphore(%dma_wait3A_71 : memref<!tpu.dma_semaphore, #tpu.memory_space<semaphore_mem>>) src(%dma_wait3A_63 : memref<128x16xf32, #tpu.memory_space<vmem>>) dst(%dma_wait3A_69 : memref<10240x16xf32, #tpu.memory_space<vmem_shared>>)
    %dma_wait3A_72 = arith.constant 4 : i32
    %dma_wait3A_73 = arith.constant 82 : i32
    %dma_wait3A_74 = arith.constant 4 : i32
    %dma_wait3A_75 = arith.constant 0 : i32
    %dma_wait3A_76 = arith.constant 0 : i32
    %dma_wait3A_77 = tpu.memref_slice %arg9[%dma_wait3A_72, %dma_wait3A_75, %dma_wait3A_76] : memref<6x128x16xf32, #tpu.memory_space<vmem>> -> memref<1x128x16xf32, #tpu.memory_space<vmem>>
    %dma_wait3A_78 = tpu.memref_squeeze %dma_wait3A_77 : memref<1x128x16xf32, #tpu.memory_space<vmem>> -> memref<128x16xf32, #tpu.memory_space<vmem>>
    %dma_wait3A_79 = arith.constant 0 : i32
    %dma_wait3A_80 = tpu.memref_slice %arg8[%dma_wait3A_73, %dma_wait3A_79] : memref<84x128xi32, #tpu.memory_space<vmem>> -> memref<1x128xi32, #tpu.memory_space<vmem>>
    %dma_wait3A_81 = tpu.memref_squeeze %dma_wait3A_80 : memref<1x128xi32, #tpu.memory_space<vmem>> -> memref<128xi32, #tpu.memory_space<vmem>>
    %dma_wait3A_82 = arith.constant 0 : i32
    %dma_wait3A_83 = arith.constant 0 : i32
    %dma_wait3A_84 = tpu.memref_slice %arg10[%dma_wait3A_82, %dma_wait3A_83] : memref<10240x16xf32, #tpu.memory_space<vmem_shared>> -> memref<10240x16xf32, #tpu.memory_space<vmem_shared>>
    %dma_wait3A_85 = tpu.memref_slice %arg13[%dma_wait3A_74] : memref<6x!tpu.dma_semaphore, #tpu.memory_space<semaphore_mem>> -> memref<1x!tpu.dma_semaphore, #tpu.memory_space<semaphore_mem>>
    %dma_wait3A_86 = tpu.memref_squeeze %dma_wait3A_85 : memref<1x!tpu.dma_semaphore, #tpu.memory_space<semaphore_mem>> -> memref<!tpu.dma_semaphore, #tpu.memory_space<semaphore_mem>>
    tpu.wait_indirect_dma semaphore(%dma_wait3A_86 : memref<!tpu.dma_semaphore, #tpu.memory_space<semaphore_mem>>) src(%dma_wait3A_78 : memref<128x16xf32, #tpu.memory_space<vmem>>) dst(%dma_wait3A_84 : memref<10240x16xf32, #tpu.memory_space<vmem_shared>>)
    %dma_wait3A_87 = arith.constant 5 : i32
    %dma_wait3A_88 = arith.constant 83 : i32
    %dma_wait3A_89 = arith.constant 5 : i32
    %dma_wait3A_90 = arith.constant 0 : i32
    %dma_wait3A_91 = arith.constant 0 : i32
    %dma_wait3A_92 = tpu.memref_slice %arg9[%dma_wait3A_87, %dma_wait3A_90, %dma_wait3A_91] : memref<6x128x16xf32, #tpu.memory_space<vmem>> -> memref<1x128x16xf32, #tpu.memory_space<vmem>>
    %dma_wait3A_93 = tpu.memref_squeeze %dma_wait3A_92 : memref<1x128x16xf32, #tpu.memory_space<vmem>> -> memref<128x16xf32, #tpu.memory_space<vmem>>
    %dma_wait3A_94 = arith.constant 0 : i32
    %dma_wait3A_95 = tpu.memref_slice %arg8[%dma_wait3A_88, %dma_wait3A_94] : memref<84x128xi32, #tpu.memory_space<vmem>> -> memref<1x128xi32, #tpu.memory_space<vmem>>
    %dma_wait3A_96 = tpu.memref_squeeze %dma_wait3A_95 : memref<1x128xi32, #tpu.memory_space<vmem>> -> memref<128xi32, #tpu.memory_space<vmem>>
    %dma_wait3A_97 = arith.constant 0 : i32
    %dma_wait3A_98 = arith.constant 0 : i32
    %dma_wait3A_99 = tpu.memref_slice %arg10[%dma_wait3A_97, %dma_wait3A_98] : memref<10240x16xf32, #tpu.memory_space<vmem_shared>> -> memref<10240x16xf32, #tpu.memory_space<vmem_shared>>
    %dma_wait3A_100 = tpu.memref_slice %arg13[%dma_wait3A_89] : memref<6x!tpu.dma_semaphore, #tpu.memory_space<semaphore_mem>> -> memref<1x!tpu.dma_semaphore, #tpu.memory_space<semaphore_mem>>
    %dma_wait3A_101 = tpu.memref_squeeze %dma_wait3A_100 : memref<1x!tpu.dma_semaphore, #tpu.memory_space<semaphore_mem>> -> memref<!tpu.dma_semaphore, #tpu.memory_space<semaphore_mem>>
    tpu.wait_indirect_dma semaphore(%dma_wait3A_101 : memref<!tpu.dma_semaphore, #tpu.memory_space<semaphore_mem>>) src(%dma_wait3A_93 : memref<128x16xf32, #tpu.memory_space<vmem>>) dst(%dma_wait3A_99 : memref<10240x16xf32, #tpu.memory_space<vmem_shared>>)
    %barrier3A_102 = arith.constant 0 : index
    tpu.barrier barrier_id(%barrier3A_102)
    %mul3A_103 = arith.constant 640 : i32
    %mul3A_104 = arith.muli %arg1, %mul3A_103 : i32
    %mul3A_105 = arith.constant 640 : i32
    %mul3A_106 = arith.muli %arg1, %mul3A_105 : i32
    "tpu.region"() ({
      %run_scoped3A = tpu.sem_alloc : memref<!tpu.dma_semaphore, #tpu.memory_space<semaphore_mem>>
      %dma_start3A_107 = arith.constant 0 : i32
      %dma_start3A_108 = tpu.memref_slice %arg6[%arg0, %mul3A_106, %dma_start3A_107] : memref<2x10240x16xf32, #tpu.memory_space<hbm>> -> memref<1x640x16xf32, #tpu.memory_space<hbm>>
      %dma_start3A_109 = tpu.memref_squeeze %dma_start3A_108 : memref<1x640x16xf32, #tpu.memory_space<hbm>> -> memref<640x16xf32, #tpu.memory_space<hbm>>
      %dma_start3A_110 = arith.constant 0 : i32
      %dma_start3A_111 = tpu.memref_slice %arg10[%mul3A_104, %dma_start3A_110] : memref<10240x16xf32, #tpu.memory_space<vmem_shared>> -> memref<640x16xf32, #tpu.memory_space<vmem_shared>>
      tpu.enqueue_dma source(%dma_start3A_111 : memref<640x16xf32, #tpu.memory_space<vmem_shared>>) target(%dma_start3A_109 : memref<640x16xf32, #tpu.memory_space<hbm>>) target_semaphore(%run_scoped3A : memref<!tpu.dma_semaphore, #tpu.memory_space<semaphore_mem>>)
      %dma_wait3A_112 = arith.constant 0 : i32
      %dma_wait3A_113 = tpu.memref_slice %arg6[%arg0, %mul3A_106, %dma_wait3A_112] : memref<2x10240x16xf32, #tpu.memory_space<hbm>> -> memref<1x640x16xf32, #tpu.memory_space<hbm>>
      %dma_wait3A_114 = tpu.memref_squeeze %dma_wait3A_113 : memref<1x640x16xf32, #tpu.memory_space<hbm>> -> memref<640x16xf32, #tpu.memory_space<hbm>>
      %dma_wait3A_115 = arith.constant 0 : i32
      %dma_wait3A_116 = tpu.memref_slice %arg10[%mul3A_104, %dma_wait3A_115] : memref<10240x16xf32, #tpu.memory_space<vmem_shared>> -> memref<640x16xf32, #tpu.memory_space<vmem_shared>>
      tpu.wait_dma2 semaphore(%run_scoped3A : memref<!tpu.dma_semaphore, #tpu.memory_space<semaphore_mem>>) src(%dma_wait3A_116 : memref<640x16xf32, #tpu.memory_space<vmem_shared>>) dst(%dma_wait3A_114 : memref<640x16xf32, #tpu.memory_space<hbm>>)
      tpu.yield
    }) : () -> ()
    return
  }
}

#map = affine_map<(d0, d1) -> (0, 0, 0)>
#map1 = affine_map<(d0, d1) -> (0, 0)>
#map2 = affine_map<(d0, d1) -> (0)>
module attributes {stable_mosaic.version = 14 : i64} {
  func.func @agg_fused_kernel(%arg0: i32, %arg1: i32, %arg2: memref<2x10240x16xf32, #tpu.memory_space<hbm>>, %arg3: memref<10240x16xf32, #tpu.memory_space<hbm>>, %arg4: memref<16xf32, #tpu.memory_space<hbm>>, %arg5: memref<32x84x128xi32, #tpu.memory_space<hbm>>, %arg6: memref<32x84x128xi32, #tpu.memory_space<hbm>>, %arg7: memref<10240x16xf32, #tpu.memory_space<hbm>>, %arg8: memref<2x10240x16xf32, #tpu.memory_space<hbm>>, %arg9: memref<84x128xi32, #tpu.memory_space<vmem>>, %arg10: memref<84x128xi32, #tpu.memory_space<vmem>>, %arg11: memref<6x128x16xf32, #tpu.memory_space<vmem>>, %arg12: memref<10240x16xf32, #tpu.memory_space<vmem_shared>>, %arg13: memref<10240x16xf32, #tpu.memory_space<vmem_shared>>, %arg14: memref<6x!tpu.dma_semaphore, #tpu.memory_space<semaphore_mem>>, %arg15: memref<6x!tpu.dma_semaphore, #tpu.memory_space<semaphore_mem>>, %arg16: memref<640x16xf32, #tpu.memory_space<vmem>>, %arg17: memref<640x16xf32, #tpu.memory_space<vmem>>, %arg18: memref<640x16xf32, #tpu.memory_space<vmem>>, %arg19: memref<640x16xf32, #tpu.memory_space<vmem>>, %arg20: memref<16xf32, #tpu.memory_space<vmem>>) attributes {dimension_semantics = [#tpu.dimension_semantics<core_parallel>, #tpu.dimension_semantics<subcore_parallel>], iteration_bounds = array<i64: 2, 16>, scalar_prefetch = 0 : i64, scratch_operands = 12 : i64, tpu.core_type = #tpu.core_type<sc_vector_subcore>, window_params = [{transform_indices = #map}, {transform_indices = #map1}, {transform_indices = #map2}, {transform_indices = #map}, {transform_indices = #map}, {transform_indices = #map1}, {transform_indices = #map}]} {
    %mul3A = arith.constant 16 : i32
    %mul3A_0 = arith.muli %arg0, %mul3A : i32
    %add3A = arith.addi %mul3A_0, %arg1 : i32
    %mul3A_1 = arith.constant 640 : i32
    %mul3A_2 = arith.muli %arg1, %mul3A_1 : i32
    "tpu.region"() ({
      %run_scoped3A_110 = tpu.sem_alloc : memref<!tpu.dma_semaphore, #tpu.memory_space<semaphore_mem>>
      %dma_start3A_111 = arith.constant 0 : i32
      %dma_start3A_112 = arith.constant 0 : i32
      %dma_start3A_113 = tpu.memref_slice %arg5[%add3A, %dma_start3A_111, %dma_start3A_112] : memref<32x84x128xi32, #tpu.memory_space<hbm>> -> memref<1x84x128xi32, #tpu.memory_space<hbm>>
      %dma_start3A_114 = tpu.memref_squeeze %dma_start3A_113 : memref<1x84x128xi32, #tpu.memory_space<hbm>> -> memref<84x128xi32, #tpu.memory_space<hbm>>
      %dma_start3A_115 = arith.constant 0 : i32
      %dma_start3A_116 = arith.constant 0 : i32
      %dma_start3A_117 = tpu.memref_slice %arg5[%add3A, %dma_start3A_115, %dma_start3A_116] : memref<32x84x128xi32, #tpu.memory_space<hbm>> -> memref<1x84x128xi32, #tpu.memory_space<hbm>>
      %dma_start3A_118 = tpu.memref_squeeze %dma_start3A_117 : memref<1x84x128xi32, #tpu.memory_space<hbm>> -> memref<84x128xi32, #tpu.memory_space<hbm>>
      tpu.enqueue_dma source(%dma_start3A_118 : memref<84x128xi32, #tpu.memory_space<hbm>>) target(%arg9 : memref<84x128xi32, #tpu.memory_space<vmem>>) target_semaphore(%run_scoped3A_110 : memref<!tpu.dma_semaphore, #tpu.memory_space<semaphore_mem>>)
      %dma_wait3A_119 = arith.constant 0 : i32
      %dma_wait3A_120 = arith.constant 0 : i32
      %dma_wait3A_121 = tpu.memref_slice %arg5[%add3A, %dma_wait3A_119, %dma_wait3A_120] : memref<32x84x128xi32, #tpu.memory_space<hbm>> -> memref<1x84x128xi32, #tpu.memory_space<hbm>>
      %dma_wait3A_122 = tpu.memref_squeeze %dma_wait3A_121 : memref<1x84x128xi32, #tpu.memory_space<hbm>> -> memref<84x128xi32, #tpu.memory_space<hbm>>
      %dma_wait3A_123 = arith.constant 0 : i32
      %dma_wait3A_124 = arith.constant 0 : i32
      %dma_wait3A_125 = tpu.memref_slice %arg5[%add3A, %dma_wait3A_123, %dma_wait3A_124] : memref<32x84x128xi32, #tpu.memory_space<hbm>> -> memref<1x84x128xi32, #tpu.memory_space<hbm>>
      %dma_wait3A_126 = tpu.memref_squeeze %dma_wait3A_125 : memref<1x84x128xi32, #tpu.memory_space<hbm>> -> memref<84x128xi32, #tpu.memory_space<hbm>>
      tpu.wait_dma2 semaphore(%run_scoped3A_110 : memref<!tpu.dma_semaphore, #tpu.memory_space<semaphore_mem>>) src(%dma_wait3A_126 : memref<84x128xi32, #tpu.memory_space<hbm>>) dst(%arg9 : memref<84x128xi32, #tpu.memory_space<vmem>>)
      tpu.yield
    }) : () -> ()
    "tpu.region"() ({
      %run_scoped3A_110 = tpu.sem_alloc : memref<!tpu.dma_semaphore, #tpu.memory_space<semaphore_mem>>
      %dma_start3A_111 = arith.constant 0 : i32
      %dma_start3A_112 = arith.constant 0 : i32
      %dma_start3A_113 = tpu.memref_slice %arg6[%add3A, %dma_start3A_111, %dma_start3A_112] : memref<32x84x128xi32, #tpu.memory_space<hbm>> -> memref<1x84x128xi32, #tpu.memory_space<hbm>>
      %dma_start3A_114 = tpu.memref_squeeze %dma_start3A_113 : memref<1x84x128xi32, #tpu.memory_space<hbm>> -> memref<84x128xi32, #tpu.memory_space<hbm>>
      %dma_start3A_115 = arith.constant 0 : i32
      %dma_start3A_116 = arith.constant 0 : i32
      %dma_start3A_117 = tpu.memref_slice %arg6[%add3A, %dma_start3A_115, %dma_start3A_116] : memref<32x84x128xi32, #tpu.memory_space<hbm>> -> memref<1x84x128xi32, #tpu.memory_space<hbm>>
      %dma_start3A_118 = tpu.memref_squeeze %dma_start3A_117 : memref<1x84x128xi32, #tpu.memory_space<hbm>> -> memref<84x128xi32, #tpu.memory_space<hbm>>
      tpu.enqueue_dma source(%dma_start3A_118 : memref<84x128xi32, #tpu.memory_space<hbm>>) target(%arg10 : memref<84x128xi32, #tpu.memory_space<vmem>>) target_semaphore(%run_scoped3A_110 : memref<!tpu.dma_semaphore, #tpu.memory_space<semaphore_mem>>)
      %dma_wait3A_119 = arith.constant 0 : i32
      %dma_wait3A_120 = arith.constant 0 : i32
      %dma_wait3A_121 = tpu.memref_slice %arg6[%add3A, %dma_wait3A_119, %dma_wait3A_120] : memref<32x84x128xi32, #tpu.memory_space<hbm>> -> memref<1x84x128xi32, #tpu.memory_space<hbm>>
      %dma_wait3A_122 = tpu.memref_squeeze %dma_wait3A_121 : memref<1x84x128xi32, #tpu.memory_space<hbm>> -> memref<84x128xi32, #tpu.memory_space<hbm>>
      %dma_wait3A_123 = arith.constant 0 : i32
      %dma_wait3A_124 = arith.constant 0 : i32
      %dma_wait3A_125 = tpu.memref_slice %arg6[%add3A, %dma_wait3A_123, %dma_wait3A_124] : memref<32x84x128xi32, #tpu.memory_space<hbm>> -> memref<1x84x128xi32, #tpu.memory_space<hbm>>
      %dma_wait3A_126 = tpu.memref_squeeze %dma_wait3A_125 : memref<1x84x128xi32, #tpu.memory_space<hbm>> -> memref<84x128xi32, #tpu.memory_space<hbm>>
      tpu.wait_dma2 semaphore(%run_scoped3A_110 : memref<!tpu.dma_semaphore, #tpu.memory_space<semaphore_mem>>) src(%dma_wait3A_126 : memref<84x128xi32, #tpu.memory_space<hbm>>) dst(%arg10 : memref<84x128xi32, #tpu.memory_space<vmem>>)
      tpu.yield
    }) : () -> ()
    %run_scoped3A = arith.constant 0 : i32
    "tpu.region"() ({
      %run_scoped3A_110 = tpu.sem_alloc : memref<!tpu.dma_semaphore, #tpu.memory_space<semaphore_mem>>
      %dma_start3A_111 = arith.constant 0 : i32
      %dma_start3A_112 = tpu.memref_slice %arg2[%run_scoped3A, %mul3A_2, %dma_start3A_111] : memref<2x10240x16xf32, #tpu.memory_space<hbm>> -> memref<1x640x16xf32, #tpu.memory_space<hbm>>
      %dma_start3A_113 = tpu.memref_squeeze %dma_start3A_112 : memref<1x640x16xf32, #tpu.memory_space<hbm>> -> memref<640x16xf32, #tpu.memory_space<hbm>>
      %dma_start3A_114 = arith.constant 0 : i32
      %dma_start3A_115 = tpu.memref_slice %arg2[%run_scoped3A, %mul3A_2, %dma_start3A_114] : memref<2x10240x16xf32, #tpu.memory_space<hbm>> -> memref<1x640x16xf32, #tpu.memory_space<hbm>>
      %dma_start3A_116 = tpu.memref_squeeze %dma_start3A_115 : memref<1x640x16xf32, #tpu.memory_space<hbm>> -> memref<640x16xf32, #tpu.memory_space<hbm>>
      tpu.enqueue_dma source(%dma_start3A_116 : memref<640x16xf32, #tpu.memory_space<hbm>>) target(%arg16 : memref<640x16xf32, #tpu.memory_space<vmem>>) target_semaphore(%run_scoped3A_110 : memref<!tpu.dma_semaphore, #tpu.memory_space<semaphore_mem>>)
      %dma_wait3A_117 = arith.constant 0 : i32
      %dma_wait3A_118 = tpu.memref_slice %arg2[%run_scoped3A, %mul3A_2, %dma_wait3A_117] : memref<2x10240x16xf32, #tpu.memory_space<hbm>> -> memref<1x640x16xf32, #tpu.memory_space<hbm>>
      %dma_wait3A_119 = tpu.memref_squeeze %dma_wait3A_118 : memref<1x640x16xf32, #tpu.memory_space<hbm>> -> memref<640x16xf32, #tpu.memory_space<hbm>>
      %dma_wait3A_120 = arith.constant 0 : i32
      %dma_wait3A_121 = tpu.memref_slice %arg2[%run_scoped3A, %mul3A_2, %dma_wait3A_120] : memref<2x10240x16xf32, #tpu.memory_space<hbm>> -> memref<1x640x16xf32, #tpu.memory_space<hbm>>
      %dma_wait3A_122 = tpu.memref_squeeze %dma_wait3A_121 : memref<1x640x16xf32, #tpu.memory_space<hbm>> -> memref<640x16xf32, #tpu.memory_space<hbm>>
      tpu.wait_dma2 semaphore(%run_scoped3A_110 : memref<!tpu.dma_semaphore, #tpu.memory_space<semaphore_mem>>) src(%dma_wait3A_122 : memref<640x16xf32, #tpu.memory_space<hbm>>) dst(%arg16 : memref<640x16xf32, #tpu.memory_space<vmem>>)
      tpu.yield
    }) : () -> ()
    %run_scoped3A_3 = arith.constant 1 : i32
    "tpu.region"() ({
      %run_scoped3A_110 = tpu.sem_alloc : memref<!tpu.dma_semaphore, #tpu.memory_space<semaphore_mem>>
      %dma_start3A_111 = arith.constant 0 : i32
      %dma_start3A_112 = tpu.memref_slice %arg2[%run_scoped3A_3, %mul3A_2, %dma_start3A_111] : memref<2x10240x16xf32, #tpu.memory_space<hbm>> -> memref<1x640x16xf32, #tpu.memory_space<hbm>>
      %dma_start3A_113 = tpu.memref_squeeze %dma_start3A_112 : memref<1x640x16xf32, #tpu.memory_space<hbm>> -> memref<640x16xf32, #tpu.memory_space<hbm>>
      %dma_start3A_114 = arith.constant 0 : i32
      %dma_start3A_115 = tpu.memref_slice %arg2[%run_scoped3A_3, %mul3A_2, %dma_start3A_114] : memref<2x10240x16xf32, #tpu.memory_space<hbm>> -> memref<1x640x16xf32, #tpu.memory_space<hbm>>
      %dma_start3A_116 = tpu.memref_squeeze %dma_start3A_115 : memref<1x640x16xf32, #tpu.memory_space<hbm>> -> memref<640x16xf32, #tpu.memory_space<hbm>>
      tpu.enqueue_dma source(%dma_start3A_116 : memref<640x16xf32, #tpu.memory_space<hbm>>) target(%arg17 : memref<640x16xf32, #tpu.memory_space<vmem>>) target_semaphore(%run_scoped3A_110 : memref<!tpu.dma_semaphore, #tpu.memory_space<semaphore_mem>>)
      %dma_wait3A_117 = arith.constant 0 : i32
      %dma_wait3A_118 = tpu.memref_slice %arg2[%run_scoped3A_3, %mul3A_2, %dma_wait3A_117] : memref<2x10240x16xf32, #tpu.memory_space<hbm>> -> memref<1x640x16xf32, #tpu.memory_space<hbm>>
      %dma_wait3A_119 = tpu.memref_squeeze %dma_wait3A_118 : memref<1x640x16xf32, #tpu.memory_space<hbm>> -> memref<640x16xf32, #tpu.memory_space<hbm>>
      %dma_wait3A_120 = arith.constant 0 : i32
      %dma_wait3A_121 = tpu.memref_slice %arg2[%run_scoped3A_3, %mul3A_2, %dma_wait3A_120] : memref<2x10240x16xf32, #tpu.memory_space<hbm>> -> memref<1x640x16xf32, #tpu.memory_space<hbm>>
      %dma_wait3A_122 = tpu.memref_squeeze %dma_wait3A_121 : memref<1x640x16xf32, #tpu.memory_space<hbm>> -> memref<640x16xf32, #tpu.memory_space<hbm>>
      tpu.wait_dma2 semaphore(%run_scoped3A_110 : memref<!tpu.dma_semaphore, #tpu.memory_space<semaphore_mem>>) src(%dma_wait3A_122 : memref<640x16xf32, #tpu.memory_space<hbm>>) dst(%arg17 : memref<640x16xf32, #tpu.memory_space<vmem>>)
      tpu.yield
    }) : () -> ()
    "tpu.region"() ({
      %run_scoped3A_110 = tpu.sem_alloc : memref<!tpu.dma_semaphore, #tpu.memory_space<semaphore_mem>>
      %dma_start3A_111 = arith.constant 0 : i32
      %dma_start3A_112 = tpu.memref_slice %arg3[%mul3A_2, %dma_start3A_111] : memref<10240x16xf32, #tpu.memory_space<hbm>> -> memref<640x16xf32, #tpu.memory_space<hbm>>
      %dma_start3A_113 = arith.constant 0 : i32
      %dma_start3A_114 = tpu.memref_slice %arg3[%mul3A_2, %dma_start3A_113] : memref<10240x16xf32, #tpu.memory_space<hbm>> -> memref<640x16xf32, #tpu.memory_space<hbm>>
      tpu.enqueue_dma source(%dma_start3A_114 : memref<640x16xf32, #tpu.memory_space<hbm>>) target(%arg19 : memref<640x16xf32, #tpu.memory_space<vmem>>) target_semaphore(%run_scoped3A_110 : memref<!tpu.dma_semaphore, #tpu.memory_space<semaphore_mem>>)
      %dma_wait3A_115 = arith.constant 0 : i32
      %dma_wait3A_116 = tpu.memref_slice %arg3[%mul3A_2, %dma_wait3A_115] : memref<10240x16xf32, #tpu.memory_space<hbm>> -> memref<640x16xf32, #tpu.memory_space<hbm>>
      %dma_wait3A_117 = arith.constant 0 : i32
      %dma_wait3A_118 = tpu.memref_slice %arg3[%mul3A_2, %dma_wait3A_117] : memref<10240x16xf32, #tpu.memory_space<hbm>> -> memref<640x16xf32, #tpu.memory_space<hbm>>
      tpu.wait_dma2 semaphore(%run_scoped3A_110 : memref<!tpu.dma_semaphore, #tpu.memory_space<semaphore_mem>>) src(%dma_wait3A_118 : memref<640x16xf32, #tpu.memory_space<hbm>>) dst(%arg19 : memref<640x16xf32, #tpu.memory_space<vmem>>)
      tpu.yield
    }) : () -> ()
    "tpu.region"() ({
      %run_scoped3A_110 = tpu.sem_alloc : memref<!tpu.dma_semaphore, #tpu.memory_space<semaphore_mem>>
      tpu.enqueue_dma source(%arg4 : memref<16xf32, #tpu.memory_space<hbm>>) target(%arg20 : memref<16xf32, #tpu.memory_space<vmem>>) target_semaphore(%run_scoped3A_110 : memref<!tpu.dma_semaphore, #tpu.memory_space<semaphore_mem>>)
      tpu.wait_dma2 semaphore(%run_scoped3A_110 : memref<!tpu.dma_semaphore, #tpu.memory_space<semaphore_mem>>) src(%arg4 : memref<16xf32, #tpu.memory_space<hbm>>) dst(%arg20 : memref<16xf32, #tpu.memory_space<vmem>>)
      tpu.yield
    }) : () -> ()
    "tpu.region"() ({
      %run_scoped3A_110 = tpu.sem_alloc : memref<!tpu.dma_semaphore, #tpu.memory_space<semaphore_mem>>
      %dma_start3A_111 = arith.constant 0 : i32
      %dma_start3A_112 = tpu.memref_slice %arg12[%mul3A_2, %dma_start3A_111] : memref<10240x16xf32, #tpu.memory_space<vmem_shared>> -> memref<640x16xf32, #tpu.memory_space<vmem_shared>>
      %dma_start3A_113 = arith.constant 0 : i32
      %dma_start3A_114 = tpu.memref_slice %arg7[%mul3A_2, %dma_start3A_113] : memref<10240x16xf32, #tpu.memory_space<hbm>> -> memref<640x16xf32, #tpu.memory_space<hbm>>
      tpu.enqueue_dma source(%dma_start3A_114 : memref<640x16xf32, #tpu.memory_space<hbm>>) target(%dma_start3A_112 : memref<640x16xf32, #tpu.memory_space<vmem_shared>>) target_semaphore(%run_scoped3A_110 : memref<!tpu.dma_semaphore, #tpu.memory_space<semaphore_mem>>)
      %dma_wait3A_115 = arith.constant 0 : i32
      %dma_wait3A_116 = tpu.memref_slice %arg12[%mul3A_2, %dma_wait3A_115] : memref<10240x16xf32, #tpu.memory_space<vmem_shared>> -> memref<640x16xf32, #tpu.memory_space<vmem_shared>>
      %dma_wait3A_117 = arith.constant 0 : i32
      %dma_wait3A_118 = tpu.memref_slice %arg7[%mul3A_2, %dma_wait3A_117] : memref<10240x16xf32, #tpu.memory_space<hbm>> -> memref<640x16xf32, #tpu.memory_space<hbm>>
      tpu.wait_dma2 semaphore(%run_scoped3A_110 : memref<!tpu.dma_semaphore, #tpu.memory_space<semaphore_mem>>) src(%dma_wait3A_118 : memref<640x16xf32, #tpu.memory_space<hbm>>) dst(%dma_wait3A_116 : memref<640x16xf32, #tpu.memory_space<vmem_shared>>)
      tpu.yield
    }) : () -> ()
    %get3A = arith.constant 0 : index
    %get3A_4 = tpu.vector_load %arg20[%get3A] {strides = array<i32>} : memref<16xf32, #tpu.memory_space<vmem>>, vector<16xf32>,
    %get3A_5 = vector.shape_cast %get3A_4 : vector<16xf32> to vector<16xf32>
    %scan3A = arith.constant 0 : i32
    %scan3A_6 = arith.constant 0 : i32
    %scan3A_7 = arith.constant 640 : i32
    %scan3A_8 = arith.addi %scan3A_6, %scan3A_7 : i32
    %scan3A_9 = arith.constant 1 : i32
    scf.for %scan3A_110 = %scan3A_6 to %scan3A_8 step %scan3A_9  : i32 {
      %get3A_111 = arith.index_cast %scan3A_110 : i32 to index
      %get3A_112 = arith.constant 0 : index
      %get3A_113 = tpu.vector_load %arg19[%get3A_111, %get3A_112] {strides = array<i32>} : memref<640x16xf32, #tpu.memory_space<vmem>>, vector<1x16xf32>,
      %get3A_114 = vector.shape_cast %get3A_113 : vector<1x16xf32> to vector<16xf32>
      %get3A_115 = arith.index_cast %scan3A_110 : i32 to index
      %get3A_116 = arith.constant 0 : index
      %get3A_117 = tpu.vector_load %arg16[%get3A_115, %get3A_116] {strides = array<i32>} : memref<640x16xf32, #tpu.memory_space<vmem>>, vector<1x16xf32>,
      %get3A_118 = vector.shape_cast %get3A_117 : vector<1x16xf32> to vector<16xf32>
      %get3A_119 = arith.index_cast %scan3A_110 : i32 to index
      %get3A_120 = arith.constant 0 : index
      %get3A_121 = tpu.vector_load %arg17[%get3A_119, %get3A_120] {strides = array<i32>} : memref<640x16xf32, #tpu.memory_space<vmem>>, vector<1x16xf32>,
      %get3A_122 = vector.shape_cast %get3A_121 : vector<1x16xf32> to vector<16xf32>
      %add3A_123 = arith.addf %get3A_118, %get3A_122 : vector<16xf32>
      %mul3A_124 = arith.mulf %add3A_123, %get3A_114 : vector<16xf32>
      %add3A_125 = arith.addf %mul3A_124, %get3A_5 : vector<16xf32>
      %max3A = arith.constant 0.000000e+00 : f32
      %max3A_126 = vector.broadcast %max3A : f32 to vector<16xf32>
      %max3A_127 = arith.maximumf %add3A_125, %max3A_126 : vector<16xf32>
      %mul3A_128 = arith.mulf %max3A_127, %get3A_114 : vector<16xf32>
      %swap3A = arith.index_cast %scan3A_110 : i32 to index
      %swap3A_129 = arith.constant 0 : index
      %swap3A_130 = tpu.vector_load %arg18[%swap3A, %swap3A_129] {strides = array<i32>} : memref<640x16xf32, #tpu.memory_space<vmem>>, vector<1x16xf32>,
      %swap3A_131 = vector.shape_cast %swap3A_130 : vector<1x16xf32> to vector<16xf32>
      %swap3A_132 = vector.shape_cast %mul3A_128 : vector<16xf32> to vector<1x16xf32>
      tpu.vector_store %arg18[%swap3A, %swap3A_129], %swap3A_132 {strides = array<i32>} : memref<640x16xf32, #tpu.memory_space<vmem>>, vector<1x16xf32>,
    }
    %scan3A_10 = arith.constant 640 : i32
    "tpu.region"() ({
      %run_scoped3A_110 = tpu.sem_alloc : memref<!tpu.dma_semaphore, #tpu.memory_space<semaphore_mem>>
      %dma_start3A_111 = arith.constant 0 : i32
      %dma_start3A_112 = tpu.memref_slice %arg13[%mul3A_2, %dma_start3A_111] : memref<10240x16xf32, #tpu.memory_space<vmem_shared>> -> memref<640x16xf32, #tpu.memory_space<vmem_shared>>
      %dma_start3A_113 = arith.constant 0 : i32
      %dma_start3A_114 = tpu.memref_slice %arg13[%mul3A_2, %dma_start3A_113] : memref<10240x16xf32, #tpu.memory_space<vmem_shared>> -> memref<640x16xf32, #tpu.memory_space<vmem_shared>>
      tpu.enqueue_dma source(%arg18 : memref<640x16xf32, #tpu.memory_space<vmem>>) target(%dma_start3A_114 : memref<640x16xf32, #tpu.memory_space<vmem_shared>>) target_semaphore(%run_scoped3A_110 : memref<!tpu.dma_semaphore, #tpu.memory_space<semaphore_mem>>)
      %dma_wait3A_115 = arith.constant 0 : i32
      %dma_wait3A_116 = tpu.memref_slice %arg13[%mul3A_2, %dma_wait3A_115] : memref<10240x16xf32, #tpu.memory_space<vmem_shared>> -> memref<640x16xf32, #tpu.memory_space<vmem_shared>>
      %dma_wait3A_117 = arith.constant 0 : i32
      %dma_wait3A_118 = tpu.memref_slice %arg13[%mul3A_2, %dma_wait3A_117] : memref<10240x16xf32, #tpu.memory_space<vmem_shared>> -> memref<640x16xf32, #tpu.memory_space<vmem_shared>>
      tpu.wait_dma2 semaphore(%run_scoped3A_110 : memref<!tpu.dma_semaphore, #tpu.memory_space<semaphore_mem>>) src(%arg18 : memref<640x16xf32, #tpu.memory_space<vmem>>) dst(%dma_wait3A_118 : memref<640x16xf32, #tpu.memory_space<vmem_shared>>)
      tpu.yield
    }) : () -> ()
    %barrier3A = arith.constant 0 : index
    tpu.barrier barrier_id(%barrier3A)
    %dma_start3A = arith.constant 0 : i32
    %dma_start3A_11 = arith.constant 0 : i32
    %dma_start3A_12 = arith.constant 0 : i32
    %dma_start3A_13 = arith.constant 0 : i32
    %dma_start3A_14 = arith.constant 0 : i32
    %dma_start3A_15 = tpu.memref_slice %arg11[%dma_start3A_11, %dma_start3A_13, %dma_start3A_14] : memref<6x128x16xf32, #tpu.memory_space<vmem>> -> memref<1x128x16xf32, #tpu.memory_space<vmem>>
    %dma_start3A_16 = tpu.memref_squeeze %dma_start3A_15 : memref<1x128x16xf32, #tpu.memory_space<vmem>> -> memref<128x16xf32, #tpu.memory_space<vmem>>
    %dma_start3A_17 = arith.constant 0 : i32
    %dma_start3A_18 = tpu.memref_slice %arg9[%dma_start3A, %dma_start3A_17] : memref<84x128xi32, #tpu.memory_space<vmem>> -> memref<1x128xi32, #tpu.memory_space<vmem>>
    %dma_start3A_19 = tpu.memref_squeeze %dma_start3A_18 : memref<1x128xi32, #tpu.memory_space<vmem>> -> memref<128xi32, #tpu.memory_space<vmem>>
    %dma_start3A_20 = arith.constant 0 : i32
    %dma_start3A_21 = arith.constant 0 : i32
    %dma_start3A_22 = tpu.memref_slice %arg13[%dma_start3A_20, %dma_start3A_21] : memref<10240x16xf32, #tpu.memory_space<vmem_shared>> -> memref<10240x16xf32, #tpu.memory_space<vmem_shared>>
    %dma_start3A_23 = tpu.memref_slice %arg14[%dma_start3A_12] : memref<6x!tpu.dma_semaphore, #tpu.memory_space<semaphore_mem>> -> memref<1x!tpu.dma_semaphore, #tpu.memory_space<semaphore_mem>>
    %dma_start3A_24 = tpu.memref_squeeze %dma_start3A_23 : memref<1x!tpu.dma_semaphore, #tpu.memory_space<semaphore_mem>> -> memref<!tpu.dma_semaphore, #tpu.memory_space<semaphore_mem>>
    tpu.enqueue_indirect_dma source(%dma_start3A_22 : memref<10240x16xf32, #tpu.memory_space<vmem_shared>>) target(%dma_start3A_16 : memref<128x16xf32, #tpu.memory_space<vmem>>) offsets(%dma_start3A_19 : memref<128xi32, #tpu.memory_space<vmem>>) semaphore(%dma_start3A_24 : memref<!tpu.dma_semaphore, #tpu.memory_space<semaphore_mem>>)
    %dma_start3A_25 = arith.constant 1 : i32
    %dma_start3A_26 = arith.constant 1 : i32
    %dma_start3A_27 = arith.constant 1 : i32
    %dma_start3A_28 = arith.constant 0 : i32
    %dma_start3A_29 = arith.constant 0 : i32
    %dma_start3A_30 = tpu.memref_slice %arg11[%dma_start3A_26, %dma_start3A_28, %dma_start3A_29] : memref<6x128x16xf32, #tpu.memory_space<vmem>> -> memref<1x128x16xf32, #tpu.memory_space<vmem>>
    %dma_start3A_31 = tpu.memref_squeeze %dma_start3A_30 : memref<1x128x16xf32, #tpu.memory_space<vmem>> -> memref<128x16xf32, #tpu.memory_space<vmem>>
    %dma_start3A_32 = arith.constant 0 : i32
    %dma_start3A_33 = tpu.memref_slice %arg9[%dma_start3A_25, %dma_start3A_32] : memref<84x128xi32, #tpu.memory_space<vmem>> -> memref<1x128xi32, #tpu.memory_space<vmem>>
    %dma_start3A_34 = tpu.memref_squeeze %dma_start3A_33 : memref<1x128xi32, #tpu.memory_space<vmem>> -> memref<128xi32, #tpu.memory_space<vmem>>
    %dma_start3A_35 = arith.constant 0 : i32
    %dma_start3A_36 = arith.constant 0 : i32
    %dma_start3A_37 = tpu.memref_slice %arg13[%dma_start3A_35, %dma_start3A_36] : memref<10240x16xf32, #tpu.memory_space<vmem_shared>> -> memref<10240x16xf32, #tpu.memory_space<vmem_shared>>
    %dma_start3A_38 = tpu.memref_slice %arg14[%dma_start3A_27] : memref<6x!tpu.dma_semaphore, #tpu.memory_space<semaphore_mem>> -> memref<1x!tpu.dma_semaphore, #tpu.memory_space<semaphore_mem>>
    %dma_start3A_39 = tpu.memref_squeeze %dma_start3A_38 : memref<1x!tpu.dma_semaphore, #tpu.memory_space<semaphore_mem>> -> memref<!tpu.dma_semaphore, #tpu.memory_space<semaphore_mem>>
    tpu.enqueue_indirect_dma source(%dma_start3A_37 : memref<10240x16xf32, #tpu.memory_space<vmem_shared>>) target(%dma_start3A_31 : memref<128x16xf32, #tpu.memory_space<vmem>>) offsets(%dma_start3A_34 : memref<128xi32, #tpu.memory_space<vmem>>) semaphore(%dma_start3A_39 : memref<!tpu.dma_semaphore, #tpu.memory_space<semaphore_mem>>)
    %dma_start3A_40 = arith.constant 2 : i32
    %dma_start3A_41 = arith.constant 2 : i32
    %dma_start3A_42 = arith.constant 2 : i32
    %dma_start3A_43 = arith.constant 0 : i32
    %dma_start3A_44 = arith.constant 0 : i32
    %dma_start3A_45 = tpu.memref_slice %arg11[%dma_start3A_41, %dma_start3A_43, %dma_start3A_44] : memref<6x128x16xf32, #tpu.memory_space<vmem>> -> memref<1x128x16xf32, #tpu.memory_space<vmem>>
    %dma_start3A_46 = tpu.memref_squeeze %dma_start3A_45 : memref<1x128x16xf32, #tpu.memory_space<vmem>> -> memref<128x16xf32, #tpu.memory_space<vmem>>
    %dma_start3A_47 = arith.constant 0 : i32
    %dma_start3A_48 = tpu.memref_slice %arg9[%dma_start3A_40, %dma_start3A_47] : memref<84x128xi32, #tpu.memory_space<vmem>> -> memref<1x128xi32, #tpu.memory_space<vmem>>
    %dma_start3A_49 = tpu.memref_squeeze %dma_start3A_48 : memref<1x128xi32, #tpu.memory_space<vmem>> -> memref<128xi32, #tpu.memory_space<vmem>>
    %dma_start3A_50 = arith.constant 0 : i32
    %dma_start3A_51 = arith.constant 0 : i32
    %dma_start3A_52 = tpu.memref_slice %arg13[%dma_start3A_50, %dma_start3A_51] : memref<10240x16xf32, #tpu.memory_space<vmem_shared>> -> memref<10240x16xf32, #tpu.memory_space<vmem_shared>>
    %dma_start3A_53 = tpu.memref_slice %arg14[%dma_start3A_42] : memref<6x!tpu.dma_semaphore, #tpu.memory_space<semaphore_mem>> -> memref<1x!tpu.dma_semaphore, #tpu.memory_space<semaphore_mem>>
    %dma_start3A_54 = tpu.memref_squeeze %dma_start3A_53 : memref<1x!tpu.dma_semaphore, #tpu.memory_space<semaphore_mem>> -> memref<!tpu.dma_semaphore, #tpu.memory_space<semaphore_mem>>
    tpu.enqueue_indirect_dma source(%dma_start3A_52 : memref<10240x16xf32, #tpu.memory_space<vmem_shared>>) target(%dma_start3A_46 : memref<128x16xf32, #tpu.memory_space<vmem>>) offsets(%dma_start3A_49 : memref<128xi32, #tpu.memory_space<vmem>>) semaphore(%dma_start3A_54 : memref<!tpu.dma_semaphore, #tpu.memory_space<semaphore_mem>>)
    %scan3A_55 = arith.constant 0 : i32
    %scan3A_56 = arith.constant 0 : i32
    %scan3A_57 = arith.constant 14 : i32
    %scan3A_58 = arith.addi %scan3A_56, %scan3A_57 : i32
    %scan3A_59 = arith.constant 1 : i32
    scf.for %scan3A_110 = %scan3A_56 to %scan3A_58 step %scan3A_59  : i32 {
      %mul3A_111 = arith.constant 6 : i32
      %mul3A_112 = arith.muli %scan3A_110, %mul3A_111 : i32
      %add3A_113 = arith.constant 0 : i32
      %add3A_114 = arith.addi %mul3A_112, %add3A_113 : i32
      %dma_wait3A_115 = arith.constant 0 : i32
      %dma_wait3A_116 = arith.constant 0 : i32
      %dma_wait3A_117 = arith.constant 0 : i32
      %dma_wait3A_118 = arith.constant 0 : i32
      %dma_wait3A_119 = tpu.memref_slice %arg11[%dma_wait3A_115, %dma_wait3A_117, %dma_wait3A_118] : memref<6x128x16xf32, #tpu.memory_space<vmem>> -> memref<1x128x16xf32, #tpu.memory_space<vmem>>
      %dma_wait3A_120 = tpu.memref_squeeze %dma_wait3A_119 : memref<1x128x16xf32, #tpu.memory_space<vmem>> -> memref<128x16xf32, #tpu.memory_space<vmem>>
      %dma_wait3A_121 = arith.constant 0 : i32
      %dma_wait3A_122 = tpu.memref_slice %arg9[%add3A_114, %dma_wait3A_121] : memref<84x128xi32, #tpu.memory_space<vmem>> -> memref<1x128xi32, #tpu.memory_space<vmem>>
      %dma_wait3A_123 = tpu.memref_squeeze %dma_wait3A_122 : memref<1x128xi32, #tpu.memory_space<vmem>> -> memref<128xi32, #tpu.memory_space<vmem>>
      %dma_wait3A_124 = arith.constant 0 : i32
      %dma_wait3A_125 = arith.constant 0 : i32
      %dma_wait3A_126 = tpu.memref_slice %arg13[%dma_wait3A_124, %dma_wait3A_125] : memref<10240x16xf32, #tpu.memory_space<vmem_shared>> -> memref<10240x16xf32, #tpu.memory_space<vmem_shared>>
      %dma_wait3A_127 = tpu.memref_slice %arg14[%dma_wait3A_116] : memref<6x!tpu.dma_semaphore, #tpu.memory_space<semaphore_mem>> -> memref<1x!tpu.dma_semaphore, #tpu.memory_space<semaphore_mem>>
      %dma_wait3A_128 = tpu.memref_squeeze %dma_wait3A_127 : memref<1x!tpu.dma_semaphore, #tpu.memory_space<semaphore_mem>> -> memref<!tpu.dma_semaphore, #tpu.memory_space<semaphore_mem>>
      tpu.wait_indirect_dma semaphore(%dma_wait3A_128 : memref<!tpu.dma_semaphore, #tpu.memory_space<semaphore_mem>>) src(%dma_wait3A_126 : memref<10240x16xf32, #tpu.memory_space<vmem_shared>>) dst(%dma_wait3A_120 : memref<128x16xf32, #tpu.memory_space<vmem>>)
      %dma_start3A_129 = arith.constant 0 : i32
      %dma_start3A_130 = arith.constant 0 : i32
      %dma_start3A_131 = arith.constant 0 : i32
      %dma_start3A_132 = arith.constant 0 : i32
      %dma_start3A_133 = tpu.memref_slice %arg11[%dma_start3A_129, %dma_start3A_131, %dma_start3A_132] : memref<6x128x16xf32, #tpu.memory_space<vmem>> -> memref<1x128x16xf32, #tpu.memory_space<vmem>>
      %dma_start3A_134 = tpu.memref_squeeze %dma_start3A_133 : memref<1x128x16xf32, #tpu.memory_space<vmem>> -> memref<128x16xf32, #tpu.memory_space<vmem>>
      %dma_start3A_135 = arith.constant 0 : i32
      %dma_start3A_136 = tpu.memref_slice %arg10[%add3A_114, %dma_start3A_135] : memref<84x128xi32, #tpu.memory_space<vmem>> -> memref<1x128xi32, #tpu.memory_space<vmem>>
      %dma_start3A_137 = tpu.memref_squeeze %dma_start3A_136 : memref<1x128xi32, #tpu.memory_space<vmem>> -> memref<128xi32, #tpu.memory_space<vmem>>
      %dma_start3A_138 = arith.constant 0 : i32
      %dma_start3A_139 = arith.constant 0 : i32
      %dma_start3A_140 = tpu.memref_slice %arg12[%dma_start3A_138, %dma_start3A_139] : memref<10240x16xf32, #tpu.memory_space<vmem_shared>> -> memref<10240x16xf32, #tpu.memory_space<vmem_shared>>
      %dma_start3A_141 = tpu.memref_slice %arg15[%dma_start3A_130] : memref<6x!tpu.dma_semaphore, #tpu.memory_space<semaphore_mem>> -> memref<1x!tpu.dma_semaphore, #tpu.memory_space<semaphore_mem>>
      %dma_start3A_142 = tpu.memref_squeeze %dma_start3A_141 : memref<1x!tpu.dma_semaphore, #tpu.memory_space<semaphore_mem>> -> memref<!tpu.dma_semaphore, #tpu.memory_space<semaphore_mem>>
      tpu.enqueue_indirect_dma source(%dma_start3A_134 : memref<128x16xf32, #tpu.memory_space<vmem>>) target(%dma_start3A_140 : memref<10240x16xf32, #tpu.memory_space<vmem_shared>>) offsets(%dma_start3A_137 : memref<128xi32, #tpu.memory_space<vmem>>) semaphore(%dma_start3A_142 : memref<!tpu.dma_semaphore, #tpu.memory_space<semaphore_mem>>) {add = true}
      %ge3A = arith.constant 3 : i32
      %ge3A_143 = arith.cmpi sge, %add3A_114, %ge3A : i32
      %convert_element_type3A = arith.extui %ge3A_143 : i1 to i32
      %cond3A = arith.constant 0 : i32
      %cond3A_144 = arith.cmpi ne, %convert_element_type3A, %cond3A : i32
      scf.if %cond3A_144 {
        %sub3A = arith.constant 3 : i32
        %sub3A_371 = arith.subi %add3A_114, %sub3A : i32
        %dma_wait3A_372 = arith.constant 3 : i32
        %dma_wait3A_373 = arith.constant 3 : i32
        %dma_wait3A_374 = arith.constant 0 : i32
        %dma_wait3A_375 = arith.constant 0 : i32
        %dma_wait3A_376 = tpu.memref_slice %arg11[%dma_wait3A_372, %dma_wait3A_374, %dma_wait3A_375] : memref<6x128x16xf32, #tpu.memory_space<vmem>> -> memref<1x128x16xf32, #tpu.memory_space<vmem>>
        %dma_wait3A_377 = tpu.memref_squeeze %dma_wait3A_376 : memref<1x128x16xf32, #tpu.memory_space<vmem>> -> memref<128x16xf32, #tpu.memory_space<vmem>>
        %dma_wait3A_378 = arith.constant 0 : i32
        %dma_wait3A_379 = tpu.memref_slice %arg10[%sub3A_371, %dma_wait3A_378] : memref<84x128xi32, #tpu.memory_space<vmem>> -> memref<1x128xi32, #tpu.memory_space<vmem>>
        %dma_wait3A_380 = tpu.memref_squeeze %dma_wait3A_379 : memref<1x128xi32, #tpu.memory_space<vmem>> -> memref<128xi32, #tpu.memory_space<vmem>>
        %dma_wait3A_381 = arith.constant 0 : i32
        %dma_wait3A_382 = arith.constant 0 : i32
        %dma_wait3A_383 = tpu.memref_slice %arg12[%dma_wait3A_381, %dma_wait3A_382] : memref<10240x16xf32, #tpu.memory_space<vmem_shared>> -> memref<10240x16xf32, #tpu.memory_space<vmem_shared>>
        %dma_wait3A_384 = tpu.memref_slice %arg15[%dma_wait3A_373] : memref<6x!tpu.dma_semaphore, #tpu.memory_space<semaphore_mem>> -> memref<1x!tpu.dma_semaphore, #tpu.memory_space<semaphore_mem>>
        %dma_wait3A_385 = tpu.memref_squeeze %dma_wait3A_384 : memref<1x!tpu.dma_semaphore, #tpu.memory_space<semaphore_mem>> -> memref<!tpu.dma_semaphore, #tpu.memory_space<semaphore_mem>>
        tpu.wait_indirect_dma semaphore(%dma_wait3A_385 : memref<!tpu.dma_semaphore, #tpu.memory_space<semaphore_mem>>) src(%dma_wait3A_377 : memref<128x16xf32, #tpu.memory_space<vmem>>) dst(%dma_wait3A_383 : memref<10240x16xf32, #tpu.memory_space<vmem_shared>>)
      } else {
      }
      %add3A_145 = arith.constant 3 : i32
      %add3A_146 = arith.addi %add3A_114, %add3A_145 : i32
      %lt3A = arith.constant 84 : i32
      %lt3A_147 = arith.cmpi slt, %add3A_146, %lt3A : i32
      %convert_element_type3A_148 = arith.extui %lt3A_147 : i1 to i32
      %cond3A_149 = arith.constant 0 : i32
      %cond3A_150 = arith.cmpi ne, %convert_element_type3A_148, %cond3A_149 : i32
      scf.if %cond3A_150 {
        %add3A_371 = arith.constant 3 : i32
        %add3A_372 = arith.addi %add3A_114, %add3A_371 : i32
        %dma_start3A_373 = arith.constant 3 : i32
        %dma_start3A_374 = arith.constant 3 : i32
        %dma_start3A_375 = arith.constant 0 : i32
        %dma_start3A_376 = arith.constant 0 : i32
        %dma_start3A_377 = tpu.memref_slice %arg11[%dma_start3A_373, %dma_start3A_375, %dma_start3A_376] : memref<6x128x16xf32, #tpu.memory_space<vmem>> -> memref<1x128x16xf32, #tpu.memory_space<vmem>>
        %dma_start3A_378 = tpu.memref_squeeze %dma_start3A_377 : memref<1x128x16xf32, #tpu.memory_space<vmem>> -> memref<128x16xf32, #tpu.memory_space<vmem>>
        %dma_start3A_379 = arith.constant 0 : i32
        %dma_start3A_380 = tpu.memref_slice %arg9[%add3A_372, %dma_start3A_379] : memref<84x128xi32, #tpu.memory_space<vmem>> -> memref<1x128xi32, #tpu.memory_space<vmem>>
        %dma_start3A_381 = tpu.memref_squeeze %dma_start3A_380 : memref<1x128xi32, #tpu.memory_space<vmem>> -> memref<128xi32, #tpu.memory_space<vmem>>
        %dma_start3A_382 = arith.constant 0 : i32
        %dma_start3A_383 = arith.constant 0 : i32
        %dma_start3A_384 = tpu.memref_slice %arg13[%dma_start3A_382, %dma_start3A_383] : memref<10240x16xf32, #tpu.memory_space<vmem_shared>> -> memref<10240x16xf32, #tpu.memory_space<vmem_shared>>
        %dma_start3A_385 = tpu.memref_slice %arg14[%dma_start3A_374] : memref<6x!tpu.dma_semaphore, #tpu.memory_space<semaphore_mem>> -> memref<1x!tpu.dma_semaphore, #tpu.memory_space<semaphore_mem>>
        %dma_start3A_386 = tpu.memref_squeeze %dma_start3A_385 : memref<1x!tpu.dma_semaphore, #tpu.memory_space<semaphore_mem>> -> memref<!tpu.dma_semaphore, #tpu.memory_space<semaphore_mem>>
        tpu.enqueue_indirect_dma source(%dma_start3A_384 : memref<10240x16xf32, #tpu.memory_space<vmem_shared>>) target(%dma_start3A_378 : memref<128x16xf32, #tpu.memory_space<vmem>>) offsets(%dma_start3A_381 : memref<128xi32, #tpu.memory_space<vmem>>) semaphore(%dma_start3A_386 : memref<!tpu.dma_semaphore, #tpu.memory_space<semaphore_mem>>)
      } else {
      }
      %mul3A_151 = arith.constant 6 : i32
      %mul3A_152 = arith.muli %scan3A_110, %mul3A_151 : i32
      %add3A_153 = arith.constant 1 : i32
      %add3A_154 = arith.addi %mul3A_152, %add3A_153 : i32
      %dma_wait3A_155 = arith.constant 1 : i32
      %dma_wait3A_156 = arith.constant 1 : i32
      %dma_wait3A_157 = arith.constant 0 : i32
      %dma_wait3A_158 = arith.constant 0 : i32
      %dma_wait3A_159 = tpu.memref_slice %arg11[%dma_wait3A_155, %dma_wait3A_157, %dma_wait3A_158] : memref<6x128x16xf32, #tpu.memory_space<vmem>> -> memref<1x128x16xf32, #tpu.memory_space<vmem>>
      %dma_wait3A_160 = tpu.memref_squeeze %dma_wait3A_159 : memref<1x128x16xf32, #tpu.memory_space<vmem>> -> memref<128x16xf32, #tpu.memory_space<vmem>>
      %dma_wait3A_161 = arith.constant 0 : i32
      %dma_wait3A_162 = tpu.memref_slice %arg9[%add3A_154, %dma_wait3A_161] : memref<84x128xi32, #tpu.memory_space<vmem>> -> memref<1x128xi32, #tpu.memory_space<vmem>>
      %dma_wait3A_163 = tpu.memref_squeeze %dma_wait3A_162 : memref<1x128xi32, #tpu.memory_space<vmem>> -> memref<128xi32, #tpu.memory_space<vmem>>
      %dma_wait3A_164 = arith.constant 0 : i32
      %dma_wait3A_165 = arith.constant 0 : i32
      %dma_wait3A_166 = tpu.memref_slice %arg13[%dma_wait3A_164, %dma_wait3A_165] : memref<10240x16xf32, #tpu.memory_space<vmem_shared>> -> memref<10240x16xf32, #tpu.memory_space<vmem_shared>>
      %dma_wait3A_167 = tpu.memref_slice %arg14[%dma_wait3A_156] : memref<6x!tpu.dma_semaphore, #tpu.memory_space<semaphore_mem>> -> memref<1x!tpu.dma_semaphore, #tpu.memory_space<semaphore_mem>>
      %dma_wait3A_168 = tpu.memref_squeeze %dma_wait3A_167 : memref<1x!tpu.dma_semaphore, #tpu.memory_space<semaphore_mem>> -> memref<!tpu.dma_semaphore, #tpu.memory_space<semaphore_mem>>
      tpu.wait_indirect_dma semaphore(%dma_wait3A_168 : memref<!tpu.dma_semaphore, #tpu.memory_space<semaphore_mem>>) src(%dma_wait3A_166 : memref<10240x16xf32, #tpu.memory_space<vmem_shared>>) dst(%dma_wait3A_160 : memref<128x16xf32, #tpu.memory_space<vmem>>)
      %dma_start3A_169 = arith.constant 1 : i32
      %dma_start3A_170 = arith.constant 1 : i32
      %dma_start3A_171 = arith.constant 0 : i32
      %dma_start3A_172 = arith.constant 0 : i32
      %dma_start3A_173 = tpu.memref_slice %arg11[%dma_start3A_169, %dma_start3A_171, %dma_start3A_172] : memref<6x128x16xf32, #tpu.memory_space<vmem>> -> memref<1x128x16xf32, #tpu.memory_space<vmem>>
      %dma_start3A_174 = tpu.memref_squeeze %dma_start3A_173 : memref<1x128x16xf32, #tpu.memory_space<vmem>> -> memref<128x16xf32, #tpu.memory_space<vmem>>
      %dma_start3A_175 = arith.constant 0 : i32
      %dma_start3A_176 = tpu.memref_slice %arg10[%add3A_154, %dma_start3A_175] : memref<84x128xi32, #tpu.memory_space<vmem>> -> memref<1x128xi32, #tpu.memory_space<vmem>>
      %dma_start3A_177 = tpu.memref_squeeze %dma_start3A_176 : memref<1x128xi32, #tpu.memory_space<vmem>> -> memref<128xi32, #tpu.memory_space<vmem>>
      %dma_start3A_178 = arith.constant 0 : i32
      %dma_start3A_179 = arith.constant 0 : i32
      %dma_start3A_180 = tpu.memref_slice %arg12[%dma_start3A_178, %dma_start3A_179] : memref<10240x16xf32, #tpu.memory_space<vmem_shared>> -> memref<10240x16xf32, #tpu.memory_space<vmem_shared>>
      %dma_start3A_181 = tpu.memref_slice %arg15[%dma_start3A_170] : memref<6x!tpu.dma_semaphore, #tpu.memory_space<semaphore_mem>> -> memref<1x!tpu.dma_semaphore, #tpu.memory_space<semaphore_mem>>
      %dma_start3A_182 = tpu.memref_squeeze %dma_start3A_181 : memref<1x!tpu.dma_semaphore, #tpu.memory_space<semaphore_mem>> -> memref<!tpu.dma_semaphore, #tpu.memory_space<semaphore_mem>>
      tpu.enqueue_indirect_dma source(%dma_start3A_174 : memref<128x16xf32, #tpu.memory_space<vmem>>) target(%dma_start3A_180 : memref<10240x16xf32, #tpu.memory_space<vmem_shared>>) offsets(%dma_start3A_177 : memref<128xi32, #tpu.memory_space<vmem>>) semaphore(%dma_start3A_182 : memref<!tpu.dma_semaphore, #tpu.memory_space<semaphore_mem>>) {add = true}
      %ge3A_183 = arith.constant 3 : i32
      %ge3A_184 = arith.cmpi sge, %add3A_154, %ge3A_183 : i32
      %convert_element_type3A_185 = arith.extui %ge3A_184 : i1 to i32
      %cond3A_186 = arith.constant 0 : i32
      %cond3A_187 = arith.cmpi ne, %convert_element_type3A_185, %cond3A_186 : i32
      scf.if %cond3A_187 {
        %sub3A = arith.constant 3 : i32
        %sub3A_371 = arith.subi %add3A_154, %sub3A : i32
        %dma_wait3A_372 = arith.constant 4 : i32
        %dma_wait3A_373 = arith.constant 4 : i32
        %dma_wait3A_374 = arith.constant 0 : i32
        %dma_wait3A_375 = arith.constant 0 : i32
        %dma_wait3A_376 = tpu.memref_slice %arg11[%dma_wait3A_372, %dma_wait3A_374, %dma_wait3A_375] : memref<6x128x16xf32, #tpu.memory_space<vmem>> -> memref<1x128x16xf32, #tpu.memory_space<vmem>>
        %dma_wait3A_377 = tpu.memref_squeeze %dma_wait3A_376 : memref<1x128x16xf32, #tpu.memory_space<vmem>> -> memref<128x16xf32, #tpu.memory_space<vmem>>
        %dma_wait3A_378 = arith.constant 0 : i32
        %dma_wait3A_379 = tpu.memref_slice %arg10[%sub3A_371, %dma_wait3A_378] : memref<84x128xi32, #tpu.memory_space<vmem>> -> memref<1x128xi32, #tpu.memory_space<vmem>>
        %dma_wait3A_380 = tpu.memref_squeeze %dma_wait3A_379 : memref<1x128xi32, #tpu.memory_space<vmem>> -> memref<128xi32, #tpu.memory_space<vmem>>
        %dma_wait3A_381 = arith.constant 0 : i32
        %dma_wait3A_382 = arith.constant 0 : i32
        %dma_wait3A_383 = tpu.memref_slice %arg12[%dma_wait3A_381, %dma_wait3A_382] : memref<10240x16xf32, #tpu.memory_space<vmem_shared>> -> memref<10240x16xf32, #tpu.memory_space<vmem_shared>>
        %dma_wait3A_384 = tpu.memref_slice %arg15[%dma_wait3A_373] : memref<6x!tpu.dma_semaphore, #tpu.memory_space<semaphore_mem>> -> memref<1x!tpu.dma_semaphore, #tpu.memory_space<semaphore_mem>>
        %dma_wait3A_385 = tpu.memref_squeeze %dma_wait3A_384 : memref<1x!tpu.dma_semaphore, #tpu.memory_space<semaphore_mem>> -> memref<!tpu.dma_semaphore, #tpu.memory_space<semaphore_mem>>
        tpu.wait_indirect_dma semaphore(%dma_wait3A_385 : memref<!tpu.dma_semaphore, #tpu.memory_space<semaphore_mem>>) src(%dma_wait3A_377 : memref<128x16xf32, #tpu.memory_space<vmem>>) dst(%dma_wait3A_383 : memref<10240x16xf32, #tpu.memory_space<vmem_shared>>)
      } else {
      }
      %add3A_188 = arith.constant 3 : i32
      %add3A_189 = arith.addi %add3A_154, %add3A_188 : i32
      %lt3A_190 = arith.constant 84 : i32
      %lt3A_191 = arith.cmpi slt, %add3A_189, %lt3A_190 : i32
      %convert_element_type3A_192 = arith.extui %lt3A_191 : i1 to i32
      %cond3A_193 = arith.constant 0 : i32
      %cond3A_194 = arith.cmpi ne, %convert_element_type3A_192, %cond3A_193 : i32
      scf.if %cond3A_194 {
        %add3A_371 = arith.constant 3 : i32
        %add3A_372 = arith.addi %add3A_154, %add3A_371 : i32
        %dma_start3A_373 = arith.constant 4 : i32
        %dma_start3A_374 = arith.constant 4 : i32
        %dma_start3A_375 = arith.constant 0 : i32
        %dma_start3A_376 = arith.constant 0 : i32
        %dma_start3A_377 = tpu.memref_slice %arg11[%dma_start3A_373, %dma_start3A_375, %dma_start3A_376] : memref<6x128x16xf32, #tpu.memory_space<vmem>> -> memref<1x128x16xf32, #tpu.memory_space<vmem>>
        %dma_start3A_378 = tpu.memref_squeeze %dma_start3A_377 : memref<1x128x16xf32, #tpu.memory_space<vmem>> -> memref<128x16xf32, #tpu.memory_space<vmem>>
        %dma_start3A_379 = arith.constant 0 : i32
        %dma_start3A_380 = tpu.memref_slice %arg9[%add3A_372, %dma_start3A_379] : memref<84x128xi32, #tpu.memory_space<vmem>> -> memref<1x128xi32, #tpu.memory_space<vmem>>
        %dma_start3A_381 = tpu.memref_squeeze %dma_start3A_380 : memref<1x128xi32, #tpu.memory_space<vmem>> -> memref<128xi32, #tpu.memory_space<vmem>>
        %dma_start3A_382 = arith.constant 0 : i32
        %dma_start3A_383 = arith.constant 0 : i32
        %dma_start3A_384 = tpu.memref_slice %arg13[%dma_start3A_382, %dma_start3A_383] : memref<10240x16xf32, #tpu.memory_space<vmem_shared>> -> memref<10240x16xf32, #tpu.memory_space<vmem_shared>>
        %dma_start3A_385 = tpu.memref_slice %arg14[%dma_start3A_374] : memref<6x!tpu.dma_semaphore, #tpu.memory_space<semaphore_mem>> -> memref<1x!tpu.dma_semaphore, #tpu.memory_space<semaphore_mem>>
        %dma_start3A_386 = tpu.memref_squeeze %dma_start3A_385 : memref<1x!tpu.dma_semaphore, #tpu.memory_space<semaphore_mem>> -> memref<!tpu.dma_semaphore, #tpu.memory_space<semaphore_mem>>
        tpu.enqueue_indirect_dma source(%dma_start3A_384 : memref<10240x16xf32, #tpu.memory_space<vmem_shared>>) target(%dma_start3A_378 : memref<128x16xf32, #tpu.memory_space<vmem>>) offsets(%dma_start3A_381 : memref<128xi32, #tpu.memory_space<vmem>>) semaphore(%dma_start3A_386 : memref<!tpu.dma_semaphore, #tpu.memory_space<semaphore_mem>>)
      } else {
      }
      %mul3A_195 = arith.constant 6 : i32
      %mul3A_196 = arith.muli %scan3A_110, %mul3A_195 : i32
      %add3A_197 = arith.constant 2 : i32
      %add3A_198 = arith.addi %mul3A_196, %add3A_197 : i32
      %dma_wait3A_199 = arith.constant 2 : i32
      %dma_wait3A_200 = arith.constant 2 : i32
      %dma_wait3A_201 = arith.constant 0 : i32
      %dma_wait3A_202 = arith.constant 0 : i32
      %dma_wait3A_203 = tpu.memref_slice %arg11[%dma_wait3A_199, %dma_wait3A_201, %dma_wait3A_202] : memref<6x128x16xf32, #tpu.memory_space<vmem>> -> memref<1x128x16xf32, #tpu.memory_space<vmem>>
      %dma_wait3A_204 = tpu.memref_squeeze %dma_wait3A_203 : memref<1x128x16xf32, #tpu.memory_space<vmem>> -> memref<128x16xf32, #tpu.memory_space<vmem>>
      %dma_wait3A_205 = arith.constant 0 : i32
      %dma_wait3A_206 = tpu.memref_slice %arg9[%add3A_198, %dma_wait3A_205] : memref<84x128xi32, #tpu.memory_space<vmem>> -> memref<1x128xi32, #tpu.memory_space<vmem>>
      %dma_wait3A_207 = tpu.memref_squeeze %dma_wait3A_206 : memref<1x128xi32, #tpu.memory_space<vmem>> -> memref<128xi32, #tpu.memory_space<vmem>>
      %dma_wait3A_208 = arith.constant 0 : i32
      %dma_wait3A_209 = arith.constant 0 : i32
      %dma_wait3A_210 = tpu.memref_slice %arg13[%dma_wait3A_208, %dma_wait3A_209] : memref<10240x16xf32, #tpu.memory_space<vmem_shared>> -> memref<10240x16xf32, #tpu.memory_space<vmem_shared>>
      %dma_wait3A_211 = tpu.memref_slice %arg14[%dma_wait3A_200] : memref<6x!tpu.dma_semaphore, #tpu.memory_space<semaphore_mem>> -> memref<1x!tpu.dma_semaphore, #tpu.memory_space<semaphore_mem>>
      %dma_wait3A_212 = tpu.memref_squeeze %dma_wait3A_211 : memref<1x!tpu.dma_semaphore, #tpu.memory_space<semaphore_mem>> -> memref<!tpu.dma_semaphore, #tpu.memory_space<semaphore_mem>>
      tpu.wait_indirect_dma semaphore(%dma_wait3A_212 : memref<!tpu.dma_semaphore, #tpu.memory_space<semaphore_mem>>) src(%dma_wait3A_210 : memref<10240x16xf32, #tpu.memory_space<vmem_shared>>) dst(%dma_wait3A_204 : memref<128x16xf32, #tpu.memory_space<vmem>>)
      %dma_start3A_213 = arith.constant 2 : i32
      %dma_start3A_214 = arith.constant 2 : i32
      %dma_start3A_215 = arith.constant 0 : i32
      %dma_start3A_216 = arith.constant 0 : i32
      %dma_start3A_217 = tpu.memref_slice %arg11[%dma_start3A_213, %dma_start3A_215, %dma_start3A_216] : memref<6x128x16xf32, #tpu.memory_space<vmem>> -> memref<1x128x16xf32, #tpu.memory_space<vmem>>
      %dma_start3A_218 = tpu.memref_squeeze %dma_start3A_217 : memref<1x128x16xf32, #tpu.memory_space<vmem>> -> memref<128x16xf32, #tpu.memory_space<vmem>>
      %dma_start3A_219 = arith.constant 0 : i32
      %dma_start3A_220 = tpu.memref_slice %arg10[%add3A_198, %dma_start3A_219] : memref<84x128xi32, #tpu.memory_space<vmem>> -> memref<1x128xi32, #tpu.memory_space<vmem>>
      %dma_start3A_221 = tpu.memref_squeeze %dma_start3A_220 : memref<1x128xi32, #tpu.memory_space<vmem>> -> memref<128xi32, #tpu.memory_space<vmem>>
      %dma_start3A_222 = arith.constant 0 : i32
      %dma_start3A_223 = arith.constant 0 : i32
      %dma_start3A_224 = tpu.memref_slice %arg12[%dma_start3A_222, %dma_start3A_223] : memref<10240x16xf32, #tpu.memory_space<vmem_shared>> -> memref<10240x16xf32, #tpu.memory_space<vmem_shared>>
      %dma_start3A_225 = tpu.memref_slice %arg15[%dma_start3A_214] : memref<6x!tpu.dma_semaphore, #tpu.memory_space<semaphore_mem>> -> memref<1x!tpu.dma_semaphore, #tpu.memory_space<semaphore_mem>>
      %dma_start3A_226 = tpu.memref_squeeze %dma_start3A_225 : memref<1x!tpu.dma_semaphore, #tpu.memory_space<semaphore_mem>> -> memref<!tpu.dma_semaphore, #tpu.memory_space<semaphore_mem>>
      tpu.enqueue_indirect_dma source(%dma_start3A_218 : memref<128x16xf32, #tpu.memory_space<vmem>>) target(%dma_start3A_224 : memref<10240x16xf32, #tpu.memory_space<vmem_shared>>) offsets(%dma_start3A_221 : memref<128xi32, #tpu.memory_space<vmem>>) semaphore(%dma_start3A_226 : memref<!tpu.dma_semaphore, #tpu.memory_space<semaphore_mem>>) {add = true}
      %ge3A_227 = arith.constant 3 : i32
      %ge3A_228 = arith.cmpi sge, %add3A_198, %ge3A_227 : i32
      %convert_element_type3A_229 = arith.extui %ge3A_228 : i1 to i32
      %cond3A_230 = arith.constant 0 : i32
      %cond3A_231 = arith.cmpi ne, %convert_element_type3A_229, %cond3A_230 : i32
      scf.if %cond3A_231 {
        %sub3A = arith.constant 3 : i32
        %sub3A_371 = arith.subi %add3A_198, %sub3A : i32
        %dma_wait3A_372 = arith.constant 5 : i32
        %dma_wait3A_373 = arith.constant 5 : i32
        %dma_wait3A_374 = arith.constant 0 : i32
        %dma_wait3A_375 = arith.constant 0 : i32
        %dma_wait3A_376 = tpu.memref_slice %arg11[%dma_wait3A_372, %dma_wait3A_374, %dma_wait3A_375] : memref<6x128x16xf32, #tpu.memory_space<vmem>> -> memref<1x128x16xf32, #tpu.memory_space<vmem>>
        %dma_wait3A_377 = tpu.memref_squeeze %dma_wait3A_376 : memref<1x128x16xf32, #tpu.memory_space<vmem>> -> memref<128x16xf32, #tpu.memory_space<vmem>>
        %dma_wait3A_378 = arith.constant 0 : i32
        %dma_wait3A_379 = tpu.memref_slice %arg10[%sub3A_371, %dma_wait3A_378] : memref<84x128xi32, #tpu.memory_space<vmem>> -> memref<1x128xi32, #tpu.memory_space<vmem>>
        %dma_wait3A_380 = tpu.memref_squeeze %dma_wait3A_379 : memref<1x128xi32, #tpu.memory_space<vmem>> -> memref<128xi32, #tpu.memory_space<vmem>>
        %dma_wait3A_381 = arith.constant 0 : i32
        %dma_wait3A_382 = arith.constant 0 : i32
        %dma_wait3A_383 = tpu.memref_slice %arg12[%dma_wait3A_381, %dma_wait3A_382] : memref<10240x16xf32, #tpu.memory_space<vmem_shared>> -> memref<10240x16xf32, #tpu.memory_space<vmem_shared>>
        %dma_wait3A_384 = tpu.memref_slice %arg15[%dma_wait3A_373] : memref<6x!tpu.dma_semaphore, #tpu.memory_space<semaphore_mem>> -> memref<1x!tpu.dma_semaphore, #tpu.memory_space<semaphore_mem>>
        %dma_wait3A_385 = tpu.memref_squeeze %dma_wait3A_384 : memref<1x!tpu.dma_semaphore, #tpu.memory_space<semaphore_mem>> -> memref<!tpu.dma_semaphore, #tpu.memory_space<semaphore_mem>>
        tpu.wait_indirect_dma semaphore(%dma_wait3A_385 : memref<!tpu.dma_semaphore, #tpu.memory_space<semaphore_mem>>) src(%dma_wait3A_377 : memref<128x16xf32, #tpu.memory_space<vmem>>) dst(%dma_wait3A_383 : memref<10240x16xf32, #tpu.memory_space<vmem_shared>>)
      } else {
      }
      %add3A_232 = arith.constant 3 : i32
      %add3A_233 = arith.addi %add3A_198, %add3A_232 : i32
      %lt3A_234 = arith.constant 84 : i32
      %lt3A_235 = arith.cmpi slt, %add3A_233, %lt3A_234 : i32
      %convert_element_type3A_236 = arith.extui %lt3A_235 : i1 to i32
      %cond3A_237 = arith.constant 0 : i32
      %cond3A_238 = arith.cmpi ne, %convert_element_type3A_236, %cond3A_237 : i32
      scf.if %cond3A_238 {
        %add3A_371 = arith.constant 3 : i32
        %add3A_372 = arith.addi %add3A_198, %add3A_371 : i32
        %dma_start3A_373 = arith.constant 5 : i32
        %dma_start3A_374 = arith.constant 5 : i32
        %dma_start3A_375 = arith.constant 0 : i32
        %dma_start3A_376 = arith.constant 0 : i32
        %dma_start3A_377 = tpu.memref_slice %arg11[%dma_start3A_373, %dma_start3A_375, %dma_start3A_376] : memref<6x128x16xf32, #tpu.memory_space<vmem>> -> memref<1x128x16xf32, #tpu.memory_space<vmem>>
        %dma_start3A_378 = tpu.memref_squeeze %dma_start3A_377 : memref<1x128x16xf32, #tpu.memory_space<vmem>> -> memref<128x16xf32, #tpu.memory_space<vmem>>
        %dma_start3A_379 = arith.constant 0 : i32
        %dma_start3A_380 = tpu.memref_slice %arg9[%add3A_372, %dma_start3A_379] : memref<84x128xi32, #tpu.memory_space<vmem>> -> memref<1x128xi32, #tpu.memory_space<vmem>>
        %dma_start3A_381 = tpu.memref_squeeze %dma_start3A_380 : memref<1x128xi32, #tpu.memory_space<vmem>> -> memref<128xi32, #tpu.memory_space<vmem>>
        %dma_start3A_382 = arith.constant 0 : i32
        %dma_start3A_383 = arith.constant 0 : i32
        %dma_start3A_384 = tpu.memref_slice %arg13[%dma_start3A_382, %dma_start3A_383] : memref<10240x16xf32, #tpu.memory_space<vmem_shared>> -> memref<10240x16xf32, #tpu.memory_space<vmem_shared>>
        %dma_start3A_385 = tpu.memref_slice %arg14[%dma_start3A_374] : memref<6x!tpu.dma_semaphore, #tpu.memory_space<semaphore_mem>> -> memref<1x!tpu.dma_semaphore, #tpu.memory_space<semaphore_mem>>
        %dma_start3A_386 = tpu.memref_squeeze %dma_start3A_385 : memref<1x!tpu.dma_semaphore, #tpu.memory_space<semaphore_mem>> -> memref<!tpu.dma_semaphore, #tpu.memory_space<semaphore_mem>>
        tpu.enqueue_indirect_dma source(%dma_start3A_384 : memref<10240x16xf32, #tpu.memory_space<vmem_shared>>) target(%dma_start3A_378 : memref<128x16xf32, #tpu.memory_space<vmem>>) offsets(%dma_start3A_381 : memref<128xi32, #tpu.memory_space<vmem>>) semaphore(%dma_start3A_386 : memref<!tpu.dma_semaphore, #tpu.memory_space<semaphore_mem>>)
      } else {
      }
      %mul3A_239 = arith.constant 6 : i32
      %mul3A_240 = arith.muli %scan3A_110, %mul3A_239 : i32
      %add3A_241 = arith.constant 3 : i32
      %add3A_242 = arith.addi %mul3A_240, %add3A_241 : i32
      %dma_wait3A_243 = arith.constant 3 : i32
      %dma_wait3A_244 = arith.constant 3 : i32
      %dma_wait3A_245 = arith.constant 0 : i32
      %dma_wait3A_246 = arith.constant 0 : i32
      %dma_wait3A_247 = tpu.memref_slice %arg11[%dma_wait3A_243, %dma_wait3A_245, %dma_wait3A_246] : memref<6x128x16xf32, #tpu.memory_space<vmem>> -> memref<1x128x16xf32, #tpu.memory_space<vmem>>
      %dma_wait3A_248 = tpu.memref_squeeze %dma_wait3A_247 : memref<1x128x16xf32, #tpu.memory_space<vmem>> -> memref<128x16xf32, #tpu.memory_space<vmem>>
      %dma_wait3A_249 = arith.constant 0 : i32
      %dma_wait3A_250 = tpu.memref_slice %arg9[%add3A_242, %dma_wait3A_249] : memref<84x128xi32, #tpu.memory_space<vmem>> -> memref<1x128xi32, #tpu.memory_space<vmem>>
      %dma_wait3A_251 = tpu.memref_squeeze %dma_wait3A_250 : memref<1x128xi32, #tpu.memory_space<vmem>> -> memref<128xi32, #tpu.memory_space<vmem>>
      %dma_wait3A_252 = arith.constant 0 : i32
      %dma_wait3A_253 = arith.constant 0 : i32
      %dma_wait3A_254 = tpu.memref_slice %arg13[%dma_wait3A_252, %dma_wait3A_253] : memref<10240x16xf32, #tpu.memory_space<vmem_shared>> -> memref<10240x16xf32, #tpu.memory_space<vmem_shared>>
      %dma_wait3A_255 = tpu.memref_slice %arg14[%dma_wait3A_244] : memref<6x!tpu.dma_semaphore, #tpu.memory_space<semaphore_mem>> -> memref<1x!tpu.dma_semaphore, #tpu.memory_space<semaphore_mem>>
      %dma_wait3A_256 = tpu.memref_squeeze %dma_wait3A_255 : memref<1x!tpu.dma_semaphore, #tpu.memory_space<semaphore_mem>> -> memref<!tpu.dma_semaphore, #tpu.memory_space<semaphore_mem>>
      tpu.wait_indirect_dma semaphore(%dma_wait3A_256 : memref<!tpu.dma_semaphore, #tpu.memory_space<semaphore_mem>>) src(%dma_wait3A_254 : memref<10240x16xf32, #tpu.memory_space<vmem_shared>>) dst(%dma_wait3A_248 : memref<128x16xf32, #tpu.memory_space<vmem>>)
      %dma_start3A_257 = arith.constant 3 : i32
      %dma_start3A_258 = arith.constant 3 : i32
      %dma_start3A_259 = arith.constant 0 : i32
      %dma_start3A_260 = arith.constant 0 : i32
      %dma_start3A_261 = tpu.memref_slice %arg11[%dma_start3A_257, %dma_start3A_259, %dma_start3A_260] : memref<6x128x16xf32, #tpu.memory_space<vmem>> -> memref<1x128x16xf32, #tpu.memory_space<vmem>>
      %dma_start3A_262 = tpu.memref_squeeze %dma_start3A_261 : memref<1x128x16xf32, #tpu.memory_space<vmem>> -> memref<128x16xf32, #tpu.memory_space<vmem>>
      %dma_start3A_263 = arith.constant 0 : i32
      %dma_start3A_264 = tpu.memref_slice %arg10[%add3A_242, %dma_start3A_263] : memref<84x128xi32, #tpu.memory_space<vmem>> -> memref<1x128xi32, #tpu.memory_space<vmem>>
      %dma_start3A_265 = tpu.memref_squeeze %dma_start3A_264 : memref<1x128xi32, #tpu.memory_space<vmem>> -> memref<128xi32, #tpu.memory_space<vmem>>
      %dma_start3A_266 = arith.constant 0 : i32
      %dma_start3A_267 = arith.constant 0 : i32
      %dma_start3A_268 = tpu.memref_slice %arg12[%dma_start3A_266, %dma_start3A_267] : memref<10240x16xf32, #tpu.memory_space<vmem_shared>> -> memref<10240x16xf32, #tpu.memory_space<vmem_shared>>
      %dma_start3A_269 = tpu.memref_slice %arg15[%dma_start3A_258] : memref<6x!tpu.dma_semaphore, #tpu.memory_space<semaphore_mem>> -> memref<1x!tpu.dma_semaphore, #tpu.memory_space<semaphore_mem>>
      %dma_start3A_270 = tpu.memref_squeeze %dma_start3A_269 : memref<1x!tpu.dma_semaphore, #tpu.memory_space<semaphore_mem>> -> memref<!tpu.dma_semaphore, #tpu.memory_space<semaphore_mem>>
      tpu.enqueue_indirect_dma source(%dma_start3A_262 : memref<128x16xf32, #tpu.memory_space<vmem>>) target(%dma_start3A_268 : memref<10240x16xf32, #tpu.memory_space<vmem_shared>>) offsets(%dma_start3A_265 : memref<128xi32, #tpu.memory_space<vmem>>) semaphore(%dma_start3A_270 : memref<!tpu.dma_semaphore, #tpu.memory_space<semaphore_mem>>) {add = true}
      %ge3A_271 = arith.constant 3 : i32
      %ge3A_272 = arith.cmpi sge, %add3A_242, %ge3A_271 : i32
      %convert_element_type3A_273 = arith.extui %ge3A_272 : i1 to i32
      %cond3A_274 = arith.constant 0 : i32
      %cond3A_275 = arith.cmpi ne, %convert_element_type3A_273, %cond3A_274 : i32
      scf.if %cond3A_275 {
        %sub3A = arith.constant 3 : i32
        %sub3A_371 = arith.subi %add3A_242, %sub3A : i32
        %dma_wait3A_372 = arith.constant 0 : i32
        %dma_wait3A_373 = arith.constant 0 : i32
        %dma_wait3A_374 = arith.constant 0 : i32
        %dma_wait3A_375 = arith.constant 0 : i32
        %dma_wait3A_376 = tpu.memref_slice %arg11[%dma_wait3A_372, %dma_wait3A_374, %dma_wait3A_375] : memref<6x128x16xf32, #tpu.memory_space<vmem>> -> memref<1x128x16xf32, #tpu.memory_space<vmem>>
        %dma_wait3A_377 = tpu.memref_squeeze %dma_wait3A_376 : memref<1x128x16xf32, #tpu.memory_space<vmem>> -> memref<128x16xf32, #tpu.memory_space<vmem>>
        %dma_wait3A_378 = arith.constant 0 : i32
        %dma_wait3A_379 = tpu.memref_slice %arg10[%sub3A_371, %dma_wait3A_378] : memref<84x128xi32, #tpu.memory_space<vmem>> -> memref<1x128xi32, #tpu.memory_space<vmem>>
        %dma_wait3A_380 = tpu.memref_squeeze %dma_wait3A_379 : memref<1x128xi32, #tpu.memory_space<vmem>> -> memref<128xi32, #tpu.memory_space<vmem>>
        %dma_wait3A_381 = arith.constant 0 : i32
        %dma_wait3A_382 = arith.constant 0 : i32
        %dma_wait3A_383 = tpu.memref_slice %arg12[%dma_wait3A_381, %dma_wait3A_382] : memref<10240x16xf32, #tpu.memory_space<vmem_shared>> -> memref<10240x16xf32, #tpu.memory_space<vmem_shared>>
        %dma_wait3A_384 = tpu.memref_slice %arg15[%dma_wait3A_373] : memref<6x!tpu.dma_semaphore, #tpu.memory_space<semaphore_mem>> -> memref<1x!tpu.dma_semaphore, #tpu.memory_space<semaphore_mem>>
        %dma_wait3A_385 = tpu.memref_squeeze %dma_wait3A_384 : memref<1x!tpu.dma_semaphore, #tpu.memory_space<semaphore_mem>> -> memref<!tpu.dma_semaphore, #tpu.memory_space<semaphore_mem>>
        tpu.wait_indirect_dma semaphore(%dma_wait3A_385 : memref<!tpu.dma_semaphore, #tpu.memory_space<semaphore_mem>>) src(%dma_wait3A_377 : memref<128x16xf32, #tpu.memory_space<vmem>>) dst(%dma_wait3A_383 : memref<10240x16xf32, #tpu.memory_space<vmem_shared>>)
      } else {
      }
      %add3A_276 = arith.constant 3 : i32
      %add3A_277 = arith.addi %add3A_242, %add3A_276 : i32
      %lt3A_278 = arith.constant 84 : i32
      %lt3A_279 = arith.cmpi slt, %add3A_277, %lt3A_278 : i32
      %convert_element_type3A_280 = arith.extui %lt3A_279 : i1 to i32
      %cond3A_281 = arith.constant 0 : i32
      %cond3A_282 = arith.cmpi ne, %convert_element_type3A_280, %cond3A_281 : i32
      scf.if %cond3A_282 {
        %add3A_371 = arith.constant 3 : i32
        %add3A_372 = arith.addi %add3A_242, %add3A_371 : i32
        %dma_start3A_373 = arith.constant 0 : i32
        %dma_start3A_374 = arith.constant 0 : i32
        %dma_start3A_375 = arith.constant 0 : i32
        %dma_start3A_376 = arith.constant 0 : i32
        %dma_start3A_377 = tpu.memref_slice %arg11[%dma_start3A_373, %dma_start3A_375, %dma_start3A_376] : memref<6x128x16xf32, #tpu.memory_space<vmem>> -> memref<1x128x16xf32, #tpu.memory_space<vmem>>
        %dma_start3A_378 = tpu.memref_squeeze %dma_start3A_377 : memref<1x128x16xf32, #tpu.memory_space<vmem>> -> memref<128x16xf32, #tpu.memory_space<vmem>>
        %dma_start3A_379 = arith.constant 0 : i32
        %dma_start3A_380 = tpu.memref_slice %arg9[%add3A_372, %dma_start3A_379] : memref<84x128xi32, #tpu.memory_space<vmem>> -> memref<1x128xi32, #tpu.memory_space<vmem>>
        %dma_start3A_381 = tpu.memref_squeeze %dma_start3A_380 : memref<1x128xi32, #tpu.memory_space<vmem>> -> memref<128xi32, #tpu.memory_space<vmem>>
        %dma_start3A_382 = arith.constant 0 : i32
        %dma_start3A_383 = arith.constant 0 : i32
        %dma_start3A_384 = tpu.memref_slice %arg13[%dma_start3A_382, %dma_start3A_383] : memref<10240x16xf32, #tpu.memory_space<vmem_shared>> -> memref<10240x16xf32, #tpu.memory_space<vmem_shared>>
        %dma_start3A_385 = tpu.memref_slice %arg14[%dma_start3A_374] : memref<6x!tpu.dma_semaphore, #tpu.memory_space<semaphore_mem>> -> memref<1x!tpu.dma_semaphore, #tpu.memory_space<semaphore_mem>>
        %dma_start3A_386 = tpu.memref_squeeze %dma_start3A_385 : memref<1x!tpu.dma_semaphore, #tpu.memory_space<semaphore_mem>> -> memref<!tpu.dma_semaphore, #tpu.memory_space<semaphore_mem>>
        tpu.enqueue_indirect_dma source(%dma_start3A_384 : memref<10240x16xf32, #tpu.memory_space<vmem_shared>>) target(%dma_start3A_378 : memref<128x16xf32, #tpu.memory_space<vmem>>) offsets(%dma_start3A_381 : memref<128xi32, #tpu.memory_space<vmem>>) semaphore(%dma_start3A_386 : memref<!tpu.dma_semaphore, #tpu.memory_space<semaphore_mem>>)
      } else {
      }
      %mul3A_283 = arith.constant 6 : i32
      %mul3A_284 = arith.muli %scan3A_110, %mul3A_283 : i32
      %add3A_285 = arith.constant 4 : i32
      %add3A_286 = arith.addi %mul3A_284, %add3A_285 : i32
      %dma_wait3A_287 = arith.constant 4 : i32
      %dma_wait3A_288 = arith.constant 4 : i32
      %dma_wait3A_289 = arith.constant 0 : i32
      %dma_wait3A_290 = arith.constant 0 : i32
      %dma_wait3A_291 = tpu.memref_slice %arg11[%dma_wait3A_287, %dma_wait3A_289, %dma_wait3A_290] : memref<6x128x16xf32, #tpu.memory_space<vmem>> -> memref<1x128x16xf32, #tpu.memory_space<vmem>>
      %dma_wait3A_292 = tpu.memref_squeeze %dma_wait3A_291 : memref<1x128x16xf32, #tpu.memory_space<vmem>> -> memref<128x16xf32, #tpu.memory_space<vmem>>
      %dma_wait3A_293 = arith.constant 0 : i32
      %dma_wait3A_294 = tpu.memref_slice %arg9[%add3A_286, %dma_wait3A_293] : memref<84x128xi32, #tpu.memory_space<vmem>> -> memref<1x128xi32, #tpu.memory_space<vmem>>
      %dma_wait3A_295 = tpu.memref_squeeze %dma_wait3A_294 : memref<1x128xi32, #tpu.memory_space<vmem>> -> memref<128xi32, #tpu.memory_space<vmem>>
      %dma_wait3A_296 = arith.constant 0 : i32
      %dma_wait3A_297 = arith.constant 0 : i32
      %dma_wait3A_298 = tpu.memref_slice %arg13[%dma_wait3A_296, %dma_wait3A_297] : memref<10240x16xf32, #tpu.memory_space<vmem_shared>> -> memref<10240x16xf32, #tpu.memory_space<vmem_shared>>
      %dma_wait3A_299 = tpu.memref_slice %arg14[%dma_wait3A_288] : memref<6x!tpu.dma_semaphore, #tpu.memory_space<semaphore_mem>> -> memref<1x!tpu.dma_semaphore, #tpu.memory_space<semaphore_mem>>
      %dma_wait3A_300 = tpu.memref_squeeze %dma_wait3A_299 : memref<1x!tpu.dma_semaphore, #tpu.memory_space<semaphore_mem>> -> memref<!tpu.dma_semaphore, #tpu.memory_space<semaphore_mem>>
      tpu.wait_indirect_dma semaphore(%dma_wait3A_300 : memref<!tpu.dma_semaphore, #tpu.memory_space<semaphore_mem>>) src(%dma_wait3A_298 : memref<10240x16xf32, #tpu.memory_space<vmem_shared>>) dst(%dma_wait3A_292 : memref<128x16xf32, #tpu.memory_space<vmem>>)
      %dma_start3A_301 = arith.constant 4 : i32
      %dma_start3A_302 = arith.constant 4 : i32
      %dma_start3A_303 = arith.constant 0 : i32
      %dma_start3A_304 = arith.constant 0 : i32
      %dma_start3A_305 = tpu.memref_slice %arg11[%dma_start3A_301, %dma_start3A_303, %dma_start3A_304] : memref<6x128x16xf32, #tpu.memory_space<vmem>> -> memref<1x128x16xf32, #tpu.memory_space<vmem>>
      %dma_start3A_306 = tpu.memref_squeeze %dma_start3A_305 : memref<1x128x16xf32, #tpu.memory_space<vmem>> -> memref<128x16xf32, #tpu.memory_space<vmem>>
      %dma_start3A_307 = arith.constant 0 : i32
      %dma_start3A_308 = tpu.memref_slice %arg10[%add3A_286, %dma_start3A_307] : memref<84x128xi32, #tpu.memory_space<vmem>> -> memref<1x128xi32, #tpu.memory_space<vmem>>
      %dma_start3A_309 = tpu.memref_squeeze %dma_start3A_308 : memref<1x128xi32, #tpu.memory_space<vmem>> -> memref<128xi32, #tpu.memory_space<vmem>>
      %dma_start3A_310 = arith.constant 0 : i32
      %dma_start3A_311 = arith.constant 0 : i32
      %dma_start3A_312 = tpu.memref_slice %arg12[%dma_start3A_310, %dma_start3A_311] : memref<10240x16xf32, #tpu.memory_space<vmem_shared>> -> memref<10240x16xf32, #tpu.memory_space<vmem_shared>>
      %dma_start3A_313 = tpu.memref_slice %arg15[%dma_start3A_302] : memref<6x!tpu.dma_semaphore, #tpu.memory_space<semaphore_mem>> -> memref<1x!tpu.dma_semaphore, #tpu.memory_space<semaphore_mem>>
      %dma_start3A_314 = tpu.memref_squeeze %dma_start3A_313 : memref<1x!tpu.dma_semaphore, #tpu.memory_space<semaphore_mem>> -> memref<!tpu.dma_semaphore, #tpu.memory_space<semaphore_mem>>
      tpu.enqueue_indirect_dma source(%dma_start3A_306 : memref<128x16xf32, #tpu.memory_space<vmem>>) target(%dma_start3A_312 : memref<10240x16xf32, #tpu.memory_space<vmem_shared>>) offsets(%dma_start3A_309 : memref<128xi32, #tpu.memory_space<vmem>>) semaphore(%dma_start3A_314 : memref<!tpu.dma_semaphore, #tpu.memory_space<semaphore_mem>>) {add = true}
      %ge3A_315 = arith.constant 3 : i32
      %ge3A_316 = arith.cmpi sge, %add3A_286, %ge3A_315 : i32
      %convert_element_type3A_317 = arith.extui %ge3A_316 : i1 to i32
      %cond3A_318 = arith.constant 0 : i32
      %cond3A_319 = arith.cmpi ne, %convert_element_type3A_317, %cond3A_318 : i32
      scf.if %cond3A_319 {
        %sub3A = arith.constant 3 : i32
        %sub3A_371 = arith.subi %add3A_286, %sub3A : i32
        %dma_wait3A_372 = arith.constant 1 : i32
        %dma_wait3A_373 = arith.constant 1 : i32
        %dma_wait3A_374 = arith.constant 0 : i32
        %dma_wait3A_375 = arith.constant 0 : i32
        %dma_wait3A_376 = tpu.memref_slice %arg11[%dma_wait3A_372, %dma_wait3A_374, %dma_wait3A_375] : memref<6x128x16xf32, #tpu.memory_space<vmem>> -> memref<1x128x16xf32, #tpu.memory_space<vmem>>
        %dma_wait3A_377 = tpu.memref_squeeze %dma_wait3A_376 : memref<1x128x16xf32, #tpu.memory_space<vmem>> -> memref<128x16xf32, #tpu.memory_space<vmem>>
        %dma_wait3A_378 = arith.constant 0 : i32
        %dma_wait3A_379 = tpu.memref_slice %arg10[%sub3A_371, %dma_wait3A_378] : memref<84x128xi32, #tpu.memory_space<vmem>> -> memref<1x128xi32, #tpu.memory_space<vmem>>
        %dma_wait3A_380 = tpu.memref_squeeze %dma_wait3A_379 : memref<1x128xi32, #tpu.memory_space<vmem>> -> memref<128xi32, #tpu.memory_space<vmem>>
        %dma_wait3A_381 = arith.constant 0 : i32
        %dma_wait3A_382 = arith.constant 0 : i32
        %dma_wait3A_383 = tpu.memref_slice %arg12[%dma_wait3A_381, %dma_wait3A_382] : memref<10240x16xf32, #tpu.memory_space<vmem_shared>> -> memref<10240x16xf32, #tpu.memory_space<vmem_shared>>
        %dma_wait3A_384 = tpu.memref_slice %arg15[%dma_wait3A_373] : memref<6x!tpu.dma_semaphore, #tpu.memory_space<semaphore_mem>> -> memref<1x!tpu.dma_semaphore, #tpu.memory_space<semaphore_mem>>
        %dma_wait3A_385 = tpu.memref_squeeze %dma_wait3A_384 : memref<1x!tpu.dma_semaphore, #tpu.memory_space<semaphore_mem>> -> memref<!tpu.dma_semaphore, #tpu.memory_space<semaphore_mem>>
        tpu.wait_indirect_dma semaphore(%dma_wait3A_385 : memref<!tpu.dma_semaphore, #tpu.memory_space<semaphore_mem>>) src(%dma_wait3A_377 : memref<128x16xf32, #tpu.memory_space<vmem>>) dst(%dma_wait3A_383 : memref<10240x16xf32, #tpu.memory_space<vmem_shared>>)
      } else {
      }
      %add3A_320 = arith.constant 3 : i32
      %add3A_321 = arith.addi %add3A_286, %add3A_320 : i32
      %lt3A_322 = arith.constant 84 : i32
      %lt3A_323 = arith.cmpi slt, %add3A_321, %lt3A_322 : i32
      %convert_element_type3A_324 = arith.extui %lt3A_323 : i1 to i32
      %cond3A_325 = arith.constant 0 : i32
      %cond3A_326 = arith.cmpi ne, %convert_element_type3A_324, %cond3A_325 : i32
      scf.if %cond3A_326 {
        %add3A_371 = arith.constant 3 : i32
        %add3A_372 = arith.addi %add3A_286, %add3A_371 : i32
        %dma_start3A_373 = arith.constant 1 : i32
        %dma_start3A_374 = arith.constant 1 : i32
        %dma_start3A_375 = arith.constant 0 : i32
        %dma_start3A_376 = arith.constant 0 : i32
        %dma_start3A_377 = tpu.memref_slice %arg11[%dma_start3A_373, %dma_start3A_375, %dma_start3A_376] : memref<6x128x16xf32, #tpu.memory_space<vmem>> -> memref<1x128x16xf32, #tpu.memory_space<vmem>>
        %dma_start3A_378 = tpu.memref_squeeze %dma_start3A_377 : memref<1x128x16xf32, #tpu.memory_space<vmem>> -> memref<128x16xf32, #tpu.memory_space<vmem>>
        %dma_start3A_379 = arith.constant 0 : i32
        %dma_start3A_380 = tpu.memref_slice %arg9[%add3A_372, %dma_start3A_379] : memref<84x128xi32, #tpu.memory_space<vmem>> -> memref<1x128xi32, #tpu.memory_space<vmem>>
        %dma_start3A_381 = tpu.memref_squeeze %dma_start3A_380 : memref<1x128xi32, #tpu.memory_space<vmem>> -> memref<128xi32, #tpu.memory_space<vmem>>
        %dma_start3A_382 = arith.constant 0 : i32
        %dma_start3A_383 = arith.constant 0 : i32
        %dma_start3A_384 = tpu.memref_slice %arg13[%dma_start3A_382, %dma_start3A_383] : memref<10240x16xf32, #tpu.memory_space<vmem_shared>> -> memref<10240x16xf32, #tpu.memory_space<vmem_shared>>
        %dma_start3A_385 = tpu.memref_slice %arg14[%dma_start3A_374] : memref<6x!tpu.dma_semaphore, #tpu.memory_space<semaphore_mem>> -> memref<1x!tpu.dma_semaphore, #tpu.memory_space<semaphore_mem>>
        %dma_start3A_386 = tpu.memref_squeeze %dma_start3A_385 : memref<1x!tpu.dma_semaphore, #tpu.memory_space<semaphore_mem>> -> memref<!tpu.dma_semaphore, #tpu.memory_space<semaphore_mem>>
        tpu.enqueue_indirect_dma source(%dma_start3A_384 : memref<10240x16xf32, #tpu.memory_space<vmem_shared>>) target(%dma_start3A_378 : memref<128x16xf32, #tpu.memory_space<vmem>>) offsets(%dma_start3A_381 : memref<128xi32, #tpu.memory_space<vmem>>) semaphore(%dma_start3A_386 : memref<!tpu.dma_semaphore, #tpu.memory_space<semaphore_mem>>)
      } else {
      }
      %mul3A_327 = arith.constant 6 : i32
      %mul3A_328 = arith.muli %scan3A_110, %mul3A_327 : i32
      %add3A_329 = arith.constant 5 : i32
      %add3A_330 = arith.addi %mul3A_328, %add3A_329 : i32
      %dma_wait3A_331 = arith.constant 5 : i32
      %dma_wait3A_332 = arith.constant 5 : i32
      %dma_wait3A_333 = arith.constant 0 : i32
      %dma_wait3A_334 = arith.constant 0 : i32
      %dma_wait3A_335 = tpu.memref_slice %arg11[%dma_wait3A_331, %dma_wait3A_333, %dma_wait3A_334] : memref<6x128x16xf32, #tpu.memory_space<vmem>> -> memref<1x128x16xf32, #tpu.memory_space<vmem>>
      %dma_wait3A_336 = tpu.memref_squeeze %dma_wait3A_335 : memref<1x128x16xf32, #tpu.memory_space<vmem>> -> memref<128x16xf32, #tpu.memory_space<vmem>>
      %dma_wait3A_337 = arith.constant 0 : i32
      %dma_wait3A_338 = tpu.memref_slice %arg9[%add3A_330, %dma_wait3A_337] : memref<84x128xi32, #tpu.memory_space<vmem>> -> memref<1x128xi32, #tpu.memory_space<vmem>>
      %dma_wait3A_339 = tpu.memref_squeeze %dma_wait3A_338 : memref<1x128xi32, #tpu.memory_space<vmem>> -> memref<128xi32, #tpu.memory_space<vmem>>
      %dma_wait3A_340 = arith.constant 0 : i32
      %dma_wait3A_341 = arith.constant 0 : i32
      %dma_wait3A_342 = tpu.memref_slice %arg13[%dma_wait3A_340, %dma_wait3A_341] : memref<10240x16xf32, #tpu.memory_space<vmem_shared>> -> memref<10240x16xf32, #tpu.memory_space<vmem_shared>>
      %dma_wait3A_343 = tpu.memref_slice %arg14[%dma_wait3A_332] : memref<6x!tpu.dma_semaphore, #tpu.memory_space<semaphore_mem>> -> memref<1x!tpu.dma_semaphore, #tpu.memory_space<semaphore_mem>>
      %dma_wait3A_344 = tpu.memref_squeeze %dma_wait3A_343 : memref<1x!tpu.dma_semaphore, #tpu.memory_space<semaphore_mem>> -> memref<!tpu.dma_semaphore, #tpu.memory_space<semaphore_mem>>
      tpu.wait_indirect_dma semaphore(%dma_wait3A_344 : memref<!tpu.dma_semaphore, #tpu.memory_space<semaphore_mem>>) src(%dma_wait3A_342 : memref<10240x16xf32, #tpu.memory_space<vmem_shared>>) dst(%dma_wait3A_336 : memref<128x16xf32, #tpu.memory_space<vmem>>)
      %dma_start3A_345 = arith.constant 5 : i32
      %dma_start3A_346 = arith.constant 5 : i32
      %dma_start3A_347 = arith.constant 0 : i32
      %dma_start3A_348 = arith.constant 0 : i32
      %dma_start3A_349 = tpu.memref_slice %arg11[%dma_start3A_345, %dma_start3A_347, %dma_start3A_348] : memref<6x128x16xf32, #tpu.memory_space<vmem>> -> memref<1x128x16xf32, #tpu.memory_space<vmem>>
      %dma_start3A_350 = tpu.memref_squeeze %dma_start3A_349 : memref<1x128x16xf32, #tpu.memory_space<vmem>> -> memref<128x16xf32, #tpu.memory_space<vmem>>
      %dma_start3A_351 = arith.constant 0 : i32
      %dma_start3A_352 = tpu.memref_slice %arg10[%add3A_330, %dma_start3A_351] : memref<84x128xi32, #tpu.memory_space<vmem>> -> memref<1x128xi32, #tpu.memory_space<vmem>>
      %dma_start3A_353 = tpu.memref_squeeze %dma_start3A_352 : memref<1x128xi32, #tpu.memory_space<vmem>> -> memref<128xi32, #tpu.memory_space<vmem>>
      %dma_start3A_354 = arith.constant 0 : i32
      %dma_start3A_355 = arith.constant 0 : i32
      %dma_start3A_356 = tpu.memref_slice %arg12[%dma_start3A_354, %dma_start3A_355] : memref<10240x16xf32, #tpu.memory_space<vmem_shared>> -> memref<10240x16xf32, #tpu.memory_space<vmem_shared>>
      %dma_start3A_357 = tpu.memref_slice %arg15[%dma_start3A_346] : memref<6x!tpu.dma_semaphore, #tpu.memory_space<semaphore_mem>> -> memref<1x!tpu.dma_semaphore, #tpu.memory_space<semaphore_mem>>
      %dma_start3A_358 = tpu.memref_squeeze %dma_start3A_357 : memref<1x!tpu.dma_semaphore, #tpu.memory_space<semaphore_mem>> -> memref<!tpu.dma_semaphore, #tpu.memory_space<semaphore_mem>>
      tpu.enqueue_indirect_dma source(%dma_start3A_350 : memref<128x16xf32, #tpu.memory_space<vmem>>) target(%dma_start3A_356 : memref<10240x16xf32, #tpu.memory_space<vmem_shared>>) offsets(%dma_start3A_353 : memref<128xi32, #tpu.memory_space<vmem>>) semaphore(%dma_start3A_358 : memref<!tpu.dma_semaphore, #tpu.memory_space<semaphore_mem>>) {add = true}
      %ge3A_359 = arith.constant 3 : i32
      %ge3A_360 = arith.cmpi sge, %add3A_330, %ge3A_359 : i32
      %convert_element_type3A_361 = arith.extui %ge3A_360 : i1 to i32
      %cond3A_362 = arith.constant 0 : i32
      %cond3A_363 = arith.cmpi ne, %convert_element_type3A_361, %cond3A_362 : i32
      scf.if %cond3A_363 {
        %sub3A = arith.constant 3 : i32
        %sub3A_371 = arith.subi %add3A_330, %sub3A : i32
        %dma_wait3A_372 = arith.constant 2 : i32
        %dma_wait3A_373 = arith.constant 2 : i32
        %dma_wait3A_374 = arith.constant 0 : i32
        %dma_wait3A_375 = arith.constant 0 : i32
        %dma_wait3A_376 = tpu.memref_slice %arg11[%dma_wait3A_372, %dma_wait3A_374, %dma_wait3A_375] : memref<6x128x16xf32, #tpu.memory_space<vmem>> -> memref<1x128x16xf32, #tpu.memory_space<vmem>>
        %dma_wait3A_377 = tpu.memref_squeeze %dma_wait3A_376 : memref<1x128x16xf32, #tpu.memory_space<vmem>> -> memref<128x16xf32, #tpu.memory_space<vmem>>
        %dma_wait3A_378 = arith.constant 0 : i32
        %dma_wait3A_379 = tpu.memref_slice %arg10[%sub3A_371, %dma_wait3A_378] : memref<84x128xi32, #tpu.memory_space<vmem>> -> memref<1x128xi32, #tpu.memory_space<vmem>>
        %dma_wait3A_380 = tpu.memref_squeeze %dma_wait3A_379 : memref<1x128xi32, #tpu.memory_space<vmem>> -> memref<128xi32, #tpu.memory_space<vmem>>
        %dma_wait3A_381 = arith.constant 0 : i32
        %dma_wait3A_382 = arith.constant 0 : i32
        %dma_wait3A_383 = tpu.memref_slice %arg12[%dma_wait3A_381, %dma_wait3A_382] : memref<10240x16xf32, #tpu.memory_space<vmem_shared>> -> memref<10240x16xf32, #tpu.memory_space<vmem_shared>>
        %dma_wait3A_384 = tpu.memref_slice %arg15[%dma_wait3A_373] : memref<6x!tpu.dma_semaphore, #tpu.memory_space<semaphore_mem>> -> memref<1x!tpu.dma_semaphore, #tpu.memory_space<semaphore_mem>>
        %dma_wait3A_385 = tpu.memref_squeeze %dma_wait3A_384 : memref<1x!tpu.dma_semaphore, #tpu.memory_space<semaphore_mem>> -> memref<!tpu.dma_semaphore, #tpu.memory_space<semaphore_mem>>
        tpu.wait_indirect_dma semaphore(%dma_wait3A_385 : memref<!tpu.dma_semaphore, #tpu.memory_space<semaphore_mem>>) src(%dma_wait3A_377 : memref<128x16xf32, #tpu.memory_space<vmem>>) dst(%dma_wait3A_383 : memref<10240x16xf32, #tpu.memory_space<vmem_shared>>)
      } else {
      }
      %add3A_364 = arith.constant 3 : i32
      %add3A_365 = arith.addi %add3A_330, %add3A_364 : i32
      %lt3A_366 = arith.constant 84 : i32
      %lt3A_367 = arith.cmpi slt, %add3A_365, %lt3A_366 : i32
      %convert_element_type3A_368 = arith.extui %lt3A_367 : i1 to i32
      %cond3A_369 = arith.constant 0 : i32
      %cond3A_370 = arith.cmpi ne, %convert_element_type3A_368, %cond3A_369 : i32
      scf.if %cond3A_370 {
        %add3A_371 = arith.constant 3 : i32
        %add3A_372 = arith.addi %add3A_330, %add3A_371 : i32
        %dma_start3A_373 = arith.constant 2 : i32
        %dma_start3A_374 = arith.constant 2 : i32
        %dma_start3A_375 = arith.constant 0 : i32
        %dma_start3A_376 = arith.constant 0 : i32
        %dma_start3A_377 = tpu.memref_slice %arg11[%dma_start3A_373, %dma_start3A_375, %dma_start3A_376] : memref<6x128x16xf32, #tpu.memory_space<vmem>> -> memref<1x128x16xf32, #tpu.memory_space<vmem>>
        %dma_start3A_378 = tpu.memref_squeeze %dma_start3A_377 : memref<1x128x16xf32, #tpu.memory_space<vmem>> -> memref<128x16xf32, #tpu.memory_space<vmem>>
        %dma_start3A_379 = arith.constant 0 : i32
        %dma_start3A_380 = tpu.memref_slice %arg9[%add3A_372, %dma_start3A_379] : memref<84x128xi32, #tpu.memory_space<vmem>> -> memref<1x128xi32, #tpu.memory_space<vmem>>
        %dma_start3A_381 = tpu.memref_squeeze %dma_start3A_380 : memref<1x128xi32, #tpu.memory_space<vmem>> -> memref<128xi32, #tpu.memory_space<vmem>>
        %dma_start3A_382 = arith.constant 0 : i32
        %dma_start3A_383 = arith.constant 0 : i32
        %dma_start3A_384 = tpu.memref_slice %arg13[%dma_start3A_382, %dma_start3A_383] : memref<10240x16xf32, #tpu.memory_space<vmem_shared>> -> memref<10240x16xf32, #tpu.memory_space<vmem_shared>>
        %dma_start3A_385 = tpu.memref_slice %arg14[%dma_start3A_374] : memref<6x!tpu.dma_semaphore, #tpu.memory_space<semaphore_mem>> -> memref<1x!tpu.dma_semaphore, #tpu.memory_space<semaphore_mem>>
        %dma_start3A_386 = tpu.memref_squeeze %dma_start3A_385 : memref<1x!tpu.dma_semaphore, #tpu.memory_space<semaphore_mem>> -> memref<!tpu.dma_semaphore, #tpu.memory_space<semaphore_mem>>
        tpu.enqueue_indirect_dma source(%dma_start3A_384 : memref<10240x16xf32, #tpu.memory_space<vmem_shared>>) target(%dma_start3A_378 : memref<128x16xf32, #tpu.memory_space<vmem>>) offsets(%dma_start3A_381 : memref<128xi32, #tpu.memory_space<vmem>>) semaphore(%dma_start3A_386 : memref<!tpu.dma_semaphore, #tpu.memory_space<semaphore_mem>>)
      } else {
      }
    }
    %scan3A_60 = arith.constant 14 : i32
    %dma_wait3A = arith.constant 3 : i32
    %dma_wait3A_61 = arith.constant 81 : i32
    %dma_wait3A_62 = arith.constant 3 : i32
    %dma_wait3A_63 = arith.constant 0 : i32
    %dma_wait3A_64 = arith.constant 0 : i32
    %dma_wait3A_65 = tpu.memref_slice %arg11[%dma_wait3A, %dma_wait3A_63, %dma_wait3A_64] : memref<6x128x16xf32, #tpu.memory_space<vmem>> -> memref<1x128x16xf32, #tpu.memory_space<vmem>>
    %dma_wait3A_66 = tpu.memref_squeeze %dma_wait3A_65 : memref<1x128x16xf32, #tpu.memory_space<vmem>> -> memref<128x16xf32, #tpu.memory_space<vmem>>
    %dma_wait3A_67 = arith.constant 0 : i32
    %dma_wait3A_68 = tpu.memref_slice %arg10[%dma_wait3A_61, %dma_wait3A_67] : memref<84x128xi32, #tpu.memory_space<vmem>> -> memref<1x128xi32, #tpu.memory_space<vmem>>
    %dma_wait3A_69 = tpu.memref_squeeze %dma_wait3A_68 : memref<1x128xi32, #tpu.memory_space<vmem>> -> memref<128xi32, #tpu.memory_space<vmem>>
    %dma_wait3A_70 = arith.constant 0 : i32
    %dma_wait3A_71 = arith.constant 0 : i32
    %dma_wait3A_72 = tpu.memref_slice %arg12[%dma_wait3A_70, %dma_wait3A_71] : memref<10240x16xf32, #tpu.memory_space<vmem_shared>> -> memref<10240x16xf32, #tpu.memory_space<vmem_shared>>
    %dma_wait3A_73 = tpu.memref_slice %arg15[%dma_wait3A_62] : memref<6x!tpu.dma_semaphore, #tpu.memory_space<semaphore_mem>> -> memref<1x!tpu.dma_semaphore, #tpu.memory_space<semaphore_mem>>
    %dma_wait3A_74 = tpu.memref_squeeze %dma_wait3A_73 : memref<1x!tpu.dma_semaphore, #tpu.memory_space<semaphore_mem>> -> memref<!tpu.dma_semaphore, #tpu.memory_space<semaphore_mem>>
    tpu.wait_indirect_dma semaphore(%dma_wait3A_74 : memref<!tpu.dma_semaphore, #tpu.memory_space<semaphore_mem>>) src(%dma_wait3A_66 : memref<128x16xf32, #tpu.memory_space<vmem>>) dst(%dma_wait3A_72 : memref<10240x16xf32, #tpu.memory_space<vmem_shared>>)
    %dma_wait3A_75 = arith.constant 4 : i32
    %dma_wait3A_76 = arith.constant 82 : i32
    %dma_wait3A_77 = arith.constant 4 : i32
    %dma_wait3A_78 = arith.constant 0 : i32
    %dma_wait3A_79 = arith.constant 0 : i32
    %dma_wait3A_80 = tpu.memref_slice %arg11[%dma_wait3A_75, %dma_wait3A_78, %dma_wait3A_79] : memref<6x128x16xf32, #tpu.memory_space<vmem>> -> memref<1x128x16xf32, #tpu.memory_space<vmem>>
    %dma_wait3A_81 = tpu.memref_squeeze %dma_wait3A_80 : memref<1x128x16xf32, #tpu.memory_space<vmem>> -> memref<128x16xf32, #tpu.memory_space<vmem>>
    %dma_wait3A_82 = arith.constant 0 : i32
    %dma_wait3A_83 = tpu.memref_slice %arg10[%dma_wait3A_76, %dma_wait3A_82] : memref<84x128xi32, #tpu.memory_space<vmem>> -> memref<1x128xi32, #tpu.memory_space<vmem>>
    %dma_wait3A_84 = tpu.memref_squeeze %dma_wait3A_83 : memref<1x128xi32, #tpu.memory_space<vmem>> -> memref<128xi32, #tpu.memory_space<vmem>>
    %dma_wait3A_85 = arith.constant 0 : i32
    %dma_wait3A_86 = arith.constant 0 : i32
    %dma_wait3A_87 = tpu.memref_slice %arg12[%dma_wait3A_85, %dma_wait3A_86] : memref<10240x16xf32, #tpu.memory_space<vmem_shared>> -> memref<10240x16xf32, #tpu.memory_space<vmem_shared>>
    %dma_wait3A_88 = tpu.memref_slice %arg15[%dma_wait3A_77] : memref<6x!tpu.dma_semaphore, #tpu.memory_space<semaphore_mem>> -> memref<1x!tpu.dma_semaphore, #tpu.memory_space<semaphore_mem>>
    %dma_wait3A_89 = tpu.memref_squeeze %dma_wait3A_88 : memref<1x!tpu.dma_semaphore, #tpu.memory_space<semaphore_mem>> -> memref<!tpu.dma_semaphore, #tpu.memory_space<semaphore_mem>>
    tpu.wait_indirect_dma semaphore(%dma_wait3A_89 : memref<!tpu.dma_semaphore, #tpu.memory_space<semaphore_mem>>) src(%dma_wait3A_81 : memref<128x16xf32, #tpu.memory_space<vmem>>) dst(%dma_wait3A_87 : memref<10240x16xf32, #tpu.memory_space<vmem_shared>>)
    %dma_wait3A_90 = arith.constant 5 : i32
    %dma_wait3A_91 = arith.constant 83 : i32
    %dma_wait3A_92 = arith.constant 5 : i32
    %dma_wait3A_93 = arith.constant 0 : i32
    %dma_wait3A_94 = arith.constant 0 : i32
    %dma_wait3A_95 = tpu.memref_slice %arg11[%dma_wait3A_90, %dma_wait3A_93, %dma_wait3A_94] : memref<6x128x16xf32, #tpu.memory_space<vmem>> -> memref<1x128x16xf32, #tpu.memory_space<vmem>>
    %dma_wait3A_96 = tpu.memref_squeeze %dma_wait3A_95 : memref<1x128x16xf32, #tpu.memory_space<vmem>> -> memref<128x16xf32, #tpu.memory_space<vmem>>
    %dma_wait3A_97 = arith.constant 0 : i32
    %dma_wait3A_98 = tpu.memref_slice %arg10[%dma_wait3A_91, %dma_wait3A_97] : memref<84x128xi32, #tpu.memory_space<vmem>> -> memref<1x128xi32, #tpu.memory_space<vmem>>
    %dma_wait3A_99 = tpu.memref_squeeze %dma_wait3A_98 : memref<1x128xi32, #tpu.memory_space<vmem>> -> memref<128xi32, #tpu.memory_space<vmem>>
    %dma_wait3A_100 = arith.constant 0 : i32
    %dma_wait3A_101 = arith.constant 0 : i32
    %dma_wait3A_102 = tpu.memref_slice %arg12[%dma_wait3A_100, %dma_wait3A_101] : memref<10240x16xf32, #tpu.memory_space<vmem_shared>> -> memref<10240x16xf32, #tpu.memory_space<vmem_shared>>
    %dma_wait3A_103 = tpu.memref_slice %arg15[%dma_wait3A_92] : memref<6x!tpu.dma_semaphore, #tpu.memory_space<semaphore_mem>> -> memref<1x!tpu.dma_semaphore, #tpu.memory_space<semaphore_mem>>
    %dma_wait3A_104 = tpu.memref_squeeze %dma_wait3A_103 : memref<1x!tpu.dma_semaphore, #tpu.memory_space<semaphore_mem>> -> memref<!tpu.dma_semaphore, #tpu.memory_space<semaphore_mem>>
    tpu.wait_indirect_dma semaphore(%dma_wait3A_104 : memref<!tpu.dma_semaphore, #tpu.memory_space<semaphore_mem>>) src(%dma_wait3A_96 : memref<128x16xf32, #tpu.memory_space<vmem>>) dst(%dma_wait3A_102 : memref<10240x16xf32, #tpu.memory_space<vmem_shared>>)
    %barrier3A_105 = arith.constant 0 : index
    tpu.barrier barrier_id(%barrier3A_105)
    %mul3A_106 = arith.constant 640 : i32
    %mul3A_107 = arith.muli %arg1, %mul3A_106 : i32
    %mul3A_108 = arith.constant 640 : i32
    %mul3A_109 = arith.muli %arg1, %mul3A_108 : i32
    "tpu.region"() ({
      %run_scoped3A_110 = tpu.sem_alloc : memref<!tpu.dma_semaphore, #tpu.memory_space<semaphore_mem>>
      %dma_start3A_111 = arith.constant 0 : i32
      %dma_start3A_112 = tpu.memref_slice %arg8[%arg0, %mul3A_109, %dma_start3A_111] : memref<2x10240x16xf32, #tpu.memory_space<hbm>> -> memref<1x640x16xf32, #tpu.memory_space<hbm>>
      %dma_start3A_113 = tpu.memref_squeeze %dma_start3A_112 : memref<1x640x16xf32, #tpu.memory_space<hbm>> -> memref<640x16xf32, #tpu.memory_space<hbm>>
      %dma_start3A_114 = arith.constant 0 : i32
      %dma_start3A_115 = tpu.memref_slice %arg12[%mul3A_107, %dma_start3A_114] : memref<10240x16xf32, #tpu.memory_space<vmem_shared>> -> memref<640x16xf32, #tpu.memory_space<vmem_shared>>
      tpu.enqueue_dma source(%dma_start3A_115 : memref<640x16xf32, #tpu.memory_space<vmem_shared>>) target(%dma_start3A_113 : memref<640x16xf32, #tpu.memory_space<hbm>>) target_semaphore(%run_scoped3A_110 : memref<!tpu.dma_semaphore, #tpu.memory_space<semaphore_mem>>)
      %dma_wait3A_116 = arith.constant 0 : i32
      %dma_wait3A_117 = tpu.memref_slice %arg8[%arg0, %mul3A_109, %dma_wait3A_116] : memref<2x10240x16xf32, #tpu.memory_space<hbm>> -> memref<1x640x16xf32, #tpu.memory_space<hbm>>
      %dma_wait3A_118 = tpu.memref_squeeze %dma_wait3A_117 : memref<1x640x16xf32, #tpu.memory_space<hbm>> -> memref<640x16xf32, #tpu.memory_space<hbm>>
      %dma_wait3A_119 = arith.constant 0 : i32
      %dma_wait3A_120 = tpu.memref_slice %arg12[%mul3A_107, %dma_wait3A_119] : memref<10240x16xf32, #tpu.memory_space<vmem_shared>> -> memref<640x16xf32, #tpu.memory_space<vmem_shared>>
      tpu.wait_dma2 semaphore(%run_scoped3A_110 : memref<!tpu.dma_semaphore, #tpu.memory_space<semaphore_mem>>) src(%dma_wait3A_120 : memref<640x16xf32, #tpu.memory_space<vmem_shared>>) dst(%dma_wait3A_118 : memref<640x16xf32, #tpu.memory_space<hbm>>)
      tpu.yield
    }) : () -> ()
    return
  }
}

#map = affine_map<(d0, d1) -> (0, 0, 0)>
#map1 = affine_map<(d0, d1) -> (0)>
module attributes {stable_mosaic.version = 14 : i64} {
  func.func @deg_kernel(%arg0: i32, %arg1: i32, %arg2: memref<32x84x128xi32, #tpu.memory_space<hbm>>, %arg3: memref<10240xf32, #tpu.memory_space<hbm>>, %arg4: memref<128xf32, #tpu.memory_space<hbm>>, %arg5: memref<20480xf32, #tpu.memory_space<hbm>>, %arg6: memref<84x128xi32, #tpu.memory_space<vmem>>, %arg7: memref<128xf32, #tpu.memory_space<vmem>>, %arg8: memref<10240xf32, #tpu.memory_space<vmem_shared>>, %arg9: memref<!tpu.dma_semaphore, #tpu.memory_space<semaphore_mem>>) attributes {dimension_semantics = [#tpu.dimension_semantics<core_parallel>, #tpu.dimension_semantics<subcore_parallel>], iteration_bounds = array<i64: 2, 16>, scalar_prefetch = 0 : i64, scratch_operands = 4 : i64, tpu.core_type = #tpu.core_type<sc_vector_subcore>, window_params = [{transform_indices = #map}, {transform_indices = #map1}, {transform_indices = #map1}, {transform_indices = #map1}]} {
    %mul3A = arith.constant 16 : i32
    %mul3A_0 = arith.muli %arg0, %mul3A : i32
    %add3A = arith.addi %mul3A_0, %arg1 : i32
    "tpu.region"() ({
      %run_scoped3A = tpu.sem_alloc : memref<!tpu.dma_semaphore, #tpu.memory_space<semaphore_mem>>
      %dma_start3A = arith.constant 0 : i32
      %dma_start3A_24 = arith.constant 0 : i32
      %dma_start3A_25 = tpu.memref_slice %arg2[%add3A, %dma_start3A, %dma_start3A_24] : memref<32x84x128xi32, #tpu.memory_space<hbm>> -> memref<1x84x128xi32, #tpu.memory_space<hbm>>
      %dma_start3A_26 = tpu.memref_squeeze %dma_start3A_25 : memref<1x84x128xi32, #tpu.memory_space<hbm>> -> memref<84x128xi32, #tpu.memory_space<hbm>>
      %dma_start3A_27 = arith.constant 0 : i32
      %dma_start3A_28 = arith.constant 0 : i32
      %dma_start3A_29 = tpu.memref_slice %arg2[%add3A, %dma_start3A_27, %dma_start3A_28] : memref<32x84x128xi32, #tpu.memory_space<hbm>> -> memref<1x84x128xi32, #tpu.memory_space<hbm>>
      %dma_start3A_30 = tpu.memref_squeeze %dma_start3A_29 : memref<1x84x128xi32, #tpu.memory_space<hbm>> -> memref<84x128xi32, #tpu.memory_space<hbm>>
      tpu.enqueue_dma source(%dma_start3A_30 : memref<84x128xi32, #tpu.memory_space<hbm>>) target(%arg6 : memref<84x128xi32, #tpu.memory_space<vmem>>) target_semaphore(%run_scoped3A : memref<!tpu.dma_semaphore, #tpu.memory_space<semaphore_mem>>)
      %dma_wait3A = arith.constant 0 : i32
      %dma_wait3A_31 = arith.constant 0 : i32
      %dma_wait3A_32 = tpu.memref_slice %arg2[%add3A, %dma_wait3A, %dma_wait3A_31] : memref<32x84x128xi32, #tpu.memory_space<hbm>> -> memref<1x84x128xi32, #tpu.memory_space<hbm>>
      %dma_wait3A_33 = tpu.memref_squeeze %dma_wait3A_32 : memref<1x84x128xi32, #tpu.memory_space<hbm>> -> memref<84x128xi32, #tpu.memory_space<hbm>>
      %dma_wait3A_34 = arith.constant 0 : i32
      %dma_wait3A_35 = arith.constant 0 : i32
      %dma_wait3A_36 = tpu.memref_slice %arg2[%add3A, %dma_wait3A_34, %dma_wait3A_35] : memref<32x84x128xi32, #tpu.memory_space<hbm>> -> memref<1x84x128xi32, #tpu.memory_space<hbm>>
      %dma_wait3A_37 = tpu.memref_squeeze %dma_wait3A_36 : memref<1x84x128xi32, #tpu.memory_space<hbm>> -> memref<84x128xi32, #tpu.memory_space<hbm>>
      tpu.wait_dma2 semaphore(%run_scoped3A : memref<!tpu.dma_semaphore, #tpu.memory_space<semaphore_mem>>) src(%dma_wait3A_37 : memref<84x128xi32, #tpu.memory_space<hbm>>) dst(%arg6 : memref<84x128xi32, #tpu.memory_space<vmem>>)
      tpu.yield
    }) : () -> ()
    "tpu.region"() ({
      %run_scoped3A = tpu.sem_alloc : memref<!tpu.dma_semaphore, #tpu.memory_space<semaphore_mem>>
      tpu.enqueue_dma source(%arg4 : memref<128xf32, #tpu.memory_space<hbm>>) target(%arg7 : memref<128xf32, #tpu.memory_space<vmem>>) target_semaphore(%run_scoped3A : memref<!tpu.dma_semaphore, #tpu.memory_space<semaphore_mem>>)
      tpu.wait_dma2 semaphore(%run_scoped3A : memref<!tpu.dma_semaphore, #tpu.memory_space<semaphore_mem>>) src(%arg4 : memref<128xf32, #tpu.memory_space<hbm>>) dst(%arg7 : memref<128xf32, #tpu.memory_space<vmem>>)
      tpu.yield
    }) : () -> ()
    %mul3A_1 = arith.constant 640 : i32
    %mul3A_2 = arith.muli %arg1, %mul3A_1 : i32
    %mul3A_3 = arith.constant 640 : i32
    %mul3A_4 = arith.muli %arg1, %mul3A_3 : i32
    "tpu.region"() ({
      %run_scoped3A = tpu.sem_alloc : memref<!tpu.dma_semaphore, #tpu.memory_space<semaphore_mem>>
      %dma_start3A = tpu.memref_slice %arg8[%mul3A_4] : memref<10240xf32, #tpu.memory_space<vmem_shared>> -> memref<640xf32, #tpu.memory_space<vmem_shared>>
      %dma_start3A_24 = tpu.memref_slice %arg3[%mul3A_2] : memref<10240xf32, #tpu.memory_space<hbm>> -> memref<640xf32, #tpu.memory_space<hbm>>
      tpu.enqueue_dma source(%dma_start3A_24 : memref<640xf32, #tpu.memory_space<hbm>>) target(%dma_start3A : memref<640xf32, #tpu.memory_space<vmem_shared>>) target_semaphore(%run_scoped3A : memref<!tpu.dma_semaphore, #tpu.memory_space<semaphore_mem>>)
      %dma_wait3A = tpu.memref_slice %arg8[%mul3A_4] : memref<10240xf32, #tpu.memory_space<vmem_shared>> -> memref<640xf32, #tpu.memory_space<vmem_shared>>
      %dma_wait3A_25 = tpu.memref_slice %arg3[%mul3A_2] : memref<10240xf32, #tpu.memory_space<hbm>> -> memref<640xf32, #tpu.memory_space<hbm>>
      tpu.wait_dma2 semaphore(%run_scoped3A : memref<!tpu.dma_semaphore, #tpu.memory_space<semaphore_mem>>) src(%dma_wait3A_25 : memref<640xf32, #tpu.memory_space<hbm>>) dst(%dma_wait3A : memref<640xf32, #tpu.memory_space<vmem_shared>>)
      tpu.yield
    }) : () -> ()
    %barrier3A = arith.constant 0 : index
    tpu.barrier barrier_id(%barrier3A)
    %scan3A = arith.constant 0 : i32
    %scan3A_5 = arith.constant 0 : i32
    %scan3A_6 = arith.constant 84 : i32
    %scan3A_7 = arith.addi %scan3A_5, %scan3A_6 : i32
    %scan3A_8 = arith.constant 1 : i32
    scf.for %scan3A_24 = %scan3A_5 to %scan3A_7 step %scan3A_8  : i32 {
      %dma_start3A = arith.constant 0 : i32
      %dma_start3A_25 = tpu.memref_slice %arg6[%scan3A_24, %dma_start3A] : memref<84x128xi32, #tpu.memory_space<vmem>> -> memref<1x128xi32, #tpu.memory_space<vmem>>
      %dma_start3A_26 = tpu.memref_squeeze %dma_start3A_25 : memref<1x128xi32, #tpu.memory_space<vmem>> -> memref<128xi32, #tpu.memory_space<vmem>>
      %dma_start3A_27 = arith.constant 0 : i32
      %dma_start3A_28 = tpu.memref_slice %arg8[%dma_start3A_27] : memref<10240xf32, #tpu.memory_space<vmem_shared>> -> memref<10240xf32, #tpu.memory_space<vmem_shared>>
      tpu.enqueue_indirect_dma source(%arg7 : memref<128xf32, #tpu.memory_space<vmem>>) target(%dma_start3A_28 : memref<10240xf32, #tpu.memory_space<vmem_shared>>) offsets(%dma_start3A_26 : memref<128xi32, #tpu.memory_space<vmem>>) semaphore(%arg9 : memref<!tpu.dma_semaphore, #tpu.memory_space<semaphore_mem>>) {add = true}
    }
    %scan3A_9 = arith.constant 84 : i32
    %scan3A_10 = arith.constant 0 : i32
    %scan3A_11 = arith.constant 0 : i32
    %scan3A_12 = arith.constant 84 : i32
    %scan3A_13 = arith.addi %scan3A_11, %scan3A_12 : i32
    %scan3A_14 = arith.constant 1 : i32
    scf.for %scan3A_24 = %scan3A_11 to %scan3A_13 step %scan3A_14  : i32 {
      %dma_wait3A = arith.constant 0 : i32
      %dma_wait3A_25 = tpu.memref_slice %arg6[%scan3A_24, %dma_wait3A] : memref<84x128xi32, #tpu.memory_space<vmem>> -> memref<1x128xi32, #tpu.memory_space<vmem>>
      %dma_wait3A_26 = tpu.memref_squeeze %dma_wait3A_25 : memref<1x128xi32, #tpu.memory_space<vmem>> -> memref<128xi32, #tpu.memory_space<vmem>>
      %dma_wait3A_27 = arith.constant 0 : i32
      %dma_wait3A_28 = tpu.memref_slice %arg8[%dma_wait3A_27] : memref<10240xf32, #tpu.memory_space<vmem_shared>> -> memref<10240xf32, #tpu.memory_space<vmem_shared>>
      tpu.wait_indirect_dma semaphore(%arg9 : memref<!tpu.dma_semaphore, #tpu.memory_space<semaphore_mem>>) src(%arg7 : memref<128xf32, #tpu.memory_space<vmem>>) dst(%dma_wait3A_28 : memref<10240xf32, #tpu.memory_space<vmem_shared>>)
    }
    %scan3A_15 = arith.constant 84 : i32
    %barrier3A_16 = arith.constant 0 : index
    tpu.barrier barrier_id(%barrier3A_16)
    %mul3A_17 = arith.constant 640 : i32
    %mul3A_18 = arith.muli %arg1, %mul3A_17 : i32
    %mul3A_19 = arith.constant 10240 : i32
    %mul3A_20 = arith.muli %arg0, %mul3A_19 : i32
    %mul3A_21 = arith.constant 640 : i32
    %mul3A_22 = arith.muli %arg1, %mul3A_21 : i32
    %add3A_23 = arith.addi %mul3A_20, %mul3A_22 : i32
    "tpu.region"() ({
      %run_scoped3A = tpu.sem_alloc : memref<!tpu.dma_semaphore, #tpu.memory_space<semaphore_mem>>
      %dma_start3A = tpu.memref_slice %arg5[%add3A_23] : memref<20480xf32, #tpu.memory_space<hbm>> -> memref<640xf32, #tpu.memory_space<hbm>>
      %dma_start3A_24 = tpu.memref_slice %arg8[%mul3A_18] : memref<10240xf32, #tpu.memory_space<vmem_shared>> -> memref<640xf32, #tpu.memory_space<vmem_shared>>
      tpu.enqueue_dma source(%dma_start3A_24 : memref<640xf32, #tpu.memory_space<vmem_shared>>) target(%dma_start3A : memref<640xf32, #tpu.memory_space<hbm>>) target_semaphore(%run_scoped3A : memref<!tpu.dma_semaphore, #tpu.memory_space<semaphore_mem>>)
      %dma_wait3A = tpu.memref_slice %arg5[%add3A_23] : memref<20480xf32, #tpu.memory_space<hbm>> -> memref<640xf32, #tpu.memory_space<hbm>>
      %dma_wait3A_25 = tpu.memref_slice %arg8[%mul3A_18] : memref<10240xf32, #tpu.memory_space<vmem_shared>> -> memref<640xf32, #tpu.memory_space<vmem_shared>>
      tpu.wait_dma2 semaphore(%run_scoped3A : memref<!tpu.dma_semaphore, #tpu.memory_space<semaphore_mem>>) src(%dma_wait3A_25 : memref<640xf32, #tpu.memory_space<vmem_shared>>) dst(%dma_wait3A : memref<640xf32, #tpu.memory_space<hbm>>)
      tpu.yield
    }) : () -> ()
    return
  }
}

module attributes {stable_mosaic.version = 14 : i64} {
  func.func @_tc1_body(%arg0: i32, %arg1: memref<10000x128xf32, #tpu.memory_space<vmem>>, %arg2: memref<128x16xf32, #tpu.memory_space<vmem>>, %arg3: memref<10000x1xf32, #tpu.memory_space<vmem>>, %arg4: memref<10000x1xf32, #tpu.memory_space<vmem>>, %arg5: memref<10000x16xf32, #tpu.memory_space<vmem>>, %arg6: memref<10000x1xf32, #tpu.memory_space<vmem>>) attributes {dimension_semantics = [#tpu.dimension_semantics<arbitrary>], iteration_bounds = array<i64: 1>, scalar_prefetch = 0 : i64, scratch_operands = 0 : i64, tpu.core_type = #tpu.core_type<tc>, window_params = [{transform_indices = @transform_0, window_bounds = array<i64: 10000, 128>}, {pipeline_mode = #tpu.pipeline_mode<synchronous>, transform_indices = @transform_1, window_bounds = array<i64: 128, 16>}, {transform_indices = @transform_2, window_bounds = array<i64: 10000, 1>}, {transform_indices = @transform_3, window_bounds = array<i64: 10000, 1>}, {transform_indices = @transform_4, window_bounds = array<i64: 10000, 16>}, {transform_indices = @transform_5, window_bounds = array<i64: 10000, 1>}]} {
    %get3A = arith.constant 0 : index
    %get3A_0 = arith.constant 0 : index
    %get3A_1 = vector.load %arg3[%get3A, %get3A_0] : memref<10000x1xf32, #tpu.memory_space<vmem>>, vector<10000x1xf32>
    %get3A_2 = arith.constant 0 : index
    %get3A_3 = arith.constant 0 : index
    %get3A_4 = vector.load %arg4[%get3A_2, %get3A_3] : memref<10000x1xf32, #tpu.memory_space<vmem>>, vector<10000x1xf32>
    %add3A = arith.addf %get3A_1, %get3A_4 : vector<10000x1xf32>
    %rsqrt3A = math.rsqrt %add3A : vector<10000x1xf32>
    %get3A_5 = arith.constant 0 : index
    %get3A_6 = arith.constant 0 : index
    %get3A_7 = vector.load %arg1[%get3A_5, %get3A_6] : memref<10000x128xf32, #tpu.memory_space<vmem>>, vector<10000x128xf32>
    %get3A_8 = arith.constant 0 : index
    %get3A_9 = arith.constant 0 : index
    %get3A_10 = vector.load %arg2[%get3A_8, %get3A_9] : memref<128x16xf32, #tpu.memory_space<vmem>>, vector<128x16xf32>
    %dot_general3A = arith.constant dense<0.000000e+00> : vector<10000x16xf32>
    %dot_general3A_11 = tpu.matmul %get3A_7, %get3A_10, %dot_general3A {dimension_numbers = #tpu.dot_dimension_numbers<[1], [0], [0], [1], [0, 0, 1, 1], [], []>, transpose_lhs_hint = false} : vector<10000x128xf32>, vector<128x16xf32>, vector<10000x16xf32> -> vector<10000x16xf32>
    %mul3A = vector.broadcast %rsqrt3A : vector<10000x1xf32> to vector<10000x16xf32>
    %mul3A_12 = arith.mulf %dot_general3A_11, %mul3A : vector<10000x16xf32>
    %swap3A = arith.constant 0 : index
    %swap3A_13 = arith.constant 0 : index
    %swap3A_14 = vector.load %arg5[%swap3A, %swap3A_13] : memref<10000x16xf32, #tpu.memory_space<vmem>>, vector<10000x16xf32>
    tpu.vector_store %arg5[%swap3A, %swap3A_13], %mul3A_12 {strides = array<i32>} : memref<10000x16xf32, #tpu.memory_space<vmem>>, vector<10000x16xf32>,
    %swap3A_15 = arith.constant 0 : index
    %swap3A_16 = arith.constant 0 : index
    %swap3A_17 = vector.load %arg6[%swap3A_15, %swap3A_16] : memref<10000x1xf32, #tpu.memory_space<vmem>>, vector<10000x1xf32>
    tpu.vector_store %arg6[%swap3A_15, %swap3A_16], %rsqrt3A {strides = array<i32>} : memref<10000x1xf32, #tpu.memory_space<vmem>>, vector<10000x1xf32>,
    return
  }
  func.func @transform_0(%arg0: i32) -> (i32, i32) {
    %c0_i32 = arith.constant 0 : i32
    %c0_i32_0 = arith.constant 0 : i32
    return %arg0, %c0_i32 : i32, i32
  }
  func.func @transform_1(%arg0: i32) -> (i32, i32) {
    %c0_i32 = arith.constant 0 : i32
    %c0_i32_0 = arith.constant 0 : i32
    %c0_i32_1 = arith.constant 0 : i32
    return %c0_i32, %c0_i32_0 : i32, i32
  }
  func.func @transform_2(%arg0: i32) -> (i32, i32) {
    %c0_i32 = arith.constant 0 : i32
    %c0_i32_0 = arith.constant 0 : i32
    return %arg0, %c0_i32 : i32, i32
  }
  func.func @transform_3(%arg0: i32) -> (i32, i32) {
    %c0_i32 = arith.constant 0 : i32
    %c0_i32_0 = arith.constant 0 : i32
    return %arg0, %c0_i32 : i32, i32
  }
  func.func @transform_4(%arg0: i32) -> (i32, i32) {
    %c0_i32 = arith.constant 0 : i32
    %c0_i32_0 = arith.constant 0 : i32
    return %arg0, %c0_i32 : i32, i32
  }
  func.func @transform_5(%arg0: i32) -> (i32, i32) {
    %c0_i32 = arith.constant 0 : i32
    %c0_i32_0 = arith.constant 0 : i32
    return %arg0, %c0_i32 : i32, i32
  }
}

module attributes {stable_mosaic.version = 14 : i64} {
  func.func @_tc3_body(%arg0: i32, %arg1: memref<10000x16xf32, #tpu.memory_space<vmem>>, %arg2: memref<10000x16xf32, #tpu.memory_space<vmem>>, %arg3: memref<16x7xf32, #tpu.memory_space<vmem>>, %arg4: memref<1x7xf32, #tpu.memory_space<vmem>>, %arg5: memref<10000x1xf32, #tpu.memory_space<vmem>>, %arg6: memref<10000x7xf32, #tpu.memory_space<vmem>>) attributes {dimension_semantics = [#tpu.dimension_semantics<arbitrary>], iteration_bounds = array<i64: 1>, scalar_prefetch = 0 : i64, scratch_operands = 0 : i64, tpu.core_type = #tpu.core_type<tc>, window_params = [{transform_indices = @transform_0, window_bounds = array<i64: 10000, 16>}, {transform_indices = @transform_1, window_bounds = array<i64: 10000, 16>}, {pipeline_mode = #tpu.pipeline_mode<synchronous>, transform_indices = @transform_2, window_bounds = array<i64: 16, 7>}, {pipeline_mode = #tpu.pipeline_mode<synchronous>, transform_indices = @transform_3, window_bounds = array<i64: 1, 7>}, {transform_indices = @transform_4, window_bounds = array<i64: 10000, 1>}, {transform_indices = @transform_5, window_bounds = array<i64: 10000, 7>}]} {
    %get3A = arith.constant 0 : index
    %get3A_0 = arith.constant 0 : index
    %get3A_1 = vector.load %arg1[%get3A, %get3A_0] : memref<10000x16xf32, #tpu.memory_space<vmem>>, vector<10000x16xf32>
    %get3A_2 = arith.constant 0 : index
    %get3A_3 = arith.constant 0 : index
    %get3A_4 = vector.load %arg2[%get3A_2, %get3A_3] : memref<10000x16xf32, #tpu.memory_space<vmem>>, vector<10000x16xf32>
    %add3A = arith.addf %get3A_1, %get3A_4 : vector<10000x16xf32>
    %get3A_5 = arith.constant 0 : index
    %get3A_6 = arith.constant 0 : index
    %get3A_7 = vector.load %arg3[%get3A_5, %get3A_6] : memref<16x7xf32, #tpu.memory_space<vmem>>, vector<16x7xf32>
    %dot_general3A = arith.constant dense<0.000000e+00> : vector<10000x7xf32>
    %dot_general3A_8 = tpu.matmul %add3A, %get3A_7, %dot_general3A {dimension_numbers = #tpu.dot_dimension_numbers<[1], [0], [0], [1], [0, 0, 1, 1], [], []>, transpose_lhs_hint = false} : vector<10000x16xf32>, vector<16x7xf32>, vector<10000x7xf32> -> vector<10000x7xf32>
    %get3A_9 = arith.constant 0 : index
    %get3A_10 = arith.constant 0 : index
    %get3A_11 = vector.load %arg5[%get3A_9, %get3A_10] : memref<10000x1xf32, #tpu.memory_space<vmem>>, vector<10000x1xf32>
    %mul3A = vector.broadcast %get3A_11 : vector<10000x1xf32> to vector<10000x7xf32>
    %mul3A_12 = arith.mulf %dot_general3A_8, %mul3A : vector<10000x7xf32>
    %get3A_13 = arith.constant 0 : index
    %get3A_14 = arith.constant 0 : index
    %get3A_15 = vector.load %arg4[%get3A_13, %get3A_14] : memref<1x7xf32, #tpu.memory_space<vmem>>, vector<1x7xf32>
    %add3A_16 = vector.broadcast %get3A_15 : vector<1x7xf32> to vector<10000x7xf32>
    %add3A_17 = arith.addf %mul3A_12, %add3A_16 : vector<10000x7xf32>
    %reduce_max3A = arith.constant dense<0xFF800000> : vector<10000xf32>
    %reduce_max3A_18 = vector.multi_reduction <maximumf>, %add3A_17, %reduce_max3A [1] : vector<10000x7xf32> to vector<10000xf32>
    %broadcast_in_dim3A = vector.shape_cast %reduce_max3A_18 : vector<10000xf32> to vector<10000x1xf32>
    %sub3A = vector.broadcast %broadcast_in_dim3A : vector<10000x1xf32> to vector<10000x7xf32>
    %sub3A_19 = arith.subf %add3A_17, %sub3A : vector<10000x7xf32>
    %exp3A = math.exp %sub3A_19 : vector<10000x7xf32>
    %reduce_sum3A = arith.constant dense<0.000000e+00> : vector<10000xf32>
    %reduce_sum3A_20 = vector.multi_reduction <add>, %exp3A, %reduce_sum3A [1] : vector<10000x7xf32> to vector<10000xf32>
    %broadcast_in_dim3A_21 = vector.shape_cast %reduce_sum3A_20 : vector<10000xf32> to vector<10000x1xf32>
    %log3A = math.log %broadcast_in_dim3A_21 : vector<10000x1xf32>
    %sub3A_22 = vector.broadcast %broadcast_in_dim3A : vector<10000x1xf32> to vector<10000x7xf32>
    %sub3A_23 = arith.subf %add3A_17, %sub3A_22 : vector<10000x7xf32>
    %sub3A_24 = vector.broadcast %log3A : vector<10000x1xf32> to vector<10000x7xf32>
    %sub3A_25 = arith.subf %sub3A_23, %sub3A_24 : vector<10000x7xf32>
    %swap3A = arith.constant 0 : index
    %swap3A_26 = arith.constant 0 : index
    %swap3A_27 = vector.load %arg6[%swap3A, %swap3A_26] : memref<10000x7xf32, #tpu.memory_space<vmem>>, vector<10000x7xf32>
    tpu.vector_store %arg6[%swap3A, %swap3A_26], %sub3A_25 {strides = array<i32>} : memref<10000x7xf32, #tpu.memory_space<vmem>>, vector<10000x7xf32>,
    return
  }
  func.func @transform_0(%arg0: i32) -> (i32, i32) {
    %c0_i32 = arith.constant 0 : i32
    %c0_i32_0 = arith.constant 0 : i32
    return %arg0, %c0_i32 : i32, i32
  }
  func.func @transform_1(%arg0: i32) -> (i32, i32) {
    %c0_i32 = arith.constant 0 : i32
    %c0_i32_0 = arith.constant 0 : i32
    return %arg0, %c0_i32 : i32, i32
  }
  func.func @transform_2(%arg0: i32) -> (i32, i32) {
    %c0_i32 = arith.constant 0 : i32
    %c0_i32_0 = arith.constant 0 : i32
    %c0_i32_1 = arith.constant 0 : i32
    return %c0_i32, %c0_i32_0 : i32, i32
  }
  func.func @transform_3(%arg0: i32) -> (i32, i32) {
    %c0_i32 = arith.constant 0 : i32
    %c0_i32_0 = arith.constant 0 : i32
    %c0_i32_1 = arith.constant 0 : i32
    return %c0_i32, %c0_i32_0 : i32, i32
  }
  func.func @transform_4(%arg0: i32) -> (i32, i32) {
    %c0_i32 = arith.constant 0 : i32
    %c0_i32_0 = arith.constant 0 : i32
    return %arg0, %c0_i32 : i32, i32
  }
  func.func @transform_5(%arg0: i32) -> (i32, i32) {
    %c0_i32 = arith.constant 0 : i32
    %c0_i32_0 = arith.constant 0 : i32
    return %arg0, %c0_i32 : i32, i32
  }
}

</mosaic_0001>

<sc_bundles>
// kernel: kernel.10.cloned.1.call-start
scs
__scs_entry_jumppad:
0x0: {  	(pc) =	sbr.rel $0x88, $3  }
0x1: {  	(tag) =	ssettag $0x0;
	lr =	simm.s32 $0x1  }
0x2: {  	[smem:$0x3F9B] =	sst lr;
	_ =	strace $0xD0000000  }
0x3: {  	_ = 	snop  }
0x4: {  	_ = 	snop  }
0x5: {  	_ = 	snop  }
0x6: {  	_ = 	snop  }
0x7: {  	_ = 	snop  }
__scs_overlays_trampoline_lowered:
0x8: {  	[smem:$0x3FAA] =	sst s0  }
0x9: {  	[smem:$0x3FAB] =	sst s1  }
0xa: {  	[smem:$0x3FAC] =	sst s2  }
0xb: {  	[smem:$0x3FAD] =	sst s3  }
0xc: {  	[smem:$0x3FAE] =	sst s4  }
0xd: {  	[smem:$0x3FAF] =	sst s5  }
0xe: {  	[smem:$0x3FB0] =	sst s6  }
0xf: {  	[smem:$0x3FB1] =	sst s7  }
0x10: {  	[smem:$0x3FB2] =	sst s8  }
0x11: {  	[smem:$0x3FB3] =	sst s9;
	s0 =	simm.s32 @!p0 $0x0  }
0x12: {  	s1 =	sld [smem:$0x3F99];
	s0 =	simm.s32 @p0 $0x1  }
0x13: {  	[smem:$0x3FB4] =	sst s0;
	s0 =	simm.s32 @!p1 $0x0  }
0x14: {  	s2 =	sld [smem:$0x3F98];
	s0 =	simm.s32 @p1 $0x1  }
0x15: {  	[smem:$0x3FB5] =	sst s0;
	s0 =	simm.s32 @!p2 $0x0  }
0x16: {  	s3 =	sld [smem:$0x3FDB];
	s0 =	simm.s32 @p2 $0x1  }
0x17: {  	s4 =	simm.s32 $0x1BF5;
	[smem:$0x3FB7] =	sst s0  }
0x18: {  	s0 =	sld [smem:$0x3F9A];
	_ =	swait.ge [sflag:s4], $0x0  }
0x19: {  	s7 =	sld [smem:$0x3F9B]  }
0x1a: {  	s8 =	sadd.s32 $0xFFFFE003, lr  }
0x1b: {  	s9 =	sadd.s32 $0xFFFFFEF7, lr;
	s5 =	simm.s32 $0xFFFFFFFF;
	p2 =	slt.u32 s8, $0xFFFFF086  }
0x1c: {  	p1 =	slt.u32 s9, $0xF7A;
	s5 =	simm.s32 @!p2 $0x0  }
0x1d: {  	s5 =	simm.s32 @p1 $0x1;
	p0 =	seq.s32 s7, s2  }
0x1e: {  	s7 =	smul.u32 @!p0 $0xF7A, s2;
	p2 =	seq.s32 @!p0 s5, $0x0  }
0x1f: {  	s9 =	smul.u32 $0xF7A, s1;
	s8 =	simm.s32 @!p0 $0x1BF5;
	p2 =	por !p2, p0  }
0x20: {  	[sflag:s8] =	ssyncset.s32 @!p0 $0xFFFFF086;
	s6 =	sadd.s32 @!p0 s3, s7;
	s7 =	simm.s32 @!p0 $0x108  }
0x21: {  	s3 =	sadd.s32 s3, s9;
	s6 =	sadd.s32 @!p0 $0x88, s6;
	s7 =	simm.s32 @p2 $0x1082  }
0x22: {  	[simem:s7], [sflag:s8] =	dma.local @!p0 [hbm:s6], $0xF7A  }
0x23: {  	s9 =	sor.u32 $0xD0000000, s2;
	s6 =	simm.s32 $0x108;
	_ =	swait.ge @!p0 [sflag:s8], $0x0  }
0x24: {  	s3 =	sadd.s32 $0x88, s3;
	s6 =	simm.s32 @!p1 $0x1082;
	[sflag:s4] =	ssyncset.s32 $0xFFFFF086  }
0x25: {  	[simem:s6], [sflag:s4] =	dma.local [hbm:s3], $0xF7A  }
0x26: {  	[smem:$0x3F9B] =	sst s1;
	(tag) =	ssettag s2;
	_ =	strace s9  }
0x27: {  	s1 =	sld [smem:$0x3FAB]  }
0x28: {  	s2 =	sld [smem:$0x3FAC]  }
0x29: {  	s4 =	sld [smem:$0x3FAE]  }
0x2a: {  	p0 =	seq.s32 s5, $0x0;
	s5 =	sld [smem:$0x3FAF]  }
0x2b: {  	s6 =	sld [smem:$0x3FB0]  }
0x2c: {  	s7 =	sld [smem:$0x3FB1]  }
0x2d: {  	s3 =	simm.s32 $0x108;
	s8 =	sld [smem:$0x3FB2]  }
0x2e: {  	s3 =	simm.s32 @!p0 $0x1082;
	s9 =	sld [smem:$0x3FB3]  }
0x2f: {  	lr =	sadd.s32 s0, s3;
	s0 =	sld [smem:$0x3FAA]  }
0x30: {  	s3 =	sld [smem:$0x3FAD]  }
0x31: {  	[smem:$0x3FB6] =	sst s10  }
0x32: {  	s10 =	sld [smem:$0x3FB4];
	_ =	sdelay $0x3  }
0x33: {  	p0 =	seq.s32 s10, $0x1;
	s10 =	sld [smem:$0x3FB6];
	_ =	sdelay $0x3  }
0x34: {  	[smem:$0x3FB6] =	sst s10  }
0x35: {  	s10 =	sld [smem:$0x3FB5];
	_ =	sdelay $0x3  }
0x36: {  	p1 =	seq.s32 s10, $0x1;
	s10 =	sld [smem:$0x3FB6];
	_ =	sdelay $0x3  }
0x37: {  	[smem:$0x3FB6] =	sst s10  }
0x38: {  	s10 =	sld [smem:$0x3FB7]  }
0x39: {  	_ = 	snop;
	(pc) =	sbr.ind lr, $3  }
0x3a: {  	_ = 	snop  }
0x3b: {  	_ = 	snop  }
0x3c: {  	p2 =	seq.s32 s10, $0x1;
	s10 =	sld [smem:$0x3FB6]  }
0x3d: {  	_ =	shalt  }
0x3e: {  	_ =	shalt  }
0x3f: {  	_ =	shalt  }
0x40: {  	_ =	shalt  }
0x41: {  	_ =	shalt  }
0x42: {  	_ =	shalt  }
0x43: {  	_ =	shalt  }
0x44: {  	_ =	shalt  }
0x45: {  	_ =	shalt  }
0x46: {  	_ =	shalt  }
0x47: {  	_ =	shalt  }
0x48: {  	_ =	shalt  }
0x49: {  	_ =	shalt  }
0x4a: {  	_ =	shalt  }
0x4b: {  	_ =	shalt  }
0x4c: {  	_ =	shalt  }
0x4d: {  	_ =	shalt  }
0x4e: {  	_ =	shalt  }
0x4f: {  	_ =	shalt  }
0x50: {  	_ =	shalt  }
0x51: {  	_ =	shalt  }
0x52: {  	_ =	shalt  }
0x53: {  	_ =	shalt  }
0x54: {  	_ =	shalt  }
0x55: {  	_ =	shalt  }
0x56: {  	_ =	shalt  }
0x57: {  	_ =	shalt  }
0x58: {  	_ =	shalt  }
0x59: {  	_ =	shalt  }
0x5a: {  	_ =	shalt  }
0x5b: {  	_ =	shalt  }
0x5c: {  	_ =	shalt  }
0x5d: {  	_ =	shalt  }
0x5e: {  	_ =	shalt  }
0x5f: {  	_ =	shalt  }
0x60: {  	_ =	shalt  }
0x61: {  	_ =	shalt  }
0x62: {  	_ =	shalt  }
0x63: {  	_ =	shalt  }
0x64: {  	_ =	shalt  }
0x65: {  	_ =	shalt  }
0x66: {  	_ =	shalt  }
0x67: {  	_ =	shalt  }
0x68: {  	_ =	shalt  }
0x69: {  	_ =	shalt  }
0x6a: {  	_ =	shalt  }
0x6b: {  	_ =	shalt  }
0x6c: {  	_ =	shalt  }
0x6d: {  	_ =	shalt  }
0x6e: {  	_ =	shalt  }
0x6f: {  	_ =	shalt  }
0x70: {  	_ =	shalt  }
0x71: {  	_ =	shalt  }
0x72: {  	_ =	shalt  }
0x73: {  	_ =	shalt  }
0x74: {  	_ =	shalt  }
0x75: {  	_ =	shalt  }
0x76: {  	_ =	shalt  }
0x77: {  	_ =	shalt  }
0x78: {  	_ =	shalt  }
0x79: {  	_ =	shalt  }
0x7a: {  	_ =	shalt  }
0x7b: {  	_ =	shalt  }
0x7c: {  	_ =	shalt  }
0x7d: {  	_ =	shalt  }
0x7e: {  	_ =	shalt  }
0x7f: {  	_ =	shalt  }
0x80: {  	_ =	shalt  }
0x81: {  	_ =	shalt  }
0x82: {  	_ =	shalt  }
0x83: {  	_ =	shalt  }
0x84: {  	_ =	shalt  }
0x85: {  	_ =	shalt  }
0x86: {  	_ =	shalt  }
0x87: {  	_ =	shalt  }
.Lfunc_end0:
.L_simem_size_0:
called_computation.1_lowered:
.L_overlay_start_0:
0x88: {  	s2 =	sld [smem:$0x3FD9]  }
0x89: {  	s3 =	sld [smem:$0x3FFE];
	_ =	sdelay $0x1  }
0x8a: {  	s1 =	srdreg.scid  }
0x8b: {  	s0 =	sand.u32 $0x1, s1  }
0x8c: {  	s16 =	sshll.u32 s0, $0xA;
	s2 =	sadd.s32 s3, s2  }
0x8d: {  	s2 =	sadd.s32 s2, s16  }
0x8e: {  	[smem:$0x3FC2] =	sst s2  }
0x8f: {  	_ = 	snop  }
0x90: {  	(tm) =	ssettm $0x1  }
0x91: {  	s17 =	sld [smem:$0x3FFB];
	_ =	sdelay $0x3  }
0x92: {  	_ =	strace s17  }
0x93: {  	s2 =	sld [smem:$0x3FFC];
	_ =	sdelay $0x3  }
0x94: {  	_ =	strace s2  }
0x95: {  	s2 =	sld [smem:$0x3FFD];
	_ =	sdelay $0x3  }
0x96: {  	_ =	strace s2  }
0x97: {  	_ =	strace $0x8FFFFFFF  }
0x98: {  	s18 =	sld [smem:$0x3FDB];
	_ =	sdelay $0x1  }
0x99: {  	s19 =	simm.s32 $_scs_section_size  }
0x9a: {  	s4 =	simm.s32 $_size__tile_overlayer_lowered;
	s5 =	simm.s32 $_tile_overlayer_lowered  }
0x9b: {  	s22 =	simm.s32 $0x1BFF;
	s21 =	sshll.u32 s5, $0x1;
	s2 =	sadd.s32 s19, s18  }
0x9c: {  	s6 =	simm.s32 $0x0;
	s20 =	sshll.u32 s4, $0x1;
	s4 =	sadd.s32 s21, s2  }
0x9d: {  	[timem:s6], [sflag:s22] =	dma.local [hbm:s4], s20  }
0x9e: {  	_ =	swait.ge [sflag:s22], s20  }
0x9f: {  	s3 =	ssub.s32 $0x0, s20;
	[sflag:s22] =	ssyncset.done $0x0  }
0xa0: {  	[sflag:s22] =	ssyncadd.s32 s3;
	_ =	sdelay $0x1  }
0xa1: {  	s23 =	simm.s32 $0x1B8B  }
0xa2: {  	_ =	swait.ge [sflag:s23], $0x1  }
0xa3: {  	[sflag:s23] =	ssyncset.done $0x0  }
0xa4: {  	s25 =	simm.s32 $0x1B8E;
	s24 =	sld [smem:$0x3FFE];
	[sflag:s23] =	ssyncadd.s32 $0xFFFFFFFF  }
0xa5: {  	s26 =	simm.s32 $execute0_lowered;
	[smem:$0x3FD2] =	sst s25  }
0xa6: {  	s4 =	sshll.u32 s26, $0x1;
	_ =	strace $0x80000049;
	[dreg:$0x1] =	wrdreg $0xFFFFFFFF  }
0xa7: {  	s28 =	simm.s32 $_size_execute0_lowered;
	s2 =	sadd.s32 s2, s4;
	[dreg:$0x0] =	wrdreg $0x0  }
0xa8: {  	s4 =	sshll.u32 s28, $0x1;
	[dreg:$0x2] =	wrdreg s2  }
0xa9: {  	[dreg:$0x3] =	wrdreg s4  }
0xaa: {  	[dreg:$0x4] =	wrdreg $0xC0  }
0xab: {  	_ =	task [dreg:s6], $0x5FFFF  }
0xac: {  	[dreg:$0x1] =	wrdreg $0xFFFFFFFF  }
0xad: {  	[dreg:$0x0] =	wrdreg $0x60  }
0xae: {  	[dreg:$0x2] =	wrdreg s24  }
0xaf: {  	[dreg:$0x3] =	wrdreg $0xAC000  }
0xb0: {  	[dreg:$0x4] =	wrdreg $0x84000  }
0xb1: {  	[dreg:$0x5] =	wrdreg $0x9  }
0xb2: {  	_ =	task.clear_ibuf [dreg:s6], $0x6FFFF;
	_ =	strace $0x90000049  }
0xb3: {  	s29 =	simm.s32 $0x9;
	_ =	strace $0x8000004B  }
0xb4: {  	_ =	swait.ge [sflag:s29], $0x1  }
0xb5: {  	[sflag:s29] =	ssyncadd.s32 $0xFFFFFFFF  }
0xb6: {  	_ =	strace $0x9000004B  }
0xb7: {  	_ =	sfence  }
0xb8: {  	s30 =	sld [smem:$0x0];
	_ =	sdelay $0x2  }
0xb9: {  	s31 =	sshll.u32 s1, $0xD;
	s1 =	sshrl.u32 s1, $0x2  }
0xba: {  	s3 =	sand.u32 $0x4000, s31;
	s1 =	sadd.s32 s1, s30  }
0xbb: {  	s0 =	sor.u32 s3, s0;
	s1 =	sshll.u32 s1, $0x11  }
0xbc: {  	s0 =	sor.u32 s1, s0  }
0xbd: {  	s0 =	sadd.s32 $0x8F2B, s0  }
0xbe: {  	[sflag:s0] =	ssyncadd.remote.s32 $0x1  }
0xbf: {  	_ =	sfence.sel $0xFFFF  }
0xc0: {  	[dreg:$0x0] =	wrdreg $0xFFFFFFFF;
	(pc) =	sbr.abs _section_cstart, $3  }
0xc1: {  	[dreg:$0x1] =	wrdreg $0xFFFFFFFF  }
0xc2: {  	_ =	task.clear_ibuf [dreg:s6], $0x2FFFF;
	_ =	strace $0x9FFFFFFF  }
0xc3: {  	(tm) =	ssettm $0x7FFFFFFF  }
tec
execute0_lowered:
.L_overlay_start_1:
0x0: {  	(tag) =	ssettag $0x1  }
0x1: {  	s0 =	srdreg.scid;
	s1 =	rddreg [dreg:$0x0]  }
0x2: {  	s12 =	stileid.u32;
	s2 =	rddreg [dreg:$0x1]  }
0x3: {  	s19 =	simm.s32 $0x0;
	s16 =	simm.s32 $0x80;
	s17 =	simm.s32 $0x5400  }
0x4: {  	s18 =	simm.s32 $0x5C00;
	s28 =	simm.s32 $0x7400;
	s29 =	simm.s32 $0x3  }
0x5: {  	s31 =	simm.s32 $0x8;
	s30 =	simm.s32 $0xA;
	s5 =	smul.u32 $0x2710, s12  }
0x6: {  	s0 =	sand.u32 $0x1, s0;
	s7 =	smul.u32 $0x2800, s12;
	[smem:$0x7FF] =	sst s19  }
0x7: {  	s25 =	sshll.u32 s12, $0x6;
	s19 =	simm.s32 $0x9;
	s3 =	sshll.u32 s0, $0x4  }
0x8: {  	s9 =	smul.u32 $0x28000, s0;
	s0 =	ssub.s32 $0x2, s0;
	s13 =	sor.u32 $0x1C0D, s25  }
0x9: {  	s25 =	simm.s32 $0x6;
	s4 =	sor.u32 s12, s3;
	s3 =	rddreg [dreg:$0x2]  }
0xa: {  	s8 =	sshrl.u32 s5, $0x3;
	_ =	strace $0x8000004A;
	s10 =	sshrl.u32 s7, $0x3  }
0xb: {  	s11 =	sshrl.u32 s0, $0x1;
	s5 =	sadd.s32 s5, s2;
	s6 =	smul.u32 $0x540, s4  }
0xc: {  	s8 =	sadd.s32 s8, s1;
	s9 =	sadd.s32 s7, s9;
	s10 =	sadd.s32 s10, s1  }
0xd: {  	s0 =	ssub.s32 s0, s11;
	s23 =	sadd.s32 s7, s3;
	s11 =	simm.s32 $0xD  }
0xe: {  	s26 =	sshrl.u32 s5, $0x3;
	s5 =	simm.s32 $0xB;
	s7 =	simm.s32 $0x0  }
0xf: {  	s9 =	sshrl.u32 s9, $0x3;
	s22 =	sadd.s32 $0xBC00, s8;
	s24 =	sadd.s32 $0x10C00, s10  }
0x10: {  	s0 =	smax.u32 s0, $0x1;
	[dreg:$0xa] =	wrdreg s26;
	s15 =	sshrl.u32 s23, $0x3  }
0x11: {  	s23 =	simm.s32 $0x6C00;
	s26 =	simm.s32 $0x5;
	[dreg:$0x6] =	wrdreg s22  }
0x12: {  	s6 =	sadd.s32 s6, s1;
	s1 =	sadd.s32 s9, s1;
	[dreg:$0x7] =	wrdreg s24  }
.Ltmp0:
0x13: {  	[dreg:$0x9] =	wrdreg s0;
	s20 =	sadd.s32 $0x17400, s6;
	(pc) =	sbr.rel .LBB2_1-.Ltmp0, $4  }
0x14: {  	s24 =	simm.s32 $0x2;
	s21 =	sadd.s32 $0x1400, s6;
	[dreg:$0x4] =	wrdreg s20  }
0x15: {  	s0 =	simm.s32 $0x4;
	s1 =	sadd.s32 $0x21C00, s1;
	[dreg:$0x5] =	wrdreg s21  }
0x16: {  	s22 =	simm.s32 $0x7;
	s6 =	simm.s32 $0xC;
	[dreg:$0x8] =	wrdreg s1  }
0x17: {  	s20 =	simm.s32 $0x6400;
	s21 =	simm.s32 $0x1;
	s1 =	simm.s32 $0x7C00  }
.LBB2_4:
0x18: {  	_ =	swait.ge [sflag:s30], $0x800  }
0x19: {  	[sflag:s30] =	ssyncset.done $0x0  }
0x1a: {  	[sflag:s30] =	ssyncadd.s32 $0xFFFFF800  }
0x1b: {  	_ =	swait.ge [sflag:s5], $0x800  }
0x1c: {  	[sflag:s5] =	ssyncset.done $0x0  }
0x1d: {  	[sflag:s5] =	ssyncadd.s32 $0xFFFFF800  }
0x1e: {  	_ =	swait.ge [sflag:s6], $0x800  }
0x1f: {  	[sflag:s6] =	ssyncset.done $0x0  }
0x20: {  	[sflag:s6] =	ssyncadd.s32 $0xFFFFF800  }
0x21: {  	[bflag:$0x0] =	sbarrier.arrive $0xFFFF  }
0x22: {  	s4 =	rddreg [dreg:$0x8]  }
0x23: {  	[hbm:s4], [sflag:s13] =	dma.local [spmem:s15], $0x500  }
0x24: {  	_ =	swait.ge [sflag:s11], $0x500  }
0x25: {  	s7 =	sadd.s32 $0x1, s7;
	s14 =	rddreg [dreg:$0x9]  }
0x26: {  	p0 =	sne.s32 s7, s14  }
.Ltmp1:
0x27: {  	_ = 	snop;
	(pc) =	sbr.rel @!p0 .LBB2_5-.Ltmp1, $3  }
0x28: {  	_ =	sdelay $0x1  }
0x29: {  	[sflag:s11] =	ssyncset.done $0x0  }
0x2a: {  	[sflag:s11] =	ssyncadd.s32 $0xFFFFFB00  }
.LBB2_1:
0x2b: {  	s4 =	simm.s32 $0x0;
	s8 =	rddreg [dreg:$0x4]  }
0x2c: {  	[tilespmem:s4], [sflag:$0xD] =	stream.linear.gather [hbm4b:s8+s4], $0x2A00, $0x38;
	[tilespmem:$0xD310] =	vst v63  }
0x2d: {  	_ =	swait.ge [sflag:s11], $0x2A00  }
0x2e: {  	[sflag:s11] =	ssyncset.done $0x0  }
0x2f: {  	s9 =	simm.s32 $0x2A00;
	s12 =	rddreg [dreg:$0x5];
	[sflag:s11] =	ssyncadd.s32 $0xFFFFD600  }
0x30: {  	[tilespmem:s9], [sflag:$0xD] =	stream.linear.gather [hbm4b:s12+s4], $0x2A00, $0x38;
	[tilespmem:$0xD310] =	vst v63  }
0x31: {  	_ =	swait.ge [sflag:s11], $0x2A00  }
0x32: {  	[sflag:s11] =	ssyncset.done $0x0;
	s14 =	rddreg [dreg:$0x6]  }
0x33: {  	s10 =	rddreg [dreg:$0xa];
	[sflag:s11] =	ssyncadd.s32 $0xFFFFD600  }
0x34: {  	[spmem:s10], [sflag:s13] =	dma.local [hbm:s14], $0x4E2  }
0x35: {  	_ =	swait.ge [sflag:s11], $0x4E2  }
0x36: {  	[sflag:s11] =	ssyncset.done $0x0  }
0x37: {  	s10 =	rddreg [dreg:$0x7];
	[sflag:s11] =	ssyncadd.s32 $0xFFFFFB1E  }
0x38: {  	[spmem:s15], [sflag:s13] =	dma.local [hbm:s10], $0x500  }
0x39: {  	_ =	swait.ge [sflag:s11], $0x500  }
0x3a: {  	[sflag:s11] =	ssyncset.done $0x0  }
0x3b: {  	[sflag:s11] =	ssyncadd.s32 $0xFFFFFB00  }
0x3c: {  	[bflag:$0x0] =	sbarrier.arrive $0xFFFF  }
0x3d: {  	[tilespmem:s17], [sflag:$0x1] =	stream.indirect.gather [spmem:s2], $0x10, s4, s16, $0xb8;
	[tilespmem:$0xD310] =	vst v63  }
0x3e: {  	_ = 	snop  }
0x3f: {  	[tilespmem:s18], [sflag:$0x2] =	stream.indirect.gather [spmem:s2], $0x10, s16, s16, $0xb8;
	[tilespmem:$0xD310] =	vst v63  }
0x40: {  	s12 =	simm.s32 $0x100  }
0x41: {  	[tilespmem:s20], [sflag:$0x3] =	stream.indirect.gather [spmem:s2], $0x10, s12, s16, $0xb8;
	[tilespmem:$0xD310] =	vst v63  }
0x42: {  	_ =	swait.ge [sflag:s21], $0x800  }
0x43: {  	[sflag:s21] =	ssyncset.done $0x0  }
0x44: {  	[sflag:s21] =	ssyncadd.s32 $0xFFFFF800  }
0x45: {  	[spmem:s3] =	stream.indirect.scatter.add.f32 [tilespmem:s17], [sflag:$0x7], $0x10, s9, s16, $0xb8;
	[tilespmem:$0xD310] =	vst v63  }
0x46: {  	s14 =	simm.s32 $0x180  }
0x47: {  	[tilespmem:s23], [sflag:$0x4] =	stream.indirect.gather [spmem:s2], $0x10, s14, s16, $0xb8;
	[tilespmem:$0xD310] =	vst v63  }
0x48: {  	_ =	swait.ge [sflag:s24], $0x800  }
0x49: {  	[sflag:s24] =	ssyncset.done $0x0  }
0x4a: {  	s8 =	simm.s32 $0x2A80;
	[sflag:s24] =	ssyncadd.s32 $0xFFFFF800  }
0x4b: {  	[spmem:s3] =	stream.indirect.scatter.add.f32 [tilespmem:s18], [sflag:$0x8], $0x10, s8, s16, $0xb8;
	[tilespmem:$0xD310] =	vst v63  }
0x4c: {  	s9 =	simm.s32 $0x200  }
0x4d: {  	[tilespmem:s28], [sflag:$0x5] =	stream.indirect.gather [spmem:s2], $0x10, s9, s16, $0xb8;
	[tilespmem:$0xD310] =	vst v63  }
0x4e: {  	_ =	swait.ge [sflag:s29], $0x800  }
0x4f: {  	[sflag:s29] =	ssyncset.done $0x0  }
0x50: {  	s10 =	simm.s32 $0x2B00;
	[sflag:s29] =	ssyncadd.s32 $0xFFFFF800  }
0x51: {  	[spmem:s3] =	stream.indirect.scatter.add.f32 [tilespmem:s20], [sflag:$0x9], $0x10, s10, s16, $0xb8;
	[tilespmem:$0xD310] =	vst v63  }
0x52: {  	s12 =	simm.s32 $0x280  }
0x53: {  	[tilespmem:s1], [sflag:$0x6] =	stream.indirect.gather [spmem:s2], $0x10, s12, s16, $0xb8;
	[tilespmem:$0xD310] =	vst v63  }
0x54: {  	_ =	swait.ge [sflag:s0], $0x800  }
0x55: {  	[sflag:s0] =	ssyncset.done $0x0  }
0x56: {  	s14 =	simm.s32 $0x2B80;
	[sflag:s0] =	ssyncadd.s32 $0xFFFFF800  }
0x57: {  	[spmem:s3] =	stream.indirect.scatter.add.f32 [tilespmem:s23], [sflag:$0xA], $0x10, s14, s16, $0xb8;
	[tilespmem:$0xD310] =	vst v63  }
0x58: {  	_ =	swait.ge [sflag:s22], $0x800  }
0x59: {  	[sflag:s22] =	ssyncset.done $0x0  }
0x5a: {  	s8 =	simm.s32 $0x300;
	[sflag:s22] =	ssyncadd.s32 $0xFFFFF800  }
0x5b: {  	[tilespmem:s17], [sflag:$0x1] =	stream.indirect.gather [spmem:s2], $0x10, s8, s16, $0xb8;
	[tilespmem:$0xD310] =	vst v63  }
0x5c: {  	_ =	swait.ge [sflag:s26], $0x800  }
0x5d: {  	[sflag:s26] =	ssyncset.done $0x0  }
0x5e: {  	s9 =	simm.s32 $0x2C00;
	[sflag:s26] =	ssyncadd.s32 $0xFFFFF800  }
0x5f: {  	[spmem:s3] =	stream.indirect.scatter.add.f32 [tilespmem:s28], [sflag:$0xB], $0x10, s9, s16, $0xb8;
	[tilespmem:$0xD310] =	vst v63  }
0x60: {  	_ =	swait.ge [sflag:s31], $0x800  }
0x61: {  	[sflag:s31] =	ssyncset.done $0x0  }
0x62: {  	s10 =	simm.s32 $0x380;
	[sflag:s31] =	ssyncadd.s32 $0xFFFFF800  }
0x63: {  	[tilespmem:s18], [sflag:$0x2] =	stream.indirect.gather [spmem:s2], $0x10, s10, s16, $0xb8;
	[tilespmem:$0xD310] =	vst v63  }
0x64: {  	_ =	swait.ge [sflag:s25], $0x800  }
0x65: {  	[sflag:s25] =	ssyncset.done $0x0  }
0x66: {  	s12 =	simm.s32 $0x2C80;
	[sflag:s25] =	ssyncadd.s32 $0xFFFFF800  }
0x67: {  	[spmem:s3] =	stream.indirect.scatter.add.f32 [tilespmem:s1], [sflag:$0xC], $0x10, s12, s16, $0xb8;
	[tilespmem:$0xD310] =	vst v63  }
0x68: {  	_ =	swait.ge [sflag:s19], $0x800  }
0x69: {  	[sflag:s19] =	ssyncset.done $0x0  }
0x6a: {  	s14 =	simm.s32 $0x400;
	s8 =	simm.s32 $0x0;
	[sflag:s19] =	ssyncadd.s32 $0xFFFFF800  }
0x6b: {  	[tilespmem:s20], [sflag:$0x3] =	stream.indirect.gather [spmem:s2], $0x10, s14, s16, $0xb8;
	[tilespmem:$0xD310] =	vst v63  }
.LBB2_2:
0x6c: {  	_ =	swait.ge [sflag:s21], $0x800  }
0x6d: {  	s9 =	sshra.s32 s8, $0x2;
	[sflag:s21] =	ssyncset.done $0x0  }
0x6e: {  	s12 =	sadd.s32 $0x2D00, s9;
	[sflag:s21] =	ssyncadd.s32 $0xFFFFF800  }
0x6f: {  	[spmem:s3] =	stream.indirect.scatter.add.f32 [tilespmem:s17], [sflag:$0x7], $0x10, s12, s16, $0xb8;
	[tilespmem:$0xD310] =	vst v63  }
0x70: {  	_ =	swait.ge [sflag:s30], $0x800  }
0x71: {  	[sflag:s30] =	ssyncset.done $0x0  }
0x72: {  	s14 =	sadd.s32 $0x480, s9;
	[sflag:s30] =	ssyncadd.s32 $0xFFFFF800  }
0x73: {  	[tilespmem:s23], [sflag:$0x4] =	stream.indirect.gather [spmem:s2], $0x10, s14, s16, $0xb8;
	[tilespmem:$0xD310] =	vst v63  }
0x74: {  	_ =	swait.ge [sflag:s24], $0x800  }
0x75: {  	[sflag:s24] =	ssyncset.done $0x0  }
0x76: {  	s4 =	sadd.s32 $0x2D80, s9;
	[sflag:s24] =	ssyncadd.s32 $0xFFFFF800  }
0x77: {  	[spmem:s3] =	stream.indirect.scatter.add.f32 [tilespmem:s18], [sflag:$0x8], $0x10, s4, s16, $0xb8;
	[tilespmem:$0xD310] =	vst v63  }
0x78: {  	_ =	swait.ge [sflag:s5], $0x800  }
0x79: {  	[sflag:s5] =	ssyncset.done $0x0  }
0x7a: {  	s10 =	sadd.s32 $0x500, s9;
	[sflag:s5] =	ssyncadd.s32 $0xFFFFF800  }
0x7b: {  	[tilespmem:s28], [sflag:$0x5] =	stream.indirect.gather [spmem:s2], $0x10, s10, s16, $0xb8;
	[tilespmem:$0xD310] =	vst v63  }
0x7c: {  	_ =	swait.ge [sflag:s29], $0x800  }
0x7d: {  	[sflag:s29] =	ssyncset.done $0x0  }
0x7e: {  	s14 =	sadd.s32 $0x2E00, s9;
	[sflag:s29] =	ssyncadd.s32 $0xFFFFF800  }
0x7f: {  	[spmem:s3] =	stream.indirect.scatter.add.f32 [tilespmem:s20], [sflag:$0x9], $0x10, s14, s16, $0xb8;
	[tilespmem:$0xD310] =	vst v63  }
0x80: {  	_ =	swait.ge [sflag:s6], $0x800  }
0x81: {  	[sflag:s6] =	ssyncset.done $0x0  }
0x82: {  	s4 =	sadd.s32 $0x580, s9;
	[sflag:s6] =	ssyncadd.s32 $0xFFFFF800  }
0x83: {  	[tilespmem:s1], [sflag:$0x6] =	stream.indirect.gather [spmem:s2], $0x10, s4, s16, $0xb8;
	[tilespmem:$0xD310] =	vst v63  }
0x84: {  	_ =	swait.ge [sflag:s0], $0x800  }
0x85: {  	[sflag:s0] =	ssyncset.done $0x0  }
0x86: {  	s10 =	sadd.s32 $0x2E80, s9;
	[sflag:s0] =	ssyncadd.s32 $0xFFFFF800  }
0x87: {  	[spmem:s3] =	stream.indirect.scatter.add.f32 [tilespmem:s23], [sflag:$0xA], $0x10, s10, s16, $0xb8;
	[tilespmem:$0xD310] =	vst v63  }
0x88: {  	_ =	swait.ge [sflag:s22], $0x800  }
0x89: {  	p0 =	seq.s32 s8, $0x9000;
	[sflag:s22] =	ssyncset.done $0x0  }
0x8a: {  	s12 =	simm.s32 @p0 $0x5;
	[sflag:s22] =	ssyncadd.s32 $0xFFFFF800  }
0x8b: {  	_ =	swait.ge @p0 [sflag:s12], $0x800  }
0x8c: {  	[sflag:s12] =	ssyncset.done @p0 $0x0  }
0x8d: {  	[sflag:s12] =	ssyncadd.s32 @p0 $0xFFFFF800;
	s12 =	sshra.s32 @p0 s8, $0x2  }
0x8e: {  	s14 =	simm.s32 @p0 $0x7400;
	s10 =	simm.s32 @p0 $0x80;
	s12 =	sadd.s32 @p0 $0x2F00, s12  }
0x8f: {  	[spmem:s3] =	stream.indirect.scatter.add.f32 @p0 [tilespmem:s14], [sflag:$0xB], $0x10, s12, s10, $0xb8;
	[tilespmem:$0xD310] =	vst v63  }
0x90: {  	s10 =	simm.s32 @p0 $0x8  }
0x91: {  	_ =	swait.ge @p0 [sflag:s10], $0x800  }
0x92: {  	[sflag:s10] =	ssyncset.done @p0 $0x0  }
0x93: {  	[sflag:s10] =	ssyncadd.s32 @p0 $0xFFFFF800;
	s10 =	sshra.s32 @!p0 s8, $0x2  }
0x94: {  	s4 =	simm.s32 @!p0 $0x5400;
	s14 =	simm.s32 @!p0 $0x80;
	s12 =	sadd.s32 @!p0 $0x600, s10  }
0x95: {  	[tilespmem:s4], [sflag:$0x1] =	stream.indirect.gather @!p0 [spmem:s2], $0x10, s12, s14, $0xb8;
	[tilespmem:$0xD310] =	vst v63  }
0x96: {  	s4 =	simm.s32 @!p0 $0x5  }
0x97: {  	_ =	swait.ge @!p0 [sflag:s4], $0x800  }
0x98: {  	[sflag:s4] =	ssyncset.done @!p0 $0x0  }
0x99: {  	s12 =	simm.s32 @!p0 $0x7400;
	[sflag:s4] =	ssyncadd.s32 @!p0 $0xFFFFF800;
	s4 =	sadd.s32 @!p0 $0x2F00, s10  }
0x9a: {  	[spmem:s3] =	stream.indirect.scatter.add.f32 @!p0 [tilespmem:s12], [sflag:$0xB], $0x10, s4, s14, $0xb8;
	[tilespmem:$0xD310] =	vst v63  }
0x9b: {  	s4 =	simm.s32 @!p0 $0x8  }
0x9c: {  	_ =	swait.ge @!p0 [sflag:s4], $0x800  }
0x9d: {  	[sflag:s4] =	ssyncset.done @!p0 $0x0  }
0x9e: {  	[sflag:s4] =	ssyncadd.s32 @!p0 $0xFFFFF800;
	s4 =	sadd.s32 @!p0 $0x680, s10;
	s10 =	simm.s32 @!p0 $0x5C00  }
0x9f: {  	[tilespmem:s10], [sflag:$0x2] =	stream.indirect.gather @!p0 [spmem:s2], $0x10, s4, s14, $0xb8;
	[tilespmem:$0xD310] =	vst v63  }
0xa0: {  	_ =	swait.ge [sflag:s25], $0x800  }
0xa1: {  	[sflag:s25] =	ssyncset.done $0x0  }
.Ltmp2:
0xa2: {  	s14 =	sadd.s32 $0x2F80, s9;
	[sflag:s25] =	ssyncadd.s32 $0xFFFFF800;
	(pc) =	sbr.rel @p0 .LBB2_4-.Ltmp2, $4  }
0xa3: {  	[spmem:s3] =	stream.indirect.scatter.add.f32 [tilespmem:s1], [sflag:$0xC], $0x10, s14, s16, $0xb8;
	[tilespmem:$0xD310] =	vst v63  }
0xa4: {  	_ =	swait.ge [sflag:s19], $0x800  }
0xa5: {  	[sflag:s19] =	ssyncset.done $0x0  }
0xa6: {  	[sflag:s19] =	ssyncadd.s32 $0xFFFFF800  }
.Ltmp3:
0xa7: {  	(pc) =	sbr.rel .LBB2_2-.Ltmp3, $3  }
0xa8: {  	_ =	sdelay $0x1  }
0xa9: {  	s4 =	sadd.s32 $0x700, s9;
	s8 =	sadd.s32 $0xC00, s8  }
0xaa: {  	[tilespmem:s20], [sflag:$0x3] =	stream.indirect.gather [spmem:s2], $0x10, s4, s16, $0xb8;
	[tilespmem:$0xD310] =	vst v63  }
.LBB2_5:
0xab: {  	_ =	sfence.sel $0x180000  }
0xac: {  	[bflag:$0x0] =	sbarrier.arrive $0xFFFF  }
0xad: {  	_ =	strace $0x9000004A  }
0xae: {  	s0 =	stileid.u32;
	[bflag:$0x2] =	sbarrier.arrive $0xFFFF  }
0xaf: {  	p0 =	sne.s32 s0, $0x0;
	s0 =	rddreg [dreg:$0x3]  }
0xb0: {  	s0 =	sadd.s32 @!p0 $0x100000, s0  }
0xb1: {  	[sflag:s0] =	ssyncadd.tile.s32 @!p0 $0x1;
	_ =	shalt  }
.Lfunc_end2:
_tile_overlayer_lowered:
.L_overlay_start_2:
0xb2: {  	(tag) =	ssettag $0x2  }
0xb3: {  	s0 =	rddreg [dreg:$0x0];
	s2 =	stileid.u32  }
0xb4: {  	s1 =	rddreg [dreg:$0x1];
	p0 =	sne.s32 s2, $0x0  }
0xb5: {  	s3 =	rddreg [dreg:$0x2];
	[bflag:$0x3] =	sbarrier.arrive $0xFFFF;
	s2 =	simm.s32 @!p0 $0x1C0D  }
0xb6: {  	[timem:s3], [sflag:s2] =	dma.local @!p0 [hbm:s0], s1  }
0xb7: {  	s0 =	simm.s32 @!p0 $0xD  }
0xb8: {  	_ =	swait.ge @!p0 [sflag:s0], s1  }
0xb9: {  	s1 =	ssub.s32 @!p0 $0x0, s1;
	[sflag:s0] =	ssyncset.done @!p0 $0x0  }
0xba: {  	[sflag:s0] =	ssyncadd.s32 @!p0 s1  }
0xbb: {  	[bflag:$0x3] =	sbarrier.arrive $0xFFFF  }
0xbc: {  	_ =	shalt  }

// kernel: kernel.13.cloned.1.call-start
scs
__scs_entry_jumppad:
0x0: {  	(pc) =	sbr.rel $0x88, $3  }
0x1: {  	(tag) =	ssettag $0x0;
	lr =	simm.s32 $0x1  }
0x2: {  	[smem:$0x3F9B] =	sst lr;
	_ =	strace $0xD0000000  }
0x3: {  	_ = 	snop  }
0x4: {  	_ = 	snop  }
0x5: {  	_ = 	snop  }
0x6: {  	_ = 	snop  }
0x7: {  	_ = 	snop  }
__scs_overlays_trampoline_lowered:
0x8: {  	[smem:$0x3FAA] =	sst s0  }
0x9: {  	[smem:$0x3FAB] =	sst s1  }
0xa: {  	[smem:$0x3FAC] =	sst s2  }
0xb: {  	[smem:$0x3FAD] =	sst s3  }
0xc: {  	[smem:$0x3FAE] =	sst s4  }
0xd: {  	[smem:$0x3FAF] =	sst s5  }
0xe: {  	[smem:$0x3FB0] =	sst s6  }
0xf: {  	[smem:$0x3FB1] =	sst s7  }
0x10: {  	[smem:$0x3FB2] =	sst s8  }
0x11: {  	[smem:$0x3FB3] =	sst s9;
	s0 =	simm.s32 @!p0 $0x0  }
0x12: {  	s1 =	sld [smem:$0x3F99];
	s0 =	simm.s32 @p0 $0x1  }
0x13: {  	[smem:$0x3FB4] =	sst s0;
	s0 =	simm.s32 @!p1 $0x0  }
0x14: {  	s2 =	sld [smem:$0x3F98];
	s0 =	simm.s32 @p1 $0x1  }
0x15: {  	[smem:$0x3FB5] =	sst s0;
	s0 =	simm.s32 @!p2 $0x0  }
0x16: {  	s3 =	sld [smem:$0x3FDB];
	s0 =	simm.s32 @p2 $0x1  }
0x17: {  	s4 =	simm.s32 $0x1BF5;
	[smem:$0x3FB7] =	sst s0  }
0x18: {  	s0 =	sld [smem:$0x3F9A];
	_ =	swait.ge [sflag:s4], $0x0  }
0x19: {  	s7 =	sld [smem:$0x3F9B]  }
0x1a: {  	s8 =	sadd.s32 $0xFFFFE003, lr  }
0x1b: {  	s9 =	sadd.s32 $0xFFFFFEF7, lr;
	s5 =	simm.s32 $0xFFFFFFFF;
	p2 =	slt.u32 s8, $0xFFFFF086  }
0x1c: {  	p1 =	slt.u32 s9, $0xF7A;
	s5 =	simm.s32 @!p2 $0x0  }
0x1d: {  	s5 =	simm.s32 @p1 $0x1;
	p0 =	seq.s32 s7, s2  }
0x1e: {  	s7 =	smul.u32 @!p0 $0xF7A, s2;
	p2 =	seq.s32 @!p0 s5, $0x0  }
0x1f: {  	s9 =	smul.u32 $0xF7A, s1;
	s8 =	simm.s32 @!p0 $0x1BF5;
	p2 =	por !p2, p0  }
0x20: {  	[sflag:s8] =	ssyncset.s32 @!p0 $0xFFFFF086;
	s6 =	sadd.s32 @!p0 s3, s7;
	s7 =	simm.s32 @!p0 $0x108  }
0x21: {  	s3 =	sadd.s32 s3, s9;
	s6 =	sadd.s32 @!p0 $0x88, s6;
	s7 =	simm.s32 @p2 $0x1082  }
0x22: {  	[simem:s7], [sflag:s8] =	dma.local @!p0 [hbm:s6], $0xF7A  }
0x23: {  	s9 =	sor.u32 $0xD0000000, s2;
	s6 =	simm.s32 $0x108;
	_ =	swait.ge @!p0 [sflag:s8], $0x0  }
0x24: {  	s3 =	sadd.s32 $0x88, s3;
	s6 =	simm.s32 @!p1 $0x1082;
	[sflag:s4] =	ssyncset.s32 $0xFFFFF086  }
0x25: {  	[simem:s6], [sflag:s4] =	dma.local [hbm:s3], $0xF7A  }
0x26: {  	[smem:$0x3F9B] =	sst s1;
	(tag) =	ssettag s2;
	_ =	strace s9  }
0x27: {  	s1 =	sld [smem:$0x3FAB]  }
0x28: {  	s2 =	sld [smem:$0x3FAC]  }
0x29: {  	s4 =	sld [smem:$0x3FAE]  }
0x2a: {  	p0 =	seq.s32 s5, $0x0;
	s5 =	sld [smem:$0x3FAF]  }
0x2b: {  	s6 =	sld [smem:$0x3FB0]  }
0x2c: {  	s7 =	sld [smem:$0x3FB1]  }
0x2d: {  	s3 =	simm.s32 $0x108;
	s8 =	sld [smem:$0x3FB2]  }
0x2e: {  	s3 =	simm.s32 @!p0 $0x1082;
	s9 =	sld [smem:$0x3FB3]  }
0x2f: {  	lr =	sadd.s32 s0, s3;
	s0 =	sld [smem:$0x3FAA]  }
0x30: {  	s3 =	sld [smem:$0x3FAD]  }
0x31: {  	[smem:$0x3FB6] =	sst s10  }
0x32: {  	s10 =	sld [smem:$0x3FB4];
	_ =	sdelay $0x3  }
0x33: {  	p0 =	seq.s32 s10, $0x1;
	s10 =	sld [smem:$0x3FB6];
	_ =	sdelay $0x3  }
0x34: {  	[smem:$0x3FB6] =	sst s10  }
0x35: {  	s10 =	sld [smem:$0x3FB5];
	_ =	sdelay $0x3  }
0x36: {  	p1 =	seq.s32 s10, $0x1;
	s10 =	sld [smem:$0x3FB6];
	_ =	sdelay $0x3  }
0x37: {  	[smem:$0x3FB6] =	sst s10  }
0x38: {  	s10 =	sld [smem:$0x3FB7]  }
0x39: {  	_ = 	snop;
	(pc) =	sbr.ind lr, $3  }
0x3a: {  	_ = 	snop  }
0x3b: {  	_ = 	snop  }
0x3c: {  	p2 =	seq.s32 s10, $0x1;
	s10 =	sld [smem:$0x3FB6]  }
0x3d: {  	_ =	shalt  }
0x3e: {  	_ =	shalt  }
0x3f: {  	_ =	shalt  }
0x40: {  	_ =	shalt  }
0x41: {  	_ =	shalt  }
0x42: {  	_ =	shalt  }
0x43: {  	_ =	shalt  }
0x44: {  	_ =	shalt  }
0x45: {  	_ =	shalt  }
0x46: {  	_ =	shalt  }
0x47: {  	_ =	shalt  }
0x48: {  	_ =	shalt  }
0x49: {  	_ =	shalt  }
0x4a: {  	_ =	shalt  }
0x4b: {  	_ =	shalt  }
0x4c: {  	_ =	shalt  }
0x4d: {  	_ =	shalt  }
0x4e: {  	_ =	shalt  }
0x4f: {  	_ =	shalt  }
0x50: {  	_ =	shalt  }
0x51: {  	_ =	shalt  }
0x52: {  	_ =	shalt  }
0x53: {  	_ =	shalt  }
0x54: {  	_ =	shalt  }
0x55: {  	_ =	shalt  }
0x56: {  	_ =	shalt  }
0x57: {  	_ =	shalt  }
0x58: {  	_ =	shalt  }
0x59: {  	_ =	shalt  }
0x5a: {  	_ =	shalt  }
0x5b: {  	_ =	shalt  }
0x5c: {  	_ =	shalt  }
0x5d: {  	_ =	shalt  }
0x5e: {  	_ =	shalt  }
0x5f: {  	_ =	shalt  }
0x60: {  	_ =	shalt  }
0x61: {  	_ =	shalt  }
0x62: {  	_ =	shalt  }
0x63: {  	_ =	shalt  }
0x64: {  	_ =	shalt  }
0x65: {  	_ =	shalt  }
0x66: {  	_ =	shalt  }
0x67: {  	_ =	shalt  }
0x68: {  	_ =	shalt  }
0x69: {  	_ =	shalt  }
0x6a: {  	_ =	shalt  }
0x6b: {  	_ =	shalt  }
0x6c: {  	_ =	shalt  }
0x6d: {  	_ =	shalt  }
0x6e: {  	_ =	shalt  }
0x6f: {  	_ =	shalt  }
0x70: {  	_ =	shalt  }
0x71: {  	_ =	shalt  }
0x72: {  	_ =	shalt  }
0x73: {  	_ =	shalt  }
0x74: {  	_ =	shalt  }
0x75: {  	_ =	shalt  }
0x76: {  	_ =	shalt  }
0x77: {  	_ =	shalt  }
0x78: {  	_ =	shalt  }
0x79: {  	_ =	shalt  }
0x7a: {  	_ =	shalt  }
0x7b: {  	_ =	shalt  }
0x7c: {  	_ =	shalt  }
0x7d: {  	_ =	shalt  }
0x7e: {  	_ =	shalt  }
0x7f: {  	_ =	shalt  }
0x80: {  	_ =	shalt  }
0x81: {  	_ =	shalt  }
0x82: {  	_ =	shalt  }
0x83: {  	_ =	shalt  }
0x84: {  	_ =	shalt  }
0x85: {  	_ =	shalt  }
0x86: {  	_ =	shalt  }
0x87: {  	_ =	shalt  }
.Lfunc_end0:
.L_simem_size_0:
called_computation.2_lowered:
.L_overlay_start_0:
0x88: {  	s2 =	sld [smem:$0x3FD9]  }
0x89: {  	s3 =	sld [smem:$0x3FFE];
	_ =	sdelay $0x1  }
0x8a: {  	s1 =	srdreg.scid  }
0x8b: {  	s0 =	sand.u32 $0x1, s1  }
0x8c: {  	s17 =	sshll.u32 s0, $0xA;
	s2 =	sadd.s32 s3, s2  }
0x8d: {  	s2 =	sadd.s32 s2, s17  }
0x8e: {  	[smem:$0x3FC2] =	sst s2  }
0x8f: {  	_ = 	snop  }
0x90: {  	s2 =	sld [smem:$0x3FC6];
	(tm) =	ssettm $0x1  }
0x91: {  	s18 =	sld [smem:$0x3FFB];
	_ =	sdelay $0x3  }
0x92: {  	_ =	strace s18  }
0x93: {  	s3 =	sld [smem:$0x3FFC];
	_ =	sdelay $0x3  }
0x94: {  	_ =	strace s3  }
0x95: {  	s3 =	sld [smem:$0x3FFD];
	_ =	sdelay $0x3  }
0x96: {  	_ =	strace s3  }
0x97: {  	_ =	strace $0x8FFFFFFF  }
0x98: {  	s19 =	sld [smem:$0x3FDB];
	_ =	sdelay $0x1  }
0x99: {  	s4 =	simm.s32 $_scs_section_size  }
0x9a: {  	s5 =	simm.s32 $_size__tile_overlayer_lowered;
	s6 =	simm.s32 $_tile_overlayer_lowered  }
0x9b: {  	s22 =	simm.s32 $0x1BFF;
	s21 =	sshll.u32 s6, $0x1;
	s3 =	sadd.s32 s4, s19  }
0x9c: {  	s7 =	simm.s32 $0x0;
	s20 =	sshll.u32 s5, $0x1;
	s5 =	sadd.s32 s21, s3  }
0x9d: {  	[timem:s7], [sflag:s22] =	dma.local [hbm:s5], s20  }
0x9e: {  	_ =	swait.ge [sflag:s22], s20  }
0x9f: {  	s4 =	ssub.s32 $0x0, s20;
	[sflag:s22] =	ssyncset.done $0x0  }
0xa0: {  	[sflag:s22] =	ssyncadd.s32 s4;
	_ =	sdelay $0x1  }
0xa1: {  	s23 =	simm.s32 $0x1B8B  }
0xa2: {  	_ =	swait.ge [sflag:s23], $0x1  }
0xa3: {  	[sflag:s23] =	ssyncset.done $0x0  }
0xa4: {  	s25 =	simm.s32 $0x1B8E;
	s24 =	sld [smem:$0x3FFE];
	[sflag:s23] =	ssyncadd.s32 $0xFFFFFFFF  }
0xa5: {  	s26 =	simm.s32 $execute0_lowered;
	[smem:$0x3FD2] =	sst s25  }
0xa6: {  	s5 =	sshll.u32 s26, $0x1;
	_ =	strace $0x8000004C;
	[dreg:$0x1] =	wrdreg $0xFFFFFFFF  }
0xa7: {  	s28 =	simm.s32 $_size_execute0_lowered;
	s3 =	sadd.s32 s3, s5;
	[dreg:$0x0] =	wrdreg $0x0  }
0xa8: {  	s5 =	sshll.u32 s28, $0x1;
	[dreg:$0x2] =	wrdreg s3  }
0xa9: {  	[dreg:$0x3] =	wrdreg s5  }
0xaa: {  	[dreg:$0x4] =	wrdreg $0xC0  }
0xab: {  	_ =	task [dreg:s7], $0x5FFFF  }
0xac: {  	[dreg:$0x1] =	wrdreg $0xFFFFFFFF  }
0xad: {  	[dreg:$0x0] =	wrdreg $0x60  }
0xae: {  	[dreg:$0x2] =	wrdreg s24  }
0xaf: {  	[dreg:$0x3] =	wrdreg s2  }
0xb0: {  	[dreg:$0x4] =	wrdreg $0x84000  }
0xb1: {  	[dreg:$0x5] =	wrdreg $0xAC000  }
0xb2: {  	[dreg:$0x6] =	wrdreg $0x9  }
0xb3: {  	_ =	task.clear_ibuf [dreg:s7], $0x7FFFF;
	_ =	strace $0x9000004C  }
0xb4: {  	s29 =	simm.s32 $0x9;
	_ =	strace $0x8000004E  }
0xb5: {  	_ =	swait.ge [sflag:s29], $0x1  }
0xb6: {  	[sflag:s29] =	ssyncadd.s32 $0xFFFFFFFF  }
0xb7: {  	_ =	strace $0x9000004E  }
0xb8: {  	_ =	sfence  }
0xb9: {  	s30 =	sld [smem:$0x0];
	_ =	sdelay $0x2  }
0xba: {  	s31 =	sshll.u32 s1, $0xD;
	s1 =	sshrl.u32 s1, $0x2  }
0xbb: {  	s3 =	sand.u32 $0x4000, s31;
	s1 =	sadd.s32 s1, s30  }
0xbc: {  	s0 =	sor.u32 s3, s0;
	s1 =	sshll.u32 s1, $0x11  }
0xbd: {  	s0 =	sor.u32 s1, s0  }
0xbe: {  	s0 =	sadd.s32 $0x8F2B, s0  }
0xbf: {  	[sflag:s0] =	ssyncadd.remote.s32 $0x1  }
0xc0: {  	_ =	sfence.sel $0xFFFF  }
0xc1: {  	[dreg:$0x0] =	wrdreg $0xFFFFFFFF;
	(pc) =	sbr.abs _section_cstart, $3  }
0xc2: {  	[dreg:$0x1] =	wrdreg $0xFFFFFFFF  }
0xc3: {  	_ =	task.clear_ibuf [dreg:s7], $0x2FFFF;
	_ =	strace $0x9FFFFFFF  }
0xc4: {  	(tm) =	ssettm $0x7FFFFFFF  }
0xc5: {  	_ =	shalt  }
tec
execute0_lowered:
.L_overlay_start_1:
0x0: {  	(tag) =	ssettag $0x1  }
0x1: {  	s0 =	srdreg.scid;
	s1 =	rddreg [dreg:$0x0]  }
0x2: {  	s10 =	stileid.u32;
	s3 =	rddreg [dreg:$0x2]  }
0x3: {  	s4 =	rddreg [dreg:$0x3];
	s5 =	simm.s32 $0x0;
	s15 =	simm.s32 $0xD  }
0x4: {  	s14 =	simm.s32 $0x2A00;
	s29 =	simm.s32 $0x6400;
	s30 =	simm.s32 $0x1  }
0x5: {  	s18 =	simm.s32 $0x7400;
	s19 =	simm.s32 $0x3;
	s28 =	simm.s32 $0x7C00  }
0x6: {  	s31 =	simm.s32 $0x4;
	s17 =	simm.s32 $0x7;
	s0 =	sand.u32 $0x1, s0  }
0x7: {  	s6 =	smul.u32 $0x2800, s10;
	[smem:$0x7FF] =	sst s5;
	s26 =	sshll.u32 s10, $0x6  }
0x8: {  	s2 =	sshll.u32 s0, $0x4;
	s7 =	smul.u32 $0x28000, s0;
	_ =	strace $0x8000004D  }
0x9: {  	s0 =	ssub.s32 $0x2, s0;
	s2 =	sor.u32 s10, s2;
	s8 =	sshrl.u32 s6, $0x3  }
0xa: {  	s9 =	sshrl.u32 s0, $0x1;
	s24 =	sadd.s32 s6, s3;
	s10 =	simm.s32 $0x0  }
0xb: {  	s2 =	smul.u32 $0x540, s2;
	s7 =	sadd.s32 s6, s7;
	s8 =	sadd.s32 s8, s1  }
0xc: {  	s0 =	ssub.s32 s0, s9;
	s6 =	sadd.s32 s6, s4;
	s9 =	simm.s32 $0xC  }
0xd: {  	s7 =	sshrl.u32 s7, $0x3;
	s21 =	sadd.s32 $0x21C00, s8;
	[dreg:$0xb] =	wrdreg s6  }
0xe: {  	s22 =	sadd.s32 $0x26C00, s8;
	s23 =	sadd.s32 $0x2BC00, s8;
	[dreg:$0x7] =	wrdreg s21  }
0xf: {  	s25 =	sadd.s32 $0x10C00, s8;
	s0 =	smax.u32 s0, $0x1;
	[dreg:$0x8] =	wrdreg s22  }
0x10: {  	s6 =	simm.s32 $0x9;
	s8 =	simm.s32 $0xB;
	[dreg:$0x9] =	wrdreg s23  }
0x11: {  	s2 =	sadd.s32 s2, s1;
	s1 =	sadd.s32 s7, s1;
	[dreg:$0xa] =	wrdreg s25  }
0x12: {  	[dreg:$0xd] =	wrdreg s0;
	s21 =	sor.u32 $0x1C0D, s26;
	s22 =	sshrl.u32 s24, $0x3  }
.Ltmp0:
0x13: {  	s24 =	simm.s32 $0x80;
	s20 =	sadd.s32 $0x17400, s2;
	(pc) =	sbr.rel .LBB2_1-.Ltmp0, $4  }
0x14: {  	s25 =	simm.s32 $0x5400;
	s2 =	sadd.s32 $0x1400, s2;
	[dreg:$0x5] =	wrdreg s20  }
0x15: {  	s26 =	simm.s32 $0x5C00;
	s1 =	sadd.s32 $0x30C00, s1;
	[dreg:$0x6] =	wrdreg s2  }
0x16: {  	s0 =	simm.s32 $0x2;
	s7 =	simm.s32 $0xA;
	[dreg:$0xc] =	wrdreg s1  }
0x17: {  	s2 =	simm.s32 $0x6C00;
	s20 =	simm.s32 $0x8;
	s1 =	simm.s32 $0x6  }
.LBB2_6:
0x18: {  	_ =	swait.ge [sflag:s7], $0x800  }
0x19: {  	[sflag:s7] =	ssyncset.done $0x0  }
0x1a: {  	[sflag:s7] =	ssyncadd.s32 $0xFFFFF800  }
0x1b: {  	_ =	swait.ge [sflag:s8], $0x800  }
0x1c: {  	[sflag:s8] =	ssyncset.done $0x0  }
0x1d: {  	[sflag:s8] =	ssyncadd.s32 $0xFFFFF800  }
0x1e: {  	_ =	swait.ge [sflag:s9], $0x800  }
0x1f: {  	[sflag:s9] =	ssyncset.done $0x0  }
0x20: {  	[sflag:s9] =	ssyncadd.s32 $0xFFFFF800  }
0x21: {  	[bflag:$0x0] =	sbarrier.arrive $0xFFFF  }
0x22: {  	s11 =	rddreg [dreg:$0xc]  }
0x23: {  	[hbm:s11], [sflag:s21] =	dma.local [spmem:s22], $0x500  }
0x24: {  	_ =	swait.ge [sflag:s15], $0x500  }
0x25: {  	s10 =	sadd.s32 $0x1, s10;
	s23 =	rddreg [dreg:$0xd]  }
0x26: {  	p0 =	sne.s32 s10, s23  }
.Ltmp1:
0x27: {  	_ = 	snop;
	(pc) =	sbr.rel @!p0 .LBB2_7-.Ltmp1, $3  }
0x28: {  	_ =	sdelay $0x1  }
0x29: {  	[sflag:s15] =	ssyncset.done $0x0  }
0x2a: {  	s14 =	simm.s32 $0x2A00;
	[sflag:s15] =	ssyncadd.s32 $0xFFFFFB00  }
.LBB2_1:
0x2b: {  	s11 =	rddreg [dreg:$0x5]  }
0x2c: {  	[tilespmem:s5], [sflag:$0xD] =	stream.linear.gather [hbm4b:s11+s5], $0x2A00, $0x38;
	[tilespmem:$0x17410] =	vst v63  }
0x2d: {  	_ =	swait.ge [sflag:s15], $0x2A00  }
0x2e: {  	[sflag:s15] =	ssyncset.done $0x0  }
0x2f: {  	s16 =	rddreg [dreg:$0x6];
	[sflag:s15] =	ssyncadd.s32 $0xFFFFD600  }
0x30: {  	[tilespmem:s14], [sflag:$0xD] =	stream.linear.gather [hbm4b:s16+s5], $0x2A00, $0x38;
	[tilespmem:$0x17410] =	vst v63  }
0x31: {  	_ =	swait.ge [sflag:s15], $0x2A00  }
0x32: {  	[sflag:s15] =	ssyncset.done $0x0  }
0x33: {  	s12 =	simm.s32 $0xD400;
	s23 =	rddreg [dreg:$0x7];
	[sflag:s15] =	ssyncadd.s32 $0xFFFFD600  }
0x34: {  	[tilespmem:s12], [sflag:$0xD] =	stream.linear.gather [hbm4b:s23+s5], $0x2800, $0x38;
	[tilespmem:$0x17410] =	vst v63  }
0x35: {  	_ =	swait.ge [sflag:s15], $0x2800  }
0x36: {  	[sflag:s15] =	ssyncset.done $0x0  }
0x37: {  	s13 =	simm.s32 $0xFC00;
	s12 =	rddreg [dreg:$0x8];
	[sflag:s15] =	ssyncadd.s32 $0xFFFFD800  }
0x38: {  	[tilespmem:s13], [sflag:$0xD] =	stream.linear.gather [hbm4b:s12+s5], $0x2800, $0x38;
	[tilespmem:$0x17410] =	vst v63  }
0x39: {  	_ =	swait.ge [sflag:s15], $0x2800  }
0x3a: {  	[sflag:s15] =	ssyncset.done $0x0  }
0x3b: {  	s23 =	simm.s32 $0x14C00;
	s16 =	rddreg [dreg:$0x9];
	[sflag:s15] =	ssyncadd.s32 $0xFFFFD800  }
0x3c: {  	[tilespmem:s23], [sflag:$0xD] =	stream.linear.gather [hbm4b:s16+s5], $0x2800, $0x38;
	[tilespmem:$0x17410] =	vst v63  }
0x3d: {  	_ =	swait.ge [sflag:s15], $0x2800  }
0x3e: {  	[sflag:s15] =	ssyncset.done $0x0  }
0x3f: {  	[sflag:s15] =	ssyncadd.s32 $0xFFFFD800  }
0x40: {  	s16 =	simm.s32 $0x17400;
	s13 =	rddreg [dreg:$0x1]  }
0x41: {  	[tilespmem:s16], [sflag:$0xD] =	stream.linear.gather [hbm4b:s13+s5], $0x10, $0x38;
	[tilespmem:$0x17410] =	vst v63  }
0x42: {  	_ =	swait.ge [sflag:s15], $0x10  }
0x43: {  	[sflag:s15] =	ssyncset.done $0x0  }
0x44: {  	s23 =	rddreg [dreg:$0xa];
	[sflag:s15] =	ssyncadd.s32 $0xFFFFFFF0  }
0x45: {  	[spmem:s22], [sflag:s21] =	dma.local [hbm:s23], $0x500  }
0x46: {  	_ =	swait.ge [sflag:s15], $0x500  }
0x47: {  	[sflag:s15] =	ssyncset.done $0x0  }
0x48: {  	s11 =	simm.s32 $0x0;
	[sflag:s15] =	ssyncadd.s32 $0xFFFFFB00  }
0x49: {  	v2 =	vld [tilespmem:s11+$0xD400]  }
0x4a: {  	v3 =	vld [tilespmem:s11+$0xFC00];
	_ =	sdelay $0x1  }
0x4b: {  	v0 =	vld [tilespmem:s11+$0x14C00];
	_ =	sdelay $0x1  }
0x4c: {  	s16 =	simm.s32 $0x10;
	v1 =	vld [tilespmem:$0x17400]  }
0x4d: {  	v4 =	vld [tilespmem:s16+$0xFC00];
	v2 =	vadd.f32 v3, v2  }
0x4e: {  	v3 =	vld [tilespmem:s16+$0xD400]  }
0x4f: {  	v5 =	vmul.f32 v2, v0  }
0x50: {  	v2 =	vld [tilespmem:s16+$0x14C00]  }
0x51: {  	s12 =	simm.s32 $0x80;
	v5 =	vadd.f32 v5, v1  }
.LBB2_2:
0x52: {  	s13 =	sshra.s32 s12, $0x2;
	p0 =	sne.s32 s12, $0x9FC0  }
.Ltmp2:
0x53: {  	s12 =	sadd.s32 $0x40, s12;
	v6 =	vadd.f32 v4, v3;
	v3 =	vld [tilespmem:s13+$0xD400];
	v5 =	vmax.f32 v5, $0.0e+00;
	(pc) =	sbr.rel @p0 .LBB2_2-.Ltmp2, $4  }
0x54: {  	v4 =	vld [tilespmem:s13+$0xFC00];
	v5 =	vmul.f32 v5, v0  }
0x55: {  	v6 =	vmul.f32 v6, v2;
	v0 =	vmov v2  }
0x56: {  	v2 =	vld [tilespmem:s13+$0x14C00];
	[tilespmem:s11+$0x12400] =	vst v5;
	s11 =	smov.u32 s16;
	s16 =	smov.u32 s13  }
0x57: {  	v5 =	vadd.f32 v6, v1  }
0x58: {  	_ = 	snop  }
0x59: {  	v3 =	vadd.f32 v4, v3;
	_ =	sdelay $0x1  }
0x5a: {  	v3 =	vmul.f32 v3, v2;
	_ =	sdelay $0x1  }
0x5b: {  	v1 =	vadd.f32 v3, v1  }
0x5c: {  	v63 =	vmax.f32 v5, $0.0e+00  }
0x5d: {  	v0 =	vmul.f32 v63, v0;
	v1 =	vmax.f32 v1, $0.0e+00  }
0x5e: {  	v1 =	vmul.f32 v1, v2  }
0x5f: {  	[tilespmem:s11+$0x12400] =	vst v0  }
0x60: {  	s12 =	simm.s32 $0x12400;
	[tilespmem:s16+$0x12400] =	vst v1;
	s16 =	rddreg [dreg:$0xb]  }
0x61: {  	[spmem:s16] =	stream.linear.scatter [tilespmem:s12], [sflag:$0xD], $0x2800, $0x38;
	[tilespmem:$0x17410] =	vst v63  }
0x62: {  	_ =	swait.ge [sflag:s15], $0x2800  }
0x63: {  	[sflag:s15] =	ssyncset.done $0x0  }
0x64: {  	[sflag:s15] =	ssyncadd.s32 $0xFFFFD800  }
0x65: {  	s11 =	simm.s32 $0x0;
	[bflag:$0x0] =	sbarrier.arrive $0xFFFF  }
0x66: {  	[tilespmem:s25], [sflag:$0x1] =	stream.indirect.gather [spmem:s4], $0x10, s11, s24, $0xb8;
	[tilespmem:$0x17410] =	vst v63  }
0x67: {  	_ = 	snop  }
0x68: {  	[tilespmem:s26], [sflag:$0x2] =	stream.indirect.gather [spmem:s4], $0x10, s24, s24, $0xb8;
	[tilespmem:$0x17410] =	vst v63  }
0x69: {  	s23 =	simm.s32 $0x100  }
0x6a: {  	[tilespmem:s29], [sflag:$0x3] =	stream.indirect.gather [spmem:s4], $0x10, s23, s24, $0xb8;
	[tilespmem:$0x17410] =	vst v63  }
0x6b: {  	_ =	swait.ge [sflag:s30], $0x800  }
0x6c: {  	[sflag:s30] =	ssyncset.done $0x0  }
0x6d: {  	[sflag:s30] =	ssyncadd.s32 $0xFFFFF800  }
0x6e: {  	[spmem:s3] =	stream.indirect.scatter.add.f32 [tilespmem:s25], [sflag:$0x7], $0x10, s14, s24, $0xb8;
	[tilespmem:$0x17410] =	vst v63  }
0x6f: {  	s13 =	simm.s32 $0x180  }
0x70: {  	[tilespmem:s2], [sflag:$0x4] =	stream.indirect.gather [spmem:s4], $0x10, s13, s24, $0xb8;
	[tilespmem:$0x17410] =	vst v63  }
0x71: {  	_ =	swait.ge [sflag:s0], $0x800  }
0x72: {  	[sflag:s0] =	ssyncset.done $0x0  }
0x73: {  	s14 =	simm.s32 $0x2A80;
	[sflag:s0] =	ssyncadd.s32 $0xFFFFF800  }
0x74: {  	[spmem:s3] =	stream.indirect.scatter.add.f32 [tilespmem:s26], [sflag:$0x8], $0x10, s14, s24, $0xb8;
	[tilespmem:$0x17410] =	vst v63  }
0x75: {  	s16 =	simm.s32 $0x200  }
0x76: {  	[tilespmem:s18], [sflag:$0x5] =	stream.indirect.gather [spmem:s4], $0x10, s16, s24, $0xb8;
	[tilespmem:$0x17410] =	vst v63  }
0x77: {  	_ =	swait.ge [sflag:s19], $0x800  }
0x78: {  	[sflag:s19] =	ssyncset.done $0x0  }
0x79: {  	s23 =	simm.s32 $0x2B00;
	[sflag:s19] =	ssyncadd.s32 $0xFFFFF800  }
0x7a: {  	[spmem:s3] =	stream.indirect.scatter.add.f32 [tilespmem:s29], [sflag:$0x9], $0x10, s23, s24, $0xb8;
	[tilespmem:$0x17410] =	vst v63  }
0x7b: {  	s13 =	simm.s32 $0x280  }
0x7c: {  	[tilespmem:s28], [sflag:$0x6] =	stream.indirect.gather [spmem:s4], $0x10, s13, s24, $0xb8;
	[tilespmem:$0x17410] =	vst v63  }
0x7d: {  	_ =	swait.ge [sflag:s31], $0x800  }
0x7e: {  	[sflag:s31] =	ssyncset.done $0x0  }
0x7f: {  	s14 =	simm.s32 $0x2B80;
	[sflag:s31] =	ssyncadd.s32 $0xFFFFF800  }
0x80: {  	[spmem:s3] =	stream.indirect.scatter.add.f32 [tilespmem:s2], [sflag:$0xA], $0x10, s14, s24, $0xb8;
	[tilespmem:$0x17410] =	vst v63  }
0x81: {  	_ =	swait.ge [sflag:s17], $0x800  }
0x82: {  	[sflag:s17] =	ssyncset.done $0x0  }
0x83: {  	s16 =	simm.s32 $0x300;
	s23 =	simm.s32 $0x5;
	[sflag:s17] =	ssyncadd.s32 $0xFFFFF800  }
0x84: {  	[tilespmem:s25], [sflag:$0x1] =	stream.indirect.gather [spmem:s4], $0x10, s16, s24, $0xb8;
	[tilespmem:$0x17410] =	vst v63  }
0x85: {  	_ =	swait.ge [sflag:s23], $0x800  }
0x86: {  	[sflag:s23] =	ssyncset.done $0x0  }
0x87: {  	s13 =	simm.s32 $0x2C00;
	[sflag:s23] =	ssyncadd.s32 $0xFFFFF800  }
0x88: {  	[spmem:s3] =	stream.indirect.scatter.add.f32 [tilespmem:s18], [sflag:$0xB], $0x10, s13, s24, $0xb8;
	[tilespmem:$0x17410] =	vst v63  }
0x89: {  	_ =	swait.ge [sflag:s20], $0x800  }
0x8a: {  	[sflag:s20] =	ssyncset.done $0x0  }
0x8b: {  	s14 =	simm.s32 $0x380;
	[sflag:s20] =	ssyncadd.s32 $0xFFFFF800  }
0x8c: {  	[tilespmem:s26], [sflag:$0x2] =	stream.indirect.gather [spmem:s4], $0x10, s14, s24, $0xb8;
	[tilespmem:$0x17410] =	vst v63  }
0x8d: {  	_ =	swait.ge [sflag:s1], $0x800  }
0x8e: {  	[sflag:s1] =	ssyncset.done $0x0  }
0x8f: {  	s16 =	simm.s32 $0x2C80;
	[sflag:s1] =	ssyncadd.s32 $0xFFFFF800  }
0x90: {  	[spmem:s3] =	stream.indirect.scatter.add.f32 [tilespmem:s28], [sflag:$0xC], $0x10, s16, s24, $0xb8;
	[tilespmem:$0x17410] =	vst v63  }
0x91: {  	_ =	swait.ge [sflag:s6], $0x800  }
0x92: {  	[sflag:s6] =	ssyncset.done $0x0  }
0x93: {  	s23 =	simm.s32 $0x400;
	[sflag:s6] =	ssyncadd.s32 $0xFFFFF800  }
0x94: {  	[tilespmem:s29], [sflag:$0x3] =	stream.indirect.gather [spmem:s4], $0x10, s23, s24, $0xb8;
	[tilespmem:$0x17410] =	vst v63  }
.LBB2_4:
0x95: {  	_ =	swait.ge [sflag:s30], $0x800  }
0x96: {  	s16 =	sshra.s32 s11, $0x2;
	[sflag:s30] =	ssyncset.done $0x0  }
0x97: {  	s12 =	sadd.s32 $0x2D00, s16;
	[sflag:s30] =	ssyncadd.s32 $0xFFFFF800  }
0x98: {  	[spmem:s3] =	stream.indirect.scatter.add.f32 [tilespmem:s25], [sflag:$0x7], $0x10, s12, s24, $0xb8;
	[tilespmem:$0x17410] =	vst v63  }
0x99: {  	_ =	swait.ge [sflag:s7], $0x800  }
0x9a: {  	[sflag:s7] =	ssyncset.done $0x0  }
0x9b: {  	s23 =	sadd.s32 $0x480, s16;
	[sflag:s7] =	ssyncadd.s32 $0xFFFFF800  }
0x9c: {  	[tilespmem:s2], [sflag:$0x4] =	stream.indirect.gather [spmem:s4], $0x10, s23, s24, $0xb8;
	[tilespmem:$0x17410] =	vst v63  }
0x9d: {  	_ =	swait.ge [sflag:s0], $0x800  }
0x9e: {  	[sflag:s0] =	ssyncset.done $0x0  }
0x9f: {  	s13 =	sadd.s32 $0x2D80, s16;
	[sflag:s0] =	ssyncadd.s32 $0xFFFFF800  }
0xa0: {  	[spmem:s3] =	stream.indirect.scatter.add.f32 [tilespmem:s26], [sflag:$0x8], $0x10, s13, s24, $0xb8;
	[tilespmem:$0x17410] =	vst v63  }
0xa1: {  	_ =	swait.ge [sflag:s8], $0x800  }
0xa2: {  	[sflag:s8] =	ssyncset.done $0x0  }
0xa3: {  	s14 =	sadd.s32 $0x500, s16;
	[sflag:s8] =	ssyncadd.s32 $0xFFFFF800  }
0xa4: {  	[tilespmem:s18], [sflag:$0x5] =	stream.indirect.gather [spmem:s4], $0x10, s14, s24, $0xb8;
	[tilespmem:$0x17410] =	vst v63  }
0xa5: {  	_ =	swait.ge [sflag:s19], $0x800  }
0xa6: {  	[sflag:s19] =	ssyncset.done $0x0  }
0xa7: {  	s23 =	sadd.s32 $0x2E00, s16;
	[sflag:s19] =	ssyncadd.s32 $0xFFFFF800  }
0xa8: {  	[spmem:s3] =	stream.indirect.scatter.add.f32 [tilespmem:s29], [sflag:$0x9], $0x10, s23, s24, $0xb8;
	[tilespmem:$0x17410] =	vst v63  }
0xa9: {  	_ =	swait.ge [sflag:s9], $0x800  }
0xaa: {  	[sflag:s9] =	ssyncset.done $0x0  }
0xab: {  	s13 =	sadd.s32 $0x580, s16;
	[sflag:s9] =	ssyncadd.s32 $0xFFFFF800  }
0xac: {  	[tilespmem:s28], [sflag:$0x6] =	stream.indirect.gather [spmem:s4], $0x10, s13, s24, $0xb8;
	[tilespmem:$0x17410] =	vst v63  }
0xad: {  	_ =	swait.ge [sflag:s31], $0x800  }
0xae: {  	[sflag:s31] =	ssyncset.done $0x0  }
0xaf: {  	s14 =	sadd.s32 $0x2E80, s16;
	[sflag:s31] =	ssyncadd.s32 $0xFFFFF800  }
0xb0: {  	[spmem:s3] =	stream.indirect.scatter.add.f32 [tilespmem:s2], [sflag:$0xA], $0x10, s14, s24, $0xb8;
	[tilespmem:$0x17410] =	vst v63  }
0xb1: {  	_ =	swait.ge [sflag:s17], $0x800  }
0xb2: {  	p0 =	seq.s32 s11, $0x9000;
	[sflag:s17] =	ssyncset.done $0x0  }
0xb3: {  	s12 =	simm.s32 @p0 $0x5;
	[sflag:s17] =	ssyncadd.s32 $0xFFFFF800  }
0xb4: {  	_ =	swait.ge @p0 [sflag:s12], $0x800  }
0xb5: {  	[sflag:s12] =	ssyncset.done @p0 $0x0  }
0xb6: {  	[sflag:s12] =	ssyncadd.s32 @p0 $0xFFFFF800;
	s12 =	sshra.s32 @p0 s11, $0x2  }
0xb7: {  	s13 =	simm.s32 @p0 $0x80;
	s14 =	simm.s32 @p0 $0x7400;
	s12 =	sadd.s32 @p0 $0x2F00, s12  }
0xb8: {  	[spmem:s3] =	stream.indirect.scatter.add.f32 @p0 [tilespmem:s14], [sflag:$0xB], $0x10, s12, s13, $0xb8;
	[tilespmem:$0x17410] =	vst v63  }
0xb9: {  	s12 =	simm.s32 @p0 $0x8  }
0xba: {  	_ =	swait.ge @p0 [sflag:s12], $0x800  }
0xbb: {  	[sflag:s12] =	ssyncset.done @p0 $0x0  }
0xbc: {  	[sflag:s12] =	ssyncadd.s32 @p0 $0xFFFFF800;
	s12 =	sshra.s32 @!p0 s11, $0x2  }
0xbd: {  	s23 =	simm.s32 @!p0 $0x5400;
	s14 =	simm.s32 @!p0 $0x80;
	s13 =	sadd.s32 @!p0 $0x600, s12  }
0xbe: {  	[tilespmem:s23], [sflag:$0x1] =	stream.indirect.gather @!p0 [spmem:s4], $0x10, s13, s14, $0xb8;
	[tilespmem:$0x17410] =	vst v63  }
0xbf: {  	s13 =	simm.s32 @!p0 $0x5  }
0xc0: {  	_ =	swait.ge @!p0 [sflag:s13], $0x800  }
0xc1: {  	[sflag:s13] =	ssyncset.done @!p0 $0x0  }
0xc2: {  	s23 =	simm.s32 @!p0 $0x7400;
	[sflag:s13] =	ssyncadd.s32 @!p0 $0xFFFFF800;
	s13 =	sadd.s32 @!p0 $0x2F00, s12  }
0xc3: {  	[spmem:s3] =	stream.indirect.scatter.add.f32 @!p0 [tilespmem:s23], [sflag:$0xB], $0x10, s13, s14, $0xb8;
	[tilespmem:$0x17410] =	vst v63  }
0xc4: {  	s13 =	simm.s32 @!p0 $0x8  }
0xc5: {  	_ =	swait.ge @!p0 [sflag:s13], $0x800  }
0xc6: {  	[sflag:s13] =	ssyncset.done @!p0 $0x0  }
0xc7: {  	s12 =	sadd.s32 @!p0 $0x680, s12;
	[sflag:s13] =	ssyncadd.s32 @!p0 $0xFFFFF800;
	s13 =	simm.s32 @!p0 $0x5C00  }
0xc8: {  	[tilespmem:s13], [sflag:$0x2] =	stream.indirect.gather @!p0 [spmem:s4], $0x10, s12, s14, $0xb8;
	[tilespmem:$0x17410] =	vst v63  }
0xc9: {  	_ =	swait.ge [sflag:s1], $0x800  }
0xca: {  	[sflag:s1] =	ssyncset.done $0x0  }
.Ltmp3:
0xcb: {  	s23 =	sadd.s32 $0x2F80, s16;
	[sflag:s1] =	ssyncadd.s32 $0xFFFFF800;
	(pc) =	sbr.rel @p0 .LBB2_6-.Ltmp3, $4  }
0xcc: {  	[spmem:s3] =	stream.indirect.scatter.add.f32 [tilespmem:s28], [sflag:$0xC], $0x10, s23, s24, $0xb8;
	[tilespmem:$0x17410] =	vst v63  }
0xcd: {  	_ =	swait.ge [sflag:s6], $0x800  }
0xce: {  	[sflag:s6] =	ssyncset.done $0x0  }
0xcf: {  	[sflag:s6] =	ssyncadd.s32 $0xFFFFF800  }
.Ltmp4:
0xd0: {  	(pc) =	sbr.rel .LBB2_4-.Ltmp4, $3  }
0xd1: {  	_ =	sdelay $0x1  }
0xd2: {  	s12 =	sadd.s32 $0x700, s16;
	s11 =	sadd.s32 $0xC00, s11  }
0xd3: {  	[tilespmem:s29], [sflag:$0x3] =	stream.indirect.gather [spmem:s4], $0x10, s12, s24, $0xb8;
	[tilespmem:$0x17410] =	vst v63  }
.LBB2_7:
0xd4: {  	_ =	sfence.sel $0x180000  }
0xd5: {  	[bflag:$0x0] =	sbarrier.arrive $0xFFFF  }
0xd6: {  	_ =	strace $0x9000004D  }
0xd7: {  	s0 =	stileid.u32;
	[bflag:$0x2] =	sbarrier.arrive $0xFFFF  }
0xd8: {  	p0 =	sne.s32 s0, $0x0;
	s0 =	rddreg [dreg:$0x4]  }
0xd9: {  	s0 =	sadd.s32 @!p0 $0x100000, s0  }
0xda: {  	[sflag:s0] =	ssyncadd.tile.s32 @!p0 $0x1;
	_ =	shalt  }
.Lfunc_end2:
_tile_overlayer_lowered:
.L_overlay_start_2:
0xdb: {  	(tag) =	ssettag $0x2  }
0xdc: {  	s0 =	rddreg [dreg:$0x0];
	s2 =	stileid.u32  }
0xdd: {  	s1 =	rddreg [dreg:$0x1];
	p0 =	sne.s32 s2, $0x0  }
0xde: {  	s3 =	rddreg [dreg:$0x2];
	[bflag:$0x3] =	sbarrier.arrive $0xFFFF;
	s2 =	simm.s32 @!p0 $0x1C0D  }
0xdf: {  	[timem:s3], [sflag:s2] =	dma.local @!p0 [hbm:s0], s1  }
0xe0: {  	s0 =	simm.s32 @!p0 $0xD  }
0xe1: {  	_ =	swait.ge @!p0 [sflag:s0], s1  }
0xe2: {  	s1 =	ssub.s32 @!p0 $0x0, s1;
	[sflag:s0] =	ssyncset.done @!p0 $0x0  }
0xe3: {  	[sflag:s0] =	ssyncadd.s32 @!p0 s1  }
0xe4: {  	[bflag:$0x3] =	sbarrier.arrive $0xFFFF  }
0xe5: {  	_ =	shalt  }

// kernel: kernel.7.cloned.1.call-start
scs
__scs_entry_jumppad:
0x0: {  	(pc) =	sbr.rel $0x88, $3  }
0x1: {  	(tag) =	ssettag $0x0;
	lr =	simm.s32 $0x1  }
0x2: {  	[smem:$0x3F9B] =	sst lr;
	_ =	strace $0xD0000000  }
0x3: {  	_ = 	snop  }
0x4: {  	_ = 	snop  }
0x5: {  	_ = 	snop  }
0x6: {  	_ = 	snop  }
0x7: {  	_ = 	snop  }
__scs_overlays_trampoline_lowered:
0x8: {  	[smem:$0x3FAA] =	sst s0  }
0x9: {  	[smem:$0x3FAB] =	sst s1  }
0xa: {  	[smem:$0x3FAC] =	sst s2  }
0xb: {  	[smem:$0x3FAD] =	sst s3  }
0xc: {  	[smem:$0x3FAE] =	sst s4  }
0xd: {  	[smem:$0x3FAF] =	sst s5  }
0xe: {  	[smem:$0x3FB0] =	sst s6  }
0xf: {  	[smem:$0x3FB1] =	sst s7  }
0x10: {  	[smem:$0x3FB2] =	sst s8  }
0x11: {  	[smem:$0x3FB3] =	sst s9;
	s0 =	simm.s32 @!p0 $0x0  }
0x12: {  	s1 =	sld [smem:$0x3F99];
	s0 =	simm.s32 @p0 $0x1  }
0x13: {  	[smem:$0x3FB4] =	sst s0;
	s0 =	simm.s32 @!p1 $0x0  }
0x14: {  	s2 =	sld [smem:$0x3F98];
	s0 =	simm.s32 @p1 $0x1  }
0x15: {  	[smem:$0x3FB5] =	sst s0;
	s0 =	simm.s32 @!p2 $0x0  }
0x16: {  	s3 =	sld [smem:$0x3FDB];
	s0 =	simm.s32 @p2 $0x1  }
0x17: {  	s4 =	simm.s32 $0x1BF5;
	[smem:$0x3FB7] =	sst s0  }
0x18: {  	s0 =	sld [smem:$0x3F9A];
	_ =	swait.ge [sflag:s4], $0x0  }
0x19: {  	s7 =	sld [smem:$0x3F9B]  }
0x1a: {  	s8 =	sadd.s32 $0xFFFFE003, lr  }
0x1b: {  	s9 =	sadd.s32 $0xFFFFFEF7, lr;
	s5 =	simm.s32 $0xFFFFFFFF;
	p2 =	slt.u32 s8, $0xFFFFF086  }
0x1c: {  	p1 =	slt.u32 s9, $0xF7A;
	s5 =	simm.s32 @!p2 $0x0  }
0x1d: {  	s5 =	simm.s32 @p1 $0x1;
	p0 =	seq.s32 s7, s2  }
0x1e: {  	s7 =	smul.u32 @!p0 $0xF7A, s2;
	p2 =	seq.s32 @!p0 s5, $0x0  }
0x1f: {  	s9 =	smul.u32 $0xF7A, s1;
	s8 =	simm.s32 @!p0 $0x1BF5;
	p2 =	por !p2, p0  }
0x20: {  	[sflag:s8] =	ssyncset.s32 @!p0 $0xFFFFF086;
	s6 =	sadd.s32 @!p0 s3, s7;
	s7 =	simm.s32 @!p0 $0x108  }
0x21: {  	s3 =	sadd.s32 s3, s9;
	s6 =	sadd.s32 @!p0 $0x88, s6;
	s7 =	simm.s32 @p2 $0x1082  }
0x22: {  	[simem:s7], [sflag:s8] =	dma.local @!p0 [hbm:s6], $0xF7A  }
0x23: {  	s9 =	sor.u32 $0xD0000000, s2;
	s6 =	simm.s32 $0x108;
	_ =	swait.ge @!p0 [sflag:s8], $0x0  }
0x24: {  	s3 =	sadd.s32 $0x88, s3;
	s6 =	simm.s32 @!p1 $0x1082;
	[sflag:s4] =	ssyncset.s32 $0xFFFFF086  }
0x25: {  	[simem:s6], [sflag:s4] =	dma.local [hbm:s3], $0xF7A  }
0x26: {  	[smem:$0x3F9B] =	sst s1;
	(tag) =	ssettag s2;
	_ =	strace s9  }
0x27: {  	s1 =	sld [smem:$0x3FAB]  }
0x28: {  	s2 =	sld [smem:$0x3FAC]  }
0x29: {  	s4 =	sld [smem:$0x3FAE]  }
0x2a: {  	p0 =	seq.s32 s5, $0x0;
	s5 =	sld [smem:$0x3FAF]  }
0x2b: {  	s6 =	sld [smem:$0x3FB0]  }
0x2c: {  	s7 =	sld [smem:$0x3FB1]  }
0x2d: {  	s3 =	simm.s32 $0x108;
	s8 =	sld [smem:$0x3FB2]  }
0x2e: {  	s3 =	simm.s32 @!p0 $0x1082;
	s9 =	sld [smem:$0x3FB3]  }
0x2f: {  	lr =	sadd.s32 s0, s3;
	s0 =	sld [smem:$0x3FAA]  }
0x30: {  	s3 =	sld [smem:$0x3FAD]  }
0x31: {  	[smem:$0x3FB6] =	sst s10  }
0x32: {  	s10 =	sld [smem:$0x3FB4];
	_ =	sdelay $0x3  }
0x33: {  	p0 =	seq.s32 s10, $0x1;
	s10 =	sld [smem:$0x3FB6];
	_ =	sdelay $0x3  }
0x34: {  	[smem:$0x3FB6] =	sst s10  }
0x35: {  	s10 =	sld [smem:$0x3FB5];
	_ =	sdelay $0x3  }
0x36: {  	p1 =	seq.s32 s10, $0x1;
	s10 =	sld [smem:$0x3FB6];
	_ =	sdelay $0x3  }
0x37: {  	[smem:$0x3FB6] =	sst s10  }
0x38: {  	s10 =	sld [smem:$0x3FB7]  }
0x39: {  	_ = 	snop;
	(pc) =	sbr.ind lr, $3  }
0x3a: {  	_ = 	snop  }
0x3b: {  	_ = 	snop  }
0x3c: {  	p2 =	seq.s32 s10, $0x1;
	s10 =	sld [smem:$0x3FB6]  }
0x3d: {  	_ =	shalt  }
0x3e: {  	_ =	shalt  }
0x3f: {  	_ =	shalt  }
0x40: {  	_ =	shalt  }
0x41: {  	_ =	shalt  }
0x42: {  	_ =	shalt  }
0x43: {  	_ =	shalt  }
0x44: {  	_ =	shalt  }
0x45: {  	_ =	shalt  }
0x46: {  	_ =	shalt  }
0x47: {  	_ =	shalt  }
0x48: {  	_ =	shalt  }
0x49: {  	_ =	shalt  }
0x4a: {  	_ =	shalt  }
0x4b: {  	_ =	shalt  }
0x4c: {  	_ =	shalt  }
0x4d: {  	_ =	shalt  }
0x4e: {  	_ =	shalt  }
0x4f: {  	_ =	shalt  }
0x50: {  	_ =	shalt  }
0x51: {  	_ =	shalt  }
0x52: {  	_ =	shalt  }
0x53: {  	_ =	shalt  }
0x54: {  	_ =	shalt  }
0x55: {  	_ =	shalt  }
0x56: {  	_ =	shalt  }
0x57: {  	_ =	shalt  }
0x58: {  	_ =	shalt  }
0x59: {  	_ =	shalt  }
0x5a: {  	_ =	shalt  }
0x5b: {  	_ =	shalt  }
0x5c: {  	_ =	shalt  }
0x5d: {  	_ =	shalt  }
0x5e: {  	_ =	shalt  }
0x5f: {  	_ =	shalt  }
0x60: {  	_ =	shalt  }
0x61: {  	_ =	shalt  }
0x62: {  	_ =	shalt  }
0x63: {  	_ =	shalt  }
0x64: {  	_ =	shalt  }
0x65: {  	_ =	shalt  }
0x66: {  	_ =	shalt  }
0x67: {  	_ =	shalt  }
0x68: {  	_ =	shalt  }
0x69: {  	_ =	shalt  }
0x6a: {  	_ =	shalt  }
0x6b: {  	_ =	shalt  }
0x6c: {  	_ =	shalt  }
0x6d: {  	_ =	shalt  }
0x6e: {  	_ =	shalt  }
0x6f: {  	_ =	shalt  }
0x70: {  	_ =	shalt  }
0x71: {  	_ =	shalt  }
0x72: {  	_ =	shalt  }
0x73: {  	_ =	shalt  }
0x74: {  	_ =	shalt  }
0x75: {  	_ =	shalt  }
0x76: {  	_ =	shalt  }
0x77: {  	_ =	shalt  }
0x78: {  	_ =	shalt  }
0x79: {  	_ =	shalt  }
0x7a: {  	_ =	shalt  }
0x7b: {  	_ =	shalt  }
0x7c: {  	_ =	shalt  }
0x7d: {  	_ =	shalt  }
0x7e: {  	_ =	shalt  }
0x7f: {  	_ =	shalt  }
0x80: {  	_ =	shalt  }
0x81: {  	_ =	shalt  }
0x82: {  	_ =	shalt  }
0x83: {  	_ =	shalt  }
0x84: {  	_ =	shalt  }
0x85: {  	_ =	shalt  }
0x86: {  	_ =	shalt  }
0x87: {  	_ =	shalt  }
.Lfunc_end0:
.L_simem_size_0:
called_computation_lowered:
.L_overlay_start_0:
0x88: {  	s2 =	sld [smem:$0x3FD9]  }
0x89: {  	s3 =	sld [smem:$0x3FFE];
	_ =	sdelay $0x1  }
0x8a: {  	s1 =	srdreg.scid  }
0x8b: {  	s0 =	sand.u32 $0x1, s1  }
0x8c: {  	s17 =	sshll.u32 s0, $0xA;
	s2 =	sadd.s32 s3, s2  }
0x8d: {  	s2 =	sadd.s32 s2, s17  }
0x8e: {  	[smem:$0x3FC2] =	sst s2  }
0x8f: {  	_ = 	snop  }
0x90: {  	s2 =	sld [smem:$0x3FD0];
	(tm) =	ssettm $0x1  }
0x91: {  	s18 =	sld [smem:$0x3FFB];
	_ =	sdelay $0x3  }
0x92: {  	_ =	strace s18  }
0x93: {  	s3 =	sld [smem:$0x3FFC];
	_ =	sdelay $0x3  }
0x94: {  	_ =	strace s3  }
0x95: {  	s3 =	sld [smem:$0x3FFD];
	_ =	sdelay $0x3  }
0x96: {  	_ =	strace s3  }
0x97: {  	_ =	strace $0x8FFFFFFF  }
0x98: {  	s19 =	sld [smem:$0x3FDB];
	_ =	sdelay $0x1  }
0x99: {  	s4 =	simm.s32 $_scs_section_size  }
0x9a: {  	s5 =	simm.s32 $_size__tile_overlayer_lowered;
	s6 =	simm.s32 $_tile_overlayer_lowered  }
0x9b: {  	s22 =	simm.s32 $0x1BFF;
	s21 =	sshll.u32 s6, $0x1;
	s3 =	sadd.s32 s4, s19  }
0x9c: {  	s7 =	simm.s32 $0x0;
	s20 =	sshll.u32 s5, $0x1;
	s5 =	sadd.s32 s21, s3  }
0x9d: {  	[timem:s7], [sflag:s22] =	dma.local [hbm:s5], s20  }
0x9e: {  	_ =	swait.ge [sflag:s22], s20  }
0x9f: {  	s4 =	ssub.s32 $0x0, s20;
	[sflag:s22] =	ssyncset.done $0x0  }
0xa0: {  	[sflag:s22] =	ssyncadd.s32 s4;
	_ =	sdelay $0x1  }
0xa1: {  	s23 =	simm.s32 $0x1B8B  }
0xa2: {  	_ =	swait.ge [sflag:s23], $0x1  }
0xa3: {  	[sflag:s23] =	ssyncset.done $0x0  }
0xa4: {  	s25 =	simm.s32 $0x1B8E;
	s24 =	sld [smem:$0x3FFE];
	[sflag:s23] =	ssyncadd.s32 $0xFFFFFFFF  }
0xa5: {  	s26 =	simm.s32 $execute0_lowered;
	[smem:$0x3FD2] =	sst s25  }
0xa6: {  	s5 =	sshll.u32 s26, $0x1;
	_ =	strace $0x80000046;
	[dreg:$0x1] =	wrdreg $0xFFFFFFFF  }
0xa7: {  	s28 =	simm.s32 $_size_execute0_lowered;
	s3 =	sadd.s32 s3, s5;
	[dreg:$0x0] =	wrdreg $0x0  }
0xa8: {  	s5 =	sshll.u32 s28, $0x1;
	[dreg:$0x2] =	wrdreg s3  }
0xa9: {  	[dreg:$0x3] =	wrdreg s5  }
0xaa: {  	[dreg:$0x4] =	wrdreg $0xC0  }
0xab: {  	_ =	task [dreg:s7], $0x5FFFF  }
0xac: {  	[dreg:$0x1] =	wrdreg $0xFFFFFFFF  }
0xad: {  	[dreg:$0x0] =	wrdreg $0x60  }
0xae: {  	[dreg:$0x2] =	wrdreg s24  }
0xaf: {  	[dreg:$0x3] =	wrdreg s2  }
0xb0: {  	[dreg:$0x4] =	wrdreg $0x2C800  }
0xb1: {  	[dreg:$0x5] =	wrdreg $0x9  }
0xb2: {  	_ =	task.clear_ibuf [dreg:s7], $0x6FFFF;
	_ =	strace $0x90000046  }
0xb3: {  	s29 =	simm.s32 $0x9;
	_ =	strace $0x80000048  }
0xb4: {  	_ =	swait.ge [sflag:s29], $0x1  }
0xb5: {  	[sflag:s29] =	ssyncadd.s32 $0xFFFFFFFF  }
0xb6: {  	_ =	strace $0x90000048  }
0xb7: {  	_ =	sfence  }
0xb8: {  	s30 =	sld [smem:$0x0];
	_ =	sdelay $0x2  }
0xb9: {  	s31 =	sshll.u32 s1, $0xD;
	s1 =	sshrl.u32 s1, $0x2  }
0xba: {  	s3 =	sand.u32 $0x4000, s31;
	s1 =	sadd.s32 s1, s30  }
0xbb: {  	s0 =	sor.u32 s3, s0;
	s1 =	sshll.u32 s1, $0x11  }
0xbc: {  	s0 =	sor.u32 s1, s0  }
0xbd: {  	s0 =	sadd.s32 $0x8F2B, s0  }
0xbe: {  	[sflag:s0] =	ssyncadd.remote.s32 $0x1  }
0xbf: {  	_ =	sfence.sel $0xFFFF  }
0xc0: {  	[dreg:$0x0] =	wrdreg $0xFFFFFFFF;
	(pc) =	sbr.abs _section_cstart, $3  }
0xc1: {  	[dreg:$0x1] =	wrdreg $0xFFFFFFFF  }
0xc2: {  	_ =	task.clear_ibuf [dreg:s7], $0x2FFFF;
	_ =	strace $0x9FFFFFFF  }
0xc3: {  	(tm) =	ssettm $0x7FFFFFFF  }
tec
execute0_lowered:
.L_overlay_start_1:
0x0: {  	(tag) =	ssettag $0x1  }
0x1: {  	s4 =	rddreg [dreg:$0x0]  }
0x2: {  	s7 =	rddreg [dreg:$0x1]  }
0x3: {  	s0 =	srdreg.scid;
	s2 =	rddreg [dreg:$0x2]  }
0x4: {  	s1 =	stileid.u32;
	s3 =	simm.s32 $0x0;
	s13 =	simm.s32 $0x80  }
0x5: {  	s14 =	simm.s32 $0x1;
	s5 =	sand.u32 $0x1, s0;
	s0 =	rddreg [dreg:$0x3]  }
0x6: {  	s15 =	simm.s32 $0x0;
	s8 =	smul.u32 $0x280, s1;
	[smem:$0x7FF] =	sst s3  }
0x7: {  	s31 =	sshll.u32 s1, $0x6;
	s6 =	sshll.u32 s5, $0x4;
	_ =	strace $0x80000047  }
0x8: {  	s10 =	smul.u32 $0x2800, s5;
	s5 =	ssub.s32 $0x2, s5;
	s6 =	sor.u32 s1, s6  }
0x9: {  	s9 =	sshrl.u32 s8, $0x3;
	s11 =	sshrl.u32 s5, $0x1;
	s12 =	sadd.s32 s8, s2  }
0xa: {  	s6 =	smul.u32 $0x580, s6;
	s9 =	sadd.s32 s9, s4;
	s10 =	sadd.s32 s8, s10  }
0xb: {  	s11 =	ssub.s32 s5, s11;
	s12 =	sshrl.u32 s12, $0x3;
	s10 =	sshrl.u32 s10, $0x3  }
0xc: {  	s8 =	smax.u32 s11, $0x1;
	s11 =	sor.u32 $0x1C02, s31;
	s6 =	sadd.s32 s6, s4  }
0xd: {  	s4 =	sadd.s32 $0x17200, s4;
	s7 =	sadd.s32 s7, s10;
	s10 =	simm.s32 $0x2C00  }
0xe: {  	s5 =	sadd.s32 $0xBC00, s6;
	s6 =	sadd.s32 $0x16C00, s9;
	s9 =	simm.s32 $0x2  }
.LBB2_1:
0xf: {  	[tilespmem:s3], [sflag:$0x2] =	stream.linear.gather [hbm4b:s5+s3], $0x2A00, $0x38;
	[tilespmem:$0x2F00] =	vst v63  }
0x10: {  	_ =	swait.ge [sflag:s9], $0x2A00  }
0x11: {  	[sflag:s9] =	ssyncset.done $0x0  }
0x12: {  	[sflag:s9] =	ssyncadd.s32 $0xFFFFD600  }
0x13: {  	[tilespmem:s10], [sflag:$0x2] =	stream.linear.gather [hbm4b:s4+s3], $0x80, $0x38;
	[tilespmem:$0x2F00] =	vst v63  }
0x14: {  	_ =	swait.ge [sflag:s9], $0x80  }
0x15: {  	[sflag:s9] =	ssyncset.done $0x0  }
0x16: {  	[sflag:s9] =	ssyncadd.s32 $0xFFFFFF80  }
0x17: {  	[spmem:s12], [sflag:s11] =	dma.local [hbm:s6], $0x50  }
0x18: {  	_ =	swait.ge [sflag:s9], $0x50  }
0x19: {  	[sflag:s9] =	ssyncset.done $0x0  }
0x1a: {  	[sflag:s9] =	ssyncadd.s32 $0xFFFFFFB0  }
0x1b: {  	s16 =	simm.s32 $0x0;
	[bflag:$0x0] =	sbarrier.arrive $0xFFFF  }
.LBB2_2:
0x1c: {  	p0 =	sne.s32 s16, $0xA600  }
.Ltmp0:
0x1d: {  	_ = 	snop;
	(pc) =	sbr.rel @p0 .LBB2_2-.Ltmp0, $3  }
0x1e: {  	_ =	sdelay $0x1  }
0x1f: {  	s17 =	sshra.s32 s16, $0x2;
	s16 =	sadd.s32 $0x200, s16  }
0x20: {  	[spmem:s2] =	stream.indirect.scatter.add.f32 [tilespmem:s10], [sflag:$0x1], $0x1, s17, s13, $0xb8;
	[tilespmem:$0x2F00] =	vst v63  }
0x21: {  	_ =	swait.ge [sflag:s14], $0x80  }
0x22: {  	s16 =	simm.s32 $0x53;
	[sflag:s14] =	ssyncset.done $0x0  }
.LBB2_4:
0x23: {  	p0 =	sne.s32 s16, $0x1;
	s16 =	sadd.s32 $0xFFFFFFFF, s16;
	[sflag:s14] =	ssyncadd.s32 $0xFFFFFF80  }
.Ltmp1:
0x24: {  	(pc) =	sbr.rel @p0 .LBB2_4-.Ltmp1, $3  }
0x25: {  	_ =	sdelay $0x1  }
0x26: {  	_ =	swait.ge [sflag:s14], $0x80  }
0x27: {  	[sflag:s14] =	ssyncset.done $0x0  }
0x28: {  	s15 =	sadd.s32 $0x1, s15  }
0x29: {  	[sflag:s14] =	ssyncadd.s32 $0xFFFFFF80;
	p0 =	sne.s32 s15, s8  }
.Ltmp2:
0x2a: {  	[bflag:$0x0] =	sbarrier.arrive $0xFFFF;
	(pc) =	sbr.rel @p0 .LBB2_1-.Ltmp2, $4  }
0x2b: {  	[hbm:s7], [sflag:s11] =	dma.local [spmem:s12], $0x50  }
0x2c: {  	_ =	swait.ge [sflag:s9], $0x50  }
0x2d: {  	[sflag:s9] =	ssyncset.done $0x0  }
0x2e: {  	[sflag:s9] =	ssyncadd.s32 $0xFFFFFFB0  }
0x2f: {  	_ =	sfence.sel $0x180000  }
0x30: {  	[bflag:$0x0] =	sbarrier.arrive $0xFFFF  }
0x31: {  	p0 =	sne.s32 s1, $0x0;
	_ =	strace $0x90000047  }
0x32: {  	s0 =	sadd.s32 @!p0 $0x100000, s0;
	[bflag:$0x2] =	sbarrier.arrive $0xFFFF  }
0x33: {  	[sflag:s0] =	ssyncadd.tile.s32 @!p0 $0x1;
	_ =	shalt  }
.Lfunc_end2:
_tile_overlayer_lowered:
.L_overlay_start_2:
0x34: {  	(tag) =	ssettag $0x2  }
0x35: {  	s0 =	rddreg [dreg:$0x0];
	s2 =	stileid.u32  }
0x36: {  	s1 =	rddreg [dreg:$0x1];
	p0 =	sne.s32 s2, $0x0  }
0x37: {  	s3 =	rddreg [dreg:$0x2];
	[bflag:$0x3] =	sbarrier.arrive $0xFFFF;
	s2 =	simm.s32 @!p0 $0x1C02  }
0x38: {  	[timem:s3], [sflag:s2] =	dma.local @!p0 [hbm:s0], s1  }
0x39: {  	s0 =	simm.s32 @!p0 $0x2  }
0x3a: {  	_ =	swait.ge @!p0 [sflag:s0], s1  }
0x3b: {  	s1 =	ssub.s32 @!p0 $0x0, s1;
	[sflag:s0] =	ssyncset.done @!p0 $0x0  }
0x3c: {  	[sflag:s0] =	ssyncadd.s32 @!p0 s1  }
0x3d: {  	[bflag:$0x3] =	sbarrier.arrive $0xFFFF  }
0x3e: {  	_ =	shalt  }

</sc_bundles>
